<compile_context>
chip_gen: v7x
topology: tpu7x:2x2x1
jax: 0.10.2.dev20260603
libtpu: 0.0.44.dev20260713+nightly
codegen_flags: <defaults>
</compile_context>

<pallas_src>
import jax
import jax.numpy as jnp
from jax import lax
from jax.experimental import pallas as pl
from jax.experimental.pallas import tpu as pltpu
from jax.experimental.pallas import tpu_sc as plsc

_R = 1024
_N = 100000
_L = 16
_NC = 2
_NS = 16
_NW = _NC * _NS
_SCR = 512
_TCR = _R - _SCR
_GPW = _SCR // (_NW * 8)
_TCB = 32
_TCC = 512
_NFULL = _N // _TCC * _TCC

_CW = 3200
_NCH = 31
_MAIN = _NCH * _CW
_TW = 1024
_CVEC = _CW // _L
_TVEC = _TW // _L
_CAND = 128
_TOP_K = 5
_MIN_ACT = 0.5
_NEG = float(-jnp.inf)


def _sc_body(x_hbm, tail_hbm, cand_hbm, cb, tb, tops_buf, out_buf,
             sem0, sem1, semt):
    cid = lax.axis_index("c")
    sid = lax.axis_index("s")
    wid = cid * _NS + sid
    neg = jnp.full((_L,), _NEG, jnp.float32)
    sems = (sem0, sem1)

    def chunk_copy(grp, c, par, sem):
        return pltpu.make_async_copy(
            x_hbm.at[pl.ds(grp * 8, 8), pl.ds(c * _CW, _CW)],
            cb.at[par], sem)

    def scan_quad(buf, par, i, nvec, tops):

        def vec_step(j, t):
            t = list(t)
            xs = [buf[par, i + q, pl.ds(j * _L, _L)] for q in range(4)]
            for lev in range(5):
                for q in range(4):
                    m = jnp.maximum(t[lev * 4 + q], xs[q])
                    if lev < 4:
                        xs[q] = jnp.minimum(t[lev * 4 + q], xs[q])
                    t[lev * 4 + q] = m
            return tuple(t)

        return plsc.parallel_loop(0, nvec, unroll=2, carry=tops)(vec_step)

    def load_tops(i):
        return tuple(tops_buf[i + q, k] for k in range(5) for q in range(4))

    def store_tops(i, tops):
        for k in range(5):
            for q in range(4):
                tops_buf[i + q, k] = tops[k * 4 + q]

    def group_step(g, carry):
        grp = wid * _GPW + g

        for i in range(8):
            for k in range(5):
                tops_buf[i, k] = neg
        chunk_copy(grp, 0, 0, sem0).start()
        pltpu.make_async_copy(tail_hbm.at[pl.ds(grp * 8, 8)], tb.at[0], semt).start()

        def chunk_step(c, carry):
            par = lax.rem(c, 2)

            @pl.when(par == 0)
            def _():
                chunk_copy(grp, c, 0, sem0).wait()

            @pl.when(par == 1)
            def _():
                chunk_copy(grp, c, 1, sem1).wait()

            npar = lax.rem(c + 1, 2)

            @pl.when((c + 1 < _NCH) & (npar == 0))
            def _():
                chunk_copy(grp, c + 1, 0, sem0).start()

            @pl.when((c + 1 < _NCH) & (npar == 1))
            def _():
                chunk_copy(grp, c + 1, 1, sem1).start()

            for i in range(0, 8, 4):
                tops = load_tops(i)
                tops = scan_quad(cb, par, i, _CVEC, tops)
                store_tops(i, tops)
            return carry

        lax.fori_loop(0, _NCH, chunk_step, jnp.int32(0))

        pltpu.make_async_copy(tail_hbm.at[pl.ds(grp * 8, 8)], tb.at[0], semt).wait()
        for i in range(0, 8, 4):
            tops = load_tops(i)
            tops = scan_quad(tb, 0, i, _TVEC, tops)
            for k in range(5):
                for q in range(4):
                    out_buf[i + q, pl.ds(k * _L, _L)] = tops[k * 4 + q]
            for k in range(5, 8):
                for q in range(4):
                    out_buf[i + q, pl.ds(k * _L, _L)] = neg
        pltpu.sync_copy(out_buf, cand_hbm.at[pl.ds(grp * 8, 8)])
        return carry

    lax.fori_loop(0, _GPW, group_step, jnp.int32(0))


def _tc_body(cand_ref, out_ref):
    x = cand_ref[...]
    col = lax.broadcasted_iota(jnp.int32, x.shape, 1)
    s = jnp.zeros((x.shape[0], 1), jnp.float32)
    for _ in range(_TOP_K):
        m = jnp.max(x, axis=1, keepdims=True)
        idx = jnp.min(jnp.where(x == m, col, jnp.int32(_CAND)),
                      axis=1, keepdims=True)
        x = jnp.where(col == idx, jnp.float32(_NEG), x)
        s = s + m
    loss = jnp.maximum(jnp.float32(_MIN_ACT) - s * jnp.float32(1.0 / _TOP_K),
                       jnp.float32(0.0))
    out_ref[...] = jnp.reshape(jnp.sum(loss), (1, 1))


def _tc_stream_body(x_ref, out_ref):
    neg = jnp.full((_TCB, _TCC), _NEG, jnp.float32)
    nchunk = _NFULL // _TCC

    def chunk_step(c, tops):
        t0, t1, t2, t3, t4 = tops
        x = x_ref[:, pl.ds(c * _TCC, _TCC)]
        m0 = jnp.maximum(t0, x)
        cx = jnp.minimum(t0, x)
        m1 = jnp.maximum(t1, cx)
        cx = jnp.minimum(t1, cx)
        m2 = jnp.maximum(t2, cx)
        cx = jnp.minimum(t2, cx)
        m3 = jnp.maximum(t3, cx)
        cx = jnp.minimum(t3, cx)
        m4 = jnp.maximum(t4, cx)
        return (m0, m1, m2, m3, m4)

    tops = lax.fori_loop(0, nchunk, chunk_step, (neg, neg, neg, neg, neg))
    xt = x_ref[:, pl.ds(_NFULL, _N - _NFULL)]
    xt = jnp.concatenate(
        [xt, jnp.full((_TCB, _TCC - (_N - _NFULL)), _NEG, jnp.float32)],
        axis=1)
    t0, t1, t2, t3, t4 = tops
    m0 = jnp.maximum(t0, xt)
    cx = jnp.minimum(t0, xt)
    m1 = jnp.maximum(t1, cx)
    cx = jnp.minimum(t1, cx)
    m2 = jnp.maximum(t2, cx)
    cx = jnp.minimum(t2, cx)
    m3 = jnp.maximum(t3, cx)
    cx = jnp.minimum(t3, cx)
    m4 = jnp.maximum(t4, cx)

    cat = jnp.concatenate([m0, m1, m2, m3, m4], axis=1)
    col = lax.broadcasted_iota(jnp.int32, cat.shape, 1)
    s = jnp.zeros((_TCB, 1), jnp.float32)
    for _ in range(_TOP_K):
        m = jnp.max(cat, axis=1, keepdims=True)
        idx = jnp.min(jnp.where(cat == m, col, jnp.int32(5 * _TCC)),
                      axis=1, keepdims=True)
        cat = jnp.where(col == idx, jnp.float32(_NEG), cat)
        s = s + m
    loss = jnp.maximum(jnp.float32(_MIN_ACT) - s * jnp.float32(1.0 / _TOP_K),
                       jnp.float32(0.0))
    out_ref[...] = jnp.reshape(jnp.sum(loss), (1, 1, 1))


@jax.jit
def kernel(sparse_repr):
    tail = jnp.concatenate(
        [sparse_repr[:_SCR, _MAIN:],
         jnp.full((_SCR, _TW - (_N - _MAIN)), _NEG, jnp.float32)], axis=1)
    mesh = plsc.VectorSubcoreMesh(core_axis_name="c", subcore_axis_name="s")
    cand = pl.kernel(
        _sc_body,
        out_type=jax.ShapeDtypeStruct((_SCR, _CAND), jnp.float32),
        mesh=mesh,
        scratch_types=[
            pltpu.VMEM((2, 8, _CW), jnp.float32),
            pltpu.VMEM((1, 8, _TW), jnp.float32),
            pltpu.VMEM((8, 5, _L), jnp.float32),
            pltpu.VMEM((8, _CAND), jnp.float32),
            pltpu.SemaphoreType.DMA,
            pltpu.SemaphoreType.DMA,
            pltpu.SemaphoreType.DMA,
        ],
    )(sparse_repr, tail)
    tc_part = pl.pallas_call(
        _tc_stream_body,
        grid=(_TCR // _TCB,),
        in_specs=[pl.BlockSpec((_TCB, _N), lambda i: (i + _SCR // _TCB, 0))],
        out_specs=pl.BlockSpec((1, 1, 1), lambda i: (i, 0, 0)),
        out_shape=jax.ShapeDtypeStruct((_TCR // _TCB, 1, 1), jnp.float32),
    )(sparse_repr)
    sc_part = pl.pallas_call(
        _tc_body,
        out_shape=jax.ShapeDtypeStruct((1, 1), jnp.float32),
        in_specs=[pl.BlockSpec(memory_space=pltpu.VMEM)],
        out_specs=pl.BlockSpec(memory_space=pltpu.VMEM),
    )(cand)
    return (sc_part[0, 0] + jnp.sum(tc_part)) * jnp.float32(1.0 / _R)

# --- scband reference (transcript-rebuilt; emitter-appended) ---
"""Pipeline reference for scband-minimum-activation-loss-30700426232084 (READ-ONLY COPY).

The authoritative reference and input builder live on the scoring server;
editing this copy changes nothing except your own understanding.
"""

import jax, jax.numpy as jnp
import numpy as np

TOP_K = 5
MIN_ACTIVATION = 0.5

def setup_inputs(seed: int = 0) -> dict:
    key = jax.random.key(seed)
    sparse_repr = jax.random.normal(key, (1024, 100000), dtype=jnp.float32)
    return {"sparse_repr": sparse_repr}

def reference(sparse_repr):
    top_k_values, _ = jax.lax.top_k(sparse_repr, TOP_K)
    mean_top_k = top_k_values.mean(axis=-1)
    loss = jax.nn.relu(MIN_ACTIVATION - mean_top_k)
    return loss.mean()

if __name__ == "__main__":
    import jax
    _d = setup_inputs()
    print(jax.jit(kernel)(*tuple(_d.values())))

</pallas_src>

<mosaic_0001>
#map = affine_map<(d0, d1) -> (0, 0)>
module attributes {stable_mosaic.version = 14 : i64} {
  func.func @_sc_body(%arg0: i32, %arg1: i32, %arg2: memref<1024x100000xf32, #tpu.memory_space<hbm>>, %arg3: memref<512x1024xf32, #tpu.memory_space<hbm>>, %arg4: memref<512x128xf32, #tpu.memory_space<hbm>>, %arg5: memref<2x8x3200xf32, #tpu.memory_space<vmem>>, %arg6: memref<1x8x1024xf32, #tpu.memory_space<vmem>>, %arg7: memref<8x5x16xf32, #tpu.memory_space<vmem>>, %arg8: memref<8x128xf32, #tpu.memory_space<vmem>>, %arg9: memref<!tpu.dma_semaphore, #tpu.memory_space<semaphore_mem>>, %arg10: memref<!tpu.dma_semaphore, #tpu.memory_space<semaphore_mem>>, %arg11: memref<!tpu.dma_semaphore, #tpu.memory_space<semaphore_mem>>) attributes {dimension_semantics = [#tpu.dimension_semantics<core_parallel>, #tpu.dimension_semantics<subcore_parallel>], iteration_bounds = array<i64: 2, 16>, scalar_prefetch = 0 : i64, scratch_operands = 7 : i64, tpu.core_type = #tpu.core_type<sc_vector_subcore>, window_params = [{transform_indices = #map}, {transform_indices = #map}, {transform_indices = #map}]} {
    %mul3A = arith.constant 16 : i32
    %mul3A_0 = arith.muli %arg0, %mul3A : i32
    %add3A = arith.addi %mul3A_0, %arg1 : i32
    %broadcast_in_dim3A = arith.constant 0xFF800000 : f32
    %broadcast_in_dim3A_1 = vector.broadcast %broadcast_in_dim3A : f32 to vector<16xf32>
    %scan3A = arith.constant 0 : i32
    %scan3A_2 = arith.constant 0 : i32
    %scan3A_3 = arith.constant 2 : i32
    %scan3A_4 = arith.addi %scan3A_2, %scan3A_3 : i32
    %scan3A_5 = arith.constant 1 : i32
    scf.for %scan3A_7 = %scan3A_2 to %scan3A_4 step %scan3A_5  : i32 {
      %mul3A_8 = arith.constant 2 : i32
      %mul3A_9 = arith.muli %add3A, %mul3A_8 : i32
      %add3A_10 = arith.addi %mul3A_9, %scan3A_7 : i32
      %swap3A = arith.constant 0 : i32
      %swap3A_11 = arith.constant 0 : i32
      %swap3A_12 = arith.index_cast %swap3A : i32 to index
      %swap3A_13 = arith.index_cast %swap3A_11 : i32 to index
      %swap3A_14 = arith.constant 0 : index
      %swap3A_15 = tpu.vector_load %arg7[%swap3A_12, %swap3A_13, %swap3A_14] {strides = array<i32>} : memref<8x5x16xf32, #tpu.memory_space<vmem>>, vector<1x1x16xf32>,
      %swap3A_16 = vector.shape_cast %swap3A_15 : vector<1x1x16xf32> to vector<16xf32>
      %swap3A_17 = vector.shape_cast %broadcast_in_dim3A_1 : vector<16xf32> to vector<1x1x16xf32>
      tpu.vector_store %arg7[%swap3A_12, %swap3A_13, %swap3A_14], %swap3A_17 {strides = array<i32>} : memref<8x5x16xf32, #tpu.memory_space<vmem>>, vector<1x1x16xf32>,
      %swap3A_18 = arith.constant 0 : i32
      %swap3A_19 = arith.constant 1 : i32
      %swap3A_20 = arith.index_cast %swap3A_18 : i32 to index
      %swap3A_21 = arith.index_cast %swap3A_19 : i32 to index
      %swap3A_22 = arith.constant 0 : index
      %swap3A_23 = tpu.vector_load %arg7[%swap3A_20, %swap3A_21, %swap3A_22] {strides = array<i32>} : memref<8x5x16xf32, #tpu.memory_space<vmem>>, vector<1x1x16xf32>,
      %swap3A_24 = vector.shape_cast %swap3A_23 : vector<1x1x16xf32> to vector<16xf32>
      %swap3A_25 = vector.shape_cast %broadcast_in_dim3A_1 : vector<16xf32> to vector<1x1x16xf32>
      tpu.vector_store %arg7[%swap3A_20, %swap3A_21, %swap3A_22], %swap3A_25 {strides = array<i32>} : memref<8x5x16xf32, #tpu.memory_space<vmem>>, vector<1x1x16xf32>,
      %swap3A_26 = arith.constant 0 : i32
      %swap3A_27 = arith.constant 2 : i32
      %swap3A_28 = arith.index_cast %swap3A_26 : i32 to index
      %swap3A_29 = arith.index_cast %swap3A_27 : i32 to index
      %swap3A_30 = arith.constant 0 : index
      %swap3A_31 = tpu.vector_load %arg7[%swap3A_28, %swap3A_29, %swap3A_30] {strides = array<i32>} : memref<8x5x16xf32, #tpu.memory_space<vmem>>, vector<1x1x16xf32>,
      %swap3A_32 = vector.shape_cast %swap3A_31 : vector<1x1x16xf32> to vector<16xf32>
      %swap3A_33 = vector.shape_cast %broadcast_in_dim3A_1 : vector<16xf32> to vector<1x1x16xf32>
      tpu.vector_store %arg7[%swap3A_28, %swap3A_29, %swap3A_30], %swap3A_33 {strides = array<i32>} : memref<8x5x16xf32, #tpu.memory_space<vmem>>, vector<1x1x16xf32>,
      %swap3A_34 = arith.constant 0 : i32
      %swap3A_35 = arith.constant 3 : i32
      %swap3A_36 = arith.index_cast %swap3A_34 : i32 to index
      %swap3A_37 = arith.index_cast %swap3A_35 : i32 to index
      %swap3A_38 = arith.constant 0 : index
      %swap3A_39 = tpu.vector_load %arg7[%swap3A_36, %swap3A_37, %swap3A_38] {strides = array<i32>} : memref<8x5x16xf32, #tpu.memory_space<vmem>>, vector<1x1x16xf32>,
      %swap3A_40 = vector.shape_cast %swap3A_39 : vector<1x1x16xf32> to vector<16xf32>
      %swap3A_41 = vector.shape_cast %broadcast_in_dim3A_1 : vector<16xf32> to vector<1x1x16xf32>
      tpu.vector_store %arg7[%swap3A_36, %swap3A_37, %swap3A_38], %swap3A_41 {strides = array<i32>} : memref<8x5x16xf32, #tpu.memory_space<vmem>>, vector<1x1x16xf32>,
      %swap3A_42 = arith.constant 0 : i32
      %swap3A_43 = arith.constant 4 : i32
      %swap3A_44 = arith.index_cast %swap3A_42 : i32 to index
      %swap3A_45 = arith.index_cast %swap3A_43 : i32 to index
      %swap3A_46 = arith.constant 0 : index
      %swap3A_47 = tpu.vector_load %arg7[%swap3A_44, %swap3A_45, %swap3A_46] {strides = array<i32>} : memref<8x5x16xf32, #tpu.memory_space<vmem>>, vector<1x1x16xf32>,
      %swap3A_48 = vector.shape_cast %swap3A_47 : vector<1x1x16xf32> to vector<16xf32>
      %swap3A_49 = vector.shape_cast %broadcast_in_dim3A_1 : vector<16xf32> to vector<1x1x16xf32>
      tpu.vector_store %arg7[%swap3A_44, %swap3A_45, %swap3A_46], %swap3A_49 {strides = array<i32>} : memref<8x5x16xf32, #tpu.memory_space<vmem>>, vector<1x1x16xf32>,
      %swap3A_50 = arith.constant 1 : i32
      %swap3A_51 = arith.constant 0 : i32
      %swap3A_52 = arith.index_cast %swap3A_50 : i32 to index
      %swap3A_53 = arith.index_cast %swap3A_51 : i32 to index
      %swap3A_54 = arith.constant 0 : index
      %swap3A_55 = tpu.vector_load %arg7[%swap3A_52, %swap3A_53, %swap3A_54] {strides = array<i32>} : memref<8x5x16xf32, #tpu.memory_space<vmem>>, vector<1x1x16xf32>,
      %swap3A_56 = vector.shape_cast %swap3A_55 : vector<1x1x16xf32> to vector<16xf32>
      %swap3A_57 = vector.shape_cast %broadcast_in_dim3A_1 : vector<16xf32> to vector<1x1x16xf32>
      tpu.vector_store %arg7[%swap3A_52, %swap3A_53, %swap3A_54], %swap3A_57 {strides = array<i32>} : memref<8x5x16xf32, #tpu.memory_space<vmem>>, vector<1x1x16xf32>,
      %swap3A_58 = arith.constant 1 : i32
      %swap3A_59 = arith.constant 1 : i32
      %swap3A_60 = arith.index_cast %swap3A_58 : i32 to index
      %swap3A_61 = arith.index_cast %swap3A_59 : i32 to index
      %swap3A_62 = arith.constant 0 : index
      %swap3A_63 = tpu.vector_load %arg7[%swap3A_60, %swap3A_61, %swap3A_62] {strides = array<i32>} : memref<8x5x16xf32, #tpu.memory_space<vmem>>, vector<1x1x16xf32>,
      %swap3A_64 = vector.shape_cast %swap3A_63 : vector<1x1x16xf32> to vector<16xf32>
      %swap3A_65 = vector.shape_cast %broadcast_in_dim3A_1 : vector<16xf32> to vector<1x1x16xf32>
      tpu.vector_store %arg7[%swap3A_60, %swap3A_61, %swap3A_62], %swap3A_65 {strides = array<i32>} : memref<8x5x16xf32, #tpu.memory_space<vmem>>, vector<1x1x16xf32>,
      %swap3A_66 = arith.constant 1 : i32
      %swap3A_67 = arith.constant 2 : i32
      %swap3A_68 = arith.index_cast %swap3A_66 : i32 to index
      %swap3A_69 = arith.index_cast %swap3A_67 : i32 to index
      %swap3A_70 = arith.constant 0 : index
      %swap3A_71 = tpu.vector_load %arg7[%swap3A_68, %swap3A_69, %swap3A_70] {strides = array<i32>} : memref<8x5x16xf32, #tpu.memory_space<vmem>>, vector<1x1x16xf32>,
      %swap3A_72 = vector.shape_cast %swap3A_71 : vector<1x1x16xf32> to vector<16xf32>
      %swap3A_73 = vector.shape_cast %broadcast_in_dim3A_1 : vector<16xf32> to vector<1x1x16xf32>
      tpu.vector_store %arg7[%swap3A_68, %swap3A_69, %swap3A_70], %swap3A_73 {strides = array<i32>} : memref<8x5x16xf32, #tpu.memory_space<vmem>>, vector<1x1x16xf32>,
      %swap3A_74 = arith.constant 1 : i32
      %swap3A_75 = arith.constant 3 : i32
      %swap3A_76 = arith.index_cast %swap3A_74 : i32 to index
      %swap3A_77 = arith.index_cast %swap3A_75 : i32 to index
      %swap3A_78 = arith.constant 0 : index
      %swap3A_79 = tpu.vector_load %arg7[%swap3A_76, %swap3A_77, %swap3A_78] {strides = array<i32>} : memref<8x5x16xf32, #tpu.memory_space<vmem>>, vector<1x1x16xf32>,
      %swap3A_80 = vector.shape_cast %swap3A_79 : vector<1x1x16xf32> to vector<16xf32>
      %swap3A_81 = vector.shape_cast %broadcast_in_dim3A_1 : vector<16xf32> to vector<1x1x16xf32>
      tpu.vector_store %arg7[%swap3A_76, %swap3A_77, %swap3A_78], %swap3A_81 {strides = array<i32>} : memref<8x5x16xf32, #tpu.memory_space<vmem>>, vector<1x1x16xf32>,
      %swap3A_82 = arith.constant 1 : i32
      %swap3A_83 = arith.constant 4 : i32
      %swap3A_84 = arith.index_cast %swap3A_82 : i32 to index
      %swap3A_85 = arith.index_cast %swap3A_83 : i32 to index
      %swap3A_86 = arith.constant 0 : index
      %swap3A_87 = tpu.vector_load %arg7[%swap3A_84, %swap3A_85, %swap3A_86] {strides = array<i32>} : memref<8x5x16xf32, #tpu.memory_space<vmem>>, vector<1x1x16xf32>,
      %swap3A_88 = vector.shape_cast %swap3A_87 : vector<1x1x16xf32> to vector<16xf32>
      %swap3A_89 = vector.shape_cast %broadcast_in_dim3A_1 : vector<16xf32> to vector<1x1x16xf32>
      tpu.vector_store %arg7[%swap3A_84, %swap3A_85, %swap3A_86], %swap3A_89 {strides = array<i32>} : memref<8x5x16xf32, #tpu.memory_space<vmem>>, vector<1x1x16xf32>,
      %swap3A_90 = arith.constant 2 : i32
      %swap3A_91 = arith.constant 0 : i32
      %swap3A_92 = arith.index_cast %swap3A_90 : i32 to index
      %swap3A_93 = arith.index_cast %swap3A_91 : i32 to index
      %swap3A_94 = arith.constant 0 : index
      %swap3A_95 = tpu.vector_load %arg7[%swap3A_92, %swap3A_93, %swap3A_94] {strides = array<i32>} : memref<8x5x16xf32, #tpu.memory_space<vmem>>, vector<1x1x16xf32>,
      %swap3A_96 = vector.shape_cast %swap3A_95 : vector<1x1x16xf32> to vector<16xf32>
      %swap3A_97 = vector.shape_cast %broadcast_in_dim3A_1 : vector<16xf32> to vector<1x1x16xf32>
      tpu.vector_store %arg7[%swap3A_92, %swap3A_93, %swap3A_94], %swap3A_97 {strides = array<i32>} : memref<8x5x16xf32, #tpu.memory_space<vmem>>, vector<1x1x16xf32>,
      %swap3A_98 = arith.constant 2 : i32
      %swap3A_99 = arith.constant 1 : i32
      %swap3A_100 = arith.index_cast %swap3A_98 : i32 to index
      %swap3A_101 = arith.index_cast %swap3A_99 : i32 to index
      %swap3A_102 = arith.constant 0 : index
      %swap3A_103 = tpu.vector_load %arg7[%swap3A_100, %swap3A_101, %swap3A_102] {strides = array<i32>} : memref<8x5x16xf32, #tpu.memory_space<vmem>>, vector<1x1x16xf32>,
      %swap3A_104 = vector.shape_cast %swap3A_103 : vector<1x1x16xf32> to vector<16xf32>
      %swap3A_105 = vector.shape_cast %broadcast_in_dim3A_1 : vector<16xf32> to vector<1x1x16xf32>
      tpu.vector_store %arg7[%swap3A_100, %swap3A_101, %swap3A_102], %swap3A_105 {strides = array<i32>} : memref<8x5x16xf32, #tpu.memory_space<vmem>>, vector<1x1x16xf32>,
      %swap3A_106 = arith.constant 2 : i32
      %swap3A_107 = arith.constant 2 : i32
      %swap3A_108 = arith.index_cast %swap3A_106 : i32 to index
      %swap3A_109 = arith.index_cast %swap3A_107 : i32 to index
      %swap3A_110 = arith.constant 0 : index
      %swap3A_111 = tpu.vector_load %arg7[%swap3A_108, %swap3A_109, %swap3A_110] {strides = array<i32>} : memref<8x5x16xf32, #tpu.memory_space<vmem>>, vector<1x1x16xf32>,
      %swap3A_112 = vector.shape_cast %swap3A_111 : vector<1x1x16xf32> to vector<16xf32>
      %swap3A_113 = vector.shape_cast %broadcast_in_dim3A_1 : vector<16xf32> to vector<1x1x16xf32>
      tpu.vector_store %arg7[%swap3A_108, %swap3A_109, %swap3A_110], %swap3A_113 {strides = array<i32>} : memref<8x5x16xf32, #tpu.memory_space<vmem>>, vector<1x1x16xf32>,
      %swap3A_114 = arith.constant 2 : i32
      %swap3A_115 = arith.constant 3 : i32
      %swap3A_116 = arith.index_cast %swap3A_114 : i32 to index
      %swap3A_117 = arith.index_cast %swap3A_115 : i32 to index
      %swap3A_118 = arith.constant 0 : index
      %swap3A_119 = tpu.vector_load %arg7[%swap3A_116, %swap3A_117, %swap3A_118] {strides = array<i32>} : memref<8x5x16xf32, #tpu.memory_space<vmem>>, vector<1x1x16xf32>,
      %swap3A_120 = vector.shape_cast %swap3A_119 : vector<1x1x16xf32> to vector<16xf32>
      %swap3A_121 = vector.shape_cast %broadcast_in_dim3A_1 : vector<16xf32> to vector<1x1x16xf32>
      tpu.vector_store %arg7[%swap3A_116, %swap3A_117, %swap3A_118], %swap3A_121 {strides = array<i32>} : memref<8x5x16xf32, #tpu.memory_space<vmem>>, vector<1x1x16xf32>,
      %swap3A_122 = arith.constant 2 : i32
      %swap3A_123 = arith.constant 4 : i32
      %swap3A_124 = arith.index_cast %swap3A_122 : i32 to index
      %swap3A_125 = arith.index_cast %swap3A_123 : i32 to index
      %swap3A_126 = arith.constant 0 : index
      %swap3A_127 = tpu.vector_load %arg7[%swap3A_124, %swap3A_125, %swap3A_126] {strides = array<i32>} : memref<8x5x16xf32, #tpu.memory_space<vmem>>, vector<1x1x16xf32>,
      %swap3A_128 = vector.shape_cast %swap3A_127 : vector<1x1x16xf32> to vector<16xf32>
      %swap3A_129 = vector.shape_cast %broadcast_in_dim3A_1 : vector<16xf32> to vector<1x1x16xf32>
      tpu.vector_store %arg7[%swap3A_124, %swap3A_125, %swap3A_126], %swap3A_129 {strides = array<i32>} : memref<8x5x16xf32, #tpu.memory_space<vmem>>, vector<1x1x16xf32>,
      %swap3A_130 = arith.constant 3 : i32
      %swap3A_131 = arith.constant 0 : i32
      %swap3A_132 = arith.index_cast %swap3A_130 : i32 to index
      %swap3A_133 = arith.index_cast %swap3A_131 : i32 to index
      %swap3A_134 = arith.constant 0 : index
      %swap3A_135 = tpu.vector_load %arg7[%swap3A_132, %swap3A_133, %swap3A_134] {strides = array<i32>} : memref<8x5x16xf32, #tpu.memory_space<vmem>>, vector<1x1x16xf32>,
      %swap3A_136 = vector.shape_cast %swap3A_135 : vector<1x1x16xf32> to vector<16xf32>
      %swap3A_137 = vector.shape_cast %broadcast_in_dim3A_1 : vector<16xf32> to vector<1x1x16xf32>
      tpu.vector_store %arg7[%swap3A_132, %swap3A_133, %swap3A_134], %swap3A_137 {strides = array<i32>} : memref<8x5x16xf32, #tpu.memory_space<vmem>>, vector<1x1x16xf32>,
      %swap3A_138 = arith.constant 3 : i32
      %swap3A_139 = arith.constant 1 : i32
      %swap3A_140 = arith.index_cast %swap3A_138 : i32 to index
      %swap3A_141 = arith.index_cast %swap3A_139 : i32 to index
      %swap3A_142 = arith.constant 0 : index
      %swap3A_143 = tpu.vector_load %arg7[%swap3A_140, %swap3A_141, %swap3A_142] {strides = array<i32>} : memref<8x5x16xf32, #tpu.memory_space<vmem>>, vector<1x1x16xf32>,
      %swap3A_144 = vector.shape_cast %swap3A_143 : vector<1x1x16xf32> to vector<16xf32>
      %swap3A_145 = vector.shape_cast %broadcast_in_dim3A_1 : vector<16xf32> to vector<1x1x16xf32>
      tpu.vector_store %arg7[%swap3A_140, %swap3A_141, %swap3A_142], %swap3A_145 {strides = array<i32>} : memref<8x5x16xf32, #tpu.memory_space<vmem>>, vector<1x1x16xf32>,
      %swap3A_146 = arith.constant 3 : i32
      %swap3A_147 = arith.constant 2 : i32
      %swap3A_148 = arith.index_cast %swap3A_146 : i32 to index
      %swap3A_149 = arith.index_cast %swap3A_147 : i32 to index
      %swap3A_150 = arith.constant 0 : index
      %swap3A_151 = tpu.vector_load %arg7[%swap3A_148, %swap3A_149, %swap3A_150] {strides = array<i32>} : memref<8x5x16xf32, #tpu.memory_space<vmem>>, vector<1x1x16xf32>,
      %swap3A_152 = vector.shape_cast %swap3A_151 : vector<1x1x16xf32> to vector<16xf32>
      %swap3A_153 = vector.shape_cast %broadcast_in_dim3A_1 : vector<16xf32> to vector<1x1x16xf32>
      tpu.vector_store %arg7[%swap3A_148, %swap3A_149, %swap3A_150], %swap3A_153 {strides = array<i32>} : memref<8x5x16xf32, #tpu.memory_space<vmem>>, vector<1x1x16xf32>,
      %swap3A_154 = arith.constant 3 : i32
      %swap3A_155 = arith.constant 3 : i32
      %swap3A_156 = arith.index_cast %swap3A_154 : i32 to index
      %swap3A_157 = arith.index_cast %swap3A_155 : i32 to index
      %swap3A_158 = arith.constant 0 : index
      %swap3A_159 = tpu.vector_load %arg7[%swap3A_156, %swap3A_157, %swap3A_158] {strides = array<i32>} : memref<8x5x16xf32, #tpu.memory_space<vmem>>, vector<1x1x16xf32>,
      %swap3A_160 = vector.shape_cast %swap3A_159 : vector<1x1x16xf32> to vector<16xf32>
      %swap3A_161 = vector.shape_cast %broadcast_in_dim3A_1 : vector<16xf32> to vector<1x1x16xf32>
      tpu.vector_store %arg7[%swap3A_156, %swap3A_157, %swap3A_158], %swap3A_161 {strides = array<i32>} : memref<8x5x16xf32, #tpu.memory_space<vmem>>, vector<1x1x16xf32>,
      %swap3A_162 = arith.constant 3 : i32
      %swap3A_163 = arith.constant 4 : i32
      %swap3A_164 = arith.index_cast %swap3A_162 : i32 to index
      %swap3A_165 = arith.index_cast %swap3A_163 : i32 to index
      %swap3A_166 = arith.constant 0 : index
      %swap3A_167 = tpu.vector_load %arg7[%swap3A_164, %swap3A_165, %swap3A_166] {strides = array<i32>} : memref<8x5x16xf32, #tpu.memory_space<vmem>>, vector<1x1x16xf32>,
      %swap3A_168 = vector.shape_cast %swap3A_167 : vector<1x1x16xf32> to vector<16xf32>
      %swap3A_169 = vector.shape_cast %broadcast_in_dim3A_1 : vector<16xf32> to vector<1x1x16xf32>
      tpu.vector_store %arg7[%swap3A_164, %swap3A_165, %swap3A_166], %swap3A_169 {strides = array<i32>} : memref<8x5x16xf32, #tpu.memory_space<vmem>>, vector<1x1x16xf32>,
      %swap3A_170 = arith.constant 4 : i32
      %swap3A_171 = arith.constant 0 : i32
      %swap3A_172 = arith.index_cast %swap3A_170 : i32 to index
      %swap3A_173 = arith.index_cast %swap3A_171 : i32 to index
      %swap3A_174 = arith.constant 0 : index
      %swap3A_175 = tpu.vector_load %arg7[%swap3A_172, %swap3A_173, %swap3A_174] {strides = array<i32>} : memref<8x5x16xf32, #tpu.memory_space<vmem>>, vector<1x1x16xf32>,
      %swap3A_176 = vector.shape_cast %swap3A_175 : vector<1x1x16xf32> to vector<16xf32>
      %swap3A_177 = vector.shape_cast %broadcast_in_dim3A_1 : vector<16xf32> to vector<1x1x16xf32>
      tpu.vector_store %arg7[%swap3A_172, %swap3A_173, %swap3A_174], %swap3A_177 {strides = array<i32>} : memref<8x5x16xf32, #tpu.memory_space<vmem>>, vector<1x1x16xf32>,
      %swap3A_178 = arith.constant 4 : i32
      %swap3A_179 = arith.constant 1 : i32
      %swap3A_180 = arith.index_cast %swap3A_178 : i32 to index
      %swap3A_181 = arith.index_cast %swap3A_179 : i32 to index
      %swap3A_182 = arith.constant 0 : index
      %swap3A_183 = tpu.vector_load %arg7[%swap3A_180, %swap3A_181, %swap3A_182] {strides = array<i32>} : memref<8x5x16xf32, #tpu.memory_space<vmem>>, vector<1x1x16xf32>,
      %swap3A_184 = vector.shape_cast %swap3A_183 : vector<1x1x16xf32> to vector<16xf32>
      %swap3A_185 = vector.shape_cast %broadcast_in_dim3A_1 : vector<16xf32> to vector<1x1x16xf32>
      tpu.vector_store %arg7[%swap3A_180, %swap3A_181, %swap3A_182], %swap3A_185 {strides = array<i32>} : memref<8x5x16xf32, #tpu.memory_space<vmem>>, vector<1x1x16xf32>,
      %swap3A_186 = arith.constant 4 : i32
      %swap3A_187 = arith.constant 2 : i32
      %swap3A_188 = arith.index_cast %swap3A_186 : i32 to index
      %swap3A_189 = arith.index_cast %swap3A_187 : i32 to index
      %swap3A_190 = arith.constant 0 : index
      %swap3A_191 = tpu.vector_load %arg7[%swap3A_188, %swap3A_189, %swap3A_190] {strides = array<i32>} : memref<8x5x16xf32, #tpu.memory_space<vmem>>, vector<1x1x16xf32>,
      %swap3A_192 = vector.shape_cast %swap3A_191 : vector<1x1x16xf32> to vector<16xf32>
      %swap3A_193 = vector.shape_cast %broadcast_in_dim3A_1 : vector<16xf32> to vector<1x1x16xf32>
      tpu.vector_store %arg7[%swap3A_188, %swap3A_189, %swap3A_190], %swap3A_193 {strides = array<i32>} : memref<8x5x16xf32, #tpu.memory_space<vmem>>, vector<1x1x16xf32>,
      %swap3A_194 = arith.constant 4 : i32
      %swap3A_195 = arith.constant 3 : i32
      %swap3A_196 = arith.index_cast %swap3A_194 : i32 to index
      %swap3A_197 = arith.index_cast %swap3A_195 : i32 to index
      %swap3A_198 = arith.constant 0 : index
      %swap3A_199 = tpu.vector_load %arg7[%swap3A_196, %swap3A_197, %swap3A_198] {strides = array<i32>} : memref<8x5x16xf32, #tpu.memory_space<vmem>>, vector<1x1x16xf32>,
      %swap3A_200 = vector.shape_cast %swap3A_199 : vector<1x1x16xf32> to vector<16xf32>
      %swap3A_201 = vector.shape_cast %broadcast_in_dim3A_1 : vector<16xf32> to vector<1x1x16xf32>
      tpu.vector_store %arg7[%swap3A_196, %swap3A_197, %swap3A_198], %swap3A_201 {strides = array<i32>} : memref<8x5x16xf32, #tpu.memory_space<vmem>>, vector<1x1x16xf32>,
      %swap3A_202 = arith.constant 4 : i32
      %swap3A_203 = arith.constant 4 : i32
      %swap3A_204 = arith.index_cast %swap3A_202 : i32 to index
      %swap3A_205 = arith.index_cast %swap3A_203 : i32 to index
      %swap3A_206 = arith.constant 0 : index
      %swap3A_207 = tpu.vector_load %arg7[%swap3A_204, %swap3A_205, %swap3A_206] {strides = array<i32>} : memref<8x5x16xf32, #tpu.memory_space<vmem>>, vector<1x1x16xf32>,
      %swap3A_208 = vector.shape_cast %swap3A_207 : vector<1x1x16xf32> to vector<16xf32>
      %swap3A_209 = vector.shape_cast %broadcast_in_dim3A_1 : vector<16xf32> to vector<1x1x16xf32>
      tpu.vector_store %arg7[%swap3A_204, %swap3A_205, %swap3A_206], %swap3A_209 {strides = array<i32>} : memref<8x5x16xf32, #tpu.memory_space<vmem>>, vector<1x1x16xf32>,
      %swap3A_210 = arith.constant 5 : i32
      %swap3A_211 = arith.constant 0 : i32
      %swap3A_212 = arith.index_cast %swap3A_210 : i32 to index
      %swap3A_213 = arith.index_cast %swap3A_211 : i32 to index
      %swap3A_214 = arith.constant 0 : index
      %swap3A_215 = tpu.vector_load %arg7[%swap3A_212, %swap3A_213, %swap3A_214] {strides = array<i32>} : memref<8x5x16xf32, #tpu.memory_space<vmem>>, vector<1x1x16xf32>,
      %swap3A_216 = vector.shape_cast %swap3A_215 : vector<1x1x16xf32> to vector<16xf32>
      %swap3A_217 = vector.shape_cast %broadcast_in_dim3A_1 : vector<16xf32> to vector<1x1x16xf32>
      tpu.vector_store %arg7[%swap3A_212, %swap3A_213, %swap3A_214], %swap3A_217 {strides = array<i32>} : memref<8x5x16xf32, #tpu.memory_space<vmem>>, vector<1x1x16xf32>,
      %swap3A_218 = arith.constant 5 : i32
      %swap3A_219 = arith.constant 1 : i32
      %swap3A_220 = arith.index_cast %swap3A_218 : i32 to index
      %swap3A_221 = arith.index_cast %swap3A_219 : i32 to index
      %swap3A_222 = arith.constant 0 : index
      %swap3A_223 = tpu.vector_load %arg7[%swap3A_220, %swap3A_221, %swap3A_222] {strides = array<i32>} : memref<8x5x16xf32, #tpu.memory_space<vmem>>, vector<1x1x16xf32>,
      %swap3A_224 = vector.shape_cast %swap3A_223 : vector<1x1x16xf32> to vector<16xf32>
      %swap3A_225 = vector.shape_cast %broadcast_in_dim3A_1 : vector<16xf32> to vector<1x1x16xf32>
      tpu.vector_store %arg7[%swap3A_220, %swap3A_221, %swap3A_222], %swap3A_225 {strides = array<i32>} : memref<8x5x16xf32, #tpu.memory_space<vmem>>, vector<1x1x16xf32>,
      %swap3A_226 = arith.constant 5 : i32
      %swap3A_227 = arith.constant 2 : i32
      %swap3A_228 = arith.index_cast %swap3A_226 : i32 to index
      %swap3A_229 = arith.index_cast %swap3A_227 : i32 to index
      %swap3A_230 = arith.constant 0 : index
      %swap3A_231 = tpu.vector_load %arg7[%swap3A_228, %swap3A_229, %swap3A_230] {strides = array<i32>} : memref<8x5x16xf32, #tpu.memory_space<vmem>>, vector<1x1x16xf32>,
      %swap3A_232 = vector.shape_cast %swap3A_231 : vector<1x1x16xf32> to vector<16xf32>
      %swap3A_233 = vector.shape_cast %broadcast_in_dim3A_1 : vector<16xf32> to vector<1x1x16xf32>
      tpu.vector_store %arg7[%swap3A_228, %swap3A_229, %swap3A_230], %swap3A_233 {strides = array<i32>} : memref<8x5x16xf32, #tpu.memory_space<vmem>>, vector<1x1x16xf32>,
      %swap3A_234 = arith.constant 5 : i32
      %swap3A_235 = arith.constant 3 : i32
      %swap3A_236 = arith.index_cast %swap3A_234 : i32 to index
      %swap3A_237 = arith.index_cast %swap3A_235 : i32 to index
      %swap3A_238 = arith.constant 0 : index
      %swap3A_239 = tpu.vector_load %arg7[%swap3A_236, %swap3A_237, %swap3A_238] {strides = array<i32>} : memref<8x5x16xf32, #tpu.memory_space<vmem>>, vector<1x1x16xf32>,
      %swap3A_240 = vector.shape_cast %swap3A_239 : vector<1x1x16xf32> to vector<16xf32>
      %swap3A_241 = vector.shape_cast %broadcast_in_dim3A_1 : vector<16xf32> to vector<1x1x16xf32>
      tpu.vector_store %arg7[%swap3A_236, %swap3A_237, %swap3A_238], %swap3A_241 {strides = array<i32>} : memref<8x5x16xf32, #tpu.memory_space<vmem>>, vector<1x1x16xf32>,
      %swap3A_242 = arith.constant 5 : i32
      %swap3A_243 = arith.constant 4 : i32
      %swap3A_244 = arith.index_cast %swap3A_242 : i32 to index
      %swap3A_245 = arith.index_cast %swap3A_243 : i32 to index
      %swap3A_246 = arith.constant 0 : index
      %swap3A_247 = tpu.vector_load %arg7[%swap3A_244, %swap3A_245, %swap3A_246] {strides = array<i32>} : memref<8x5x16xf32, #tpu.memory_space<vmem>>, vector<1x1x16xf32>,
      %swap3A_248 = vector.shape_cast %swap3A_247 : vector<1x1x16xf32> to vector<16xf32>
      %swap3A_249 = vector.shape_cast %broadcast_in_dim3A_1 : vector<16xf32> to vector<1x1x16xf32>
      tpu.vector_store %arg7[%swap3A_244, %swap3A_245, %swap3A_246], %swap3A_249 {strides = array<i32>} : memref<8x5x16xf32, #tpu.memory_space<vmem>>, vector<1x1x16xf32>,
      %swap3A_250 = arith.constant 6 : i32
      %swap3A_251 = arith.constant 0 : i32
      %swap3A_252 = arith.index_cast %swap3A_250 : i32 to index
      %swap3A_253 = arith.index_cast %swap3A_251 : i32 to index
      %swap3A_254 = arith.constant 0 : index
      %swap3A_255 = tpu.vector_load %arg7[%swap3A_252, %swap3A_253, %swap3A_254] {strides = array<i32>} : memref<8x5x16xf32, #tpu.memory_space<vmem>>, vector<1x1x16xf32>,
      %swap3A_256 = vector.shape_cast %swap3A_255 : vector<1x1x16xf32> to vector<16xf32>
      %swap3A_257 = vector.shape_cast %broadcast_in_dim3A_1 : vector<16xf32> to vector<1x1x16xf32>
      tpu.vector_store %arg7[%swap3A_252, %swap3A_253, %swap3A_254], %swap3A_257 {strides = array<i32>} : memref<8x5x16xf32, #tpu.memory_space<vmem>>, vector<1x1x16xf32>,
      %swap3A_258 = arith.constant 6 : i32
      %swap3A_259 = arith.constant 1 : i32
      %swap3A_260 = arith.index_cast %swap3A_258 : i32 to index
      %swap3A_261 = arith.index_cast %swap3A_259 : i32 to index
      %swap3A_262 = arith.constant 0 : index
      %swap3A_263 = tpu.vector_load %arg7[%swap3A_260, %swap3A_261, %swap3A_262] {strides = array<i32>} : memref<8x5x16xf32, #tpu.memory_space<vmem>>, vector<1x1x16xf32>,
      %swap3A_264 = vector.shape_cast %swap3A_263 : vector<1x1x16xf32> to vector<16xf32>
      %swap3A_265 = vector.shape_cast %broadcast_in_dim3A_1 : vector<16xf32> to vector<1x1x16xf32>
      tpu.vector_store %arg7[%swap3A_260, %swap3A_261, %swap3A_262], %swap3A_265 {strides = array<i32>} : memref<8x5x16xf32, #tpu.memory_space<vmem>>, vector<1x1x16xf32>,
      %swap3A_266 = arith.constant 6 : i32
      %swap3A_267 = arith.constant 2 : i32
      %swap3A_268 = arith.index_cast %swap3A_266 : i32 to index
      %swap3A_269 = arith.index_cast %swap3A_267 : i32 to index
      %swap3A_270 = arith.constant 0 : index
      %swap3A_271 = tpu.vector_load %arg7[%swap3A_268, %swap3A_269, %swap3A_270] {strides = array<i32>} : memref<8x5x16xf32, #tpu.memory_space<vmem>>, vector<1x1x16xf32>,
      %swap3A_272 = vector.shape_cast %swap3A_271 : vector<1x1x16xf32> to vector<16xf32>
      %swap3A_273 = vector.shape_cast %broadcast_in_dim3A_1 : vector<16xf32> to vector<1x1x16xf32>
      tpu.vector_store %arg7[%swap3A_268, %swap3A_269, %swap3A_270], %swap3A_273 {strides = array<i32>} : memref<8x5x16xf32, #tpu.memory_space<vmem>>, vector<1x1x16xf32>,
      %swap3A_274 = arith.constant 6 : i32
      %swap3A_275 = arith.constant 3 : i32
      %swap3A_276 = arith.index_cast %swap3A_274 : i32 to index
      %swap3A_277 = arith.index_cast %swap3A_275 : i32 to index
      %swap3A_278 = arith.constant 0 : index
      %swap3A_279 = tpu.vector_load %arg7[%swap3A_276, %swap3A_277, %swap3A_278] {strides = array<i32>} : memref<8x5x16xf32, #tpu.memory_space<vmem>>, vector<1x1x16xf32>,
      %swap3A_280 = vector.shape_cast %swap3A_279 : vector<1x1x16xf32> to vector<16xf32>
      %swap3A_281 = vector.shape_cast %broadcast_in_dim3A_1 : vector<16xf32> to vector<1x1x16xf32>
      tpu.vector_store %arg7[%swap3A_276, %swap3A_277, %swap3A_278], %swap3A_281 {strides = array<i32>} : memref<8x5x16xf32, #tpu.memory_space<vmem>>, vector<1x1x16xf32>,
      %swap3A_282 = arith.constant 6 : i32
      %swap3A_283 = arith.constant 4 : i32
      %swap3A_284 = arith.index_cast %swap3A_282 : i32 to index
      %swap3A_285 = arith.index_cast %swap3A_283 : i32 to index
      %swap3A_286 = arith.constant 0 : index
      %swap3A_287 = tpu.vector_load %arg7[%swap3A_284, %swap3A_285, %swap3A_286] {strides = array<i32>} : memref<8x5x16xf32, #tpu.memory_space<vmem>>, vector<1x1x16xf32>,
      %swap3A_288 = vector.shape_cast %swap3A_287 : vector<1x1x16xf32> to vector<16xf32>
      %swap3A_289 = vector.shape_cast %broadcast_in_dim3A_1 : vector<16xf32> to vector<1x1x16xf32>
      tpu.vector_store %arg7[%swap3A_284, %swap3A_285, %swap3A_286], %swap3A_289 {strides = array<i32>} : memref<8x5x16xf32, #tpu.memory_space<vmem>>, vector<1x1x16xf32>,
      %swap3A_290 = arith.constant 7 : i32
      %swap3A_291 = arith.constant 0 : i32
      %swap3A_292 = arith.index_cast %swap3A_290 : i32 to index
      %swap3A_293 = arith.index_cast %swap3A_291 : i32 to index
      %swap3A_294 = arith.constant 0 : index
      %swap3A_295 = tpu.vector_load %arg7[%swap3A_292, %swap3A_293, %swap3A_294] {strides = array<i32>} : memref<8x5x16xf32, #tpu.memory_space<vmem>>, vector<1x1x16xf32>,
      %swap3A_296 = vector.shape_cast %swap3A_295 : vector<1x1x16xf32> to vector<16xf32>
      %swap3A_297 = vector.shape_cast %broadcast_in_dim3A_1 : vector<16xf32> to vector<1x1x16xf32>
      tpu.vector_store %arg7[%swap3A_292, %swap3A_293, %swap3A_294], %swap3A_297 {strides = array<i32>} : memref<8x5x16xf32, #tpu.memory_space<vmem>>, vector<1x1x16xf32>,
      %swap3A_298 = arith.constant 7 : i32
      %swap3A_299 = arith.constant 1 : i32
      %swap3A_300 = arith.index_cast %swap3A_298 : i32 to index
      %swap3A_301 = arith.index_cast %swap3A_299 : i32 to index
      %swap3A_302 = arith.constant 0 : index
      %swap3A_303 = tpu.vector_load %arg7[%swap3A_300, %swap3A_301, %swap3A_302] {strides = array<i32>} : memref<8x5x16xf32, #tpu.memory_space<vmem>>, vector<1x1x16xf32>,
      %swap3A_304 = vector.shape_cast %swap3A_303 : vector<1x1x16xf32> to vector<16xf32>
      %swap3A_305 = vector.shape_cast %broadcast_in_dim3A_1 : vector<16xf32> to vector<1x1x16xf32>
      tpu.vector_store %arg7[%swap3A_300, %swap3A_301, %swap3A_302], %swap3A_305 {strides = array<i32>} : memref<8x5x16xf32, #tpu.memory_space<vmem>>, vector<1x1x16xf32>,
      %swap3A_306 = arith.constant 7 : i32
      %swap3A_307 = arith.constant 2 : i32
      %swap3A_308 = arith.index_cast %swap3A_306 : i32 to index
      %swap3A_309 = arith.index_cast %swap3A_307 : i32 to index
      %swap3A_310 = arith.constant 0 : index
      %swap3A_311 = tpu.vector_load %arg7[%swap3A_308, %swap3A_309, %swap3A_310] {strides = array<i32>} : memref<8x5x16xf32, #tpu.memory_space<vmem>>, vector<1x1x16xf32>,
      %swap3A_312 = vector.shape_cast %swap3A_311 : vector<1x1x16xf32> to vector<16xf32>
      %swap3A_313 = vector.shape_cast %broadcast_in_dim3A_1 : vector<16xf32> to vector<1x1x16xf32>
      tpu.vector_store %arg7[%swap3A_308, %swap3A_309, %swap3A_310], %swap3A_313 {strides = array<i32>} : memref<8x5x16xf32, #tpu.memory_space<vmem>>, vector<1x1x16xf32>,
      %swap3A_314 = arith.constant 7 : i32
      %swap3A_315 = arith.constant 3 : i32
      %swap3A_316 = arith.index_cast %swap3A_314 : i32 to index
      %swap3A_317 = arith.index_cast %swap3A_315 : i32 to index
      %swap3A_318 = arith.constant 0 : index
      %swap3A_319 = tpu.vector_load %arg7[%swap3A_316, %swap3A_317, %swap3A_318] {strides = array<i32>} : memref<8x5x16xf32, #tpu.memory_space<vmem>>, vector<1x1x16xf32>,
      %swap3A_320 = vector.shape_cast %swap3A_319 : vector<1x1x16xf32> to vector<16xf32>
      %swap3A_321 = vector.shape_cast %broadcast_in_dim3A_1 : vector<16xf32> to vector<1x1x16xf32>
      tpu.vector_store %arg7[%swap3A_316, %swap3A_317, %swap3A_318], %swap3A_321 {strides = array<i32>} : memref<8x5x16xf32, #tpu.memory_space<vmem>>, vector<1x1x16xf32>,
      %swap3A_322 = arith.constant 7 : i32
      %swap3A_323 = arith.constant 4 : i32
      %swap3A_324 = arith.index_cast %swap3A_322 : i32 to index
      %swap3A_325 = arith.index_cast %swap3A_323 : i32 to index
      %swap3A_326 = arith.constant 0 : index
      %swap3A_327 = tpu.vector_load %arg7[%swap3A_324, %swap3A_325, %swap3A_326] {strides = array<i32>} : memref<8x5x16xf32, #tpu.memory_space<vmem>>, vector<1x1x16xf32>,
      %swap3A_328 = vector.shape_cast %swap3A_327 : vector<1x1x16xf32> to vector<16xf32>
      %swap3A_329 = vector.shape_cast %broadcast_in_dim3A_1 : vector<16xf32> to vector<1x1x16xf32>
      tpu.vector_store %arg7[%swap3A_324, %swap3A_325, %swap3A_326], %swap3A_329 {strides = array<i32>} : memref<8x5x16xf32, #tpu.memory_space<vmem>>, vector<1x1x16xf32>,
      %mul3A_330 = arith.constant 8 : i32
      %mul3A_331 = arith.muli %add3A_10, %mul3A_330 : i32
      %dma_start3A = arith.constant 0 : i32
      %dma_start3A_332 = arith.constant 0 : i32
      %dma_start3A_333 = arith.constant 0 : i32
      %dma_start3A_334 = tpu.memref_slice %arg5[%dma_start3A, %dma_start3A_332, %dma_start3A_333] : memref<2x8x3200xf32, #tpu.memory_space<vmem>> -> memref<1x8x3200xf32, #tpu.memory_space<vmem>>
      %dma_start3A_335 = tpu.memref_squeeze %dma_start3A_334 : memref<1x8x3200xf32, #tpu.memory_space<vmem>> -> memref<8x3200xf32, #tpu.memory_space<vmem>>
      %dma_start3A_336 = arith.constant 0 : i32
      %dma_start3A_337 = tpu.memref_slice %arg2[%mul3A_331, %dma_start3A_336] : memref<1024x100000xf32, #tpu.memory_space<hbm>> -> memref<8x3200xf32, #tpu.memory_space<hbm>>
      %dma_start3A_338 = arith.constant 0 : i32
      %dma_start3A_339 = arith.constant 0 : i32
      %dma_start3A_340 = tpu.memref_slice %arg5[%dma_start3A, %dma_start3A_338, %dma_start3A_339] : memref<2x8x3200xf32, #tpu.memory_space<vmem>> -> memref<1x8x3200xf32, #tpu.memory_space<vmem>>
      %dma_start3A_341 = tpu.memref_squeeze %dma_start3A_340 : memref<1x8x3200xf32, #tpu.memory_space<vmem>> -> memref<8x3200xf32, #tpu.memory_space<vmem>>
      %dma_start3A_342 = arith.constant 0 : i32
      %dma_start3A_343 = tpu.memref_slice %arg2[%mul3A_331, %dma_start3A_342] : memref<1024x100000xf32, #tpu.memory_space<hbm>> -> memref<8x3200xf32, #tpu.memory_space<hbm>>
      tpu.enqueue_dma source(%dma_start3A_343 : memref<8x3200xf32, #tpu.memory_space<hbm>>) target(%dma_start3A_341 : memref<8x3200xf32, #tpu.memory_space<vmem>>) target_semaphore(%arg9 : memref<!tpu.dma_semaphore, #tpu.memory_space<semaphore_mem>>)
      %mul3A_344 = arith.constant 8 : i32
      %mul3A_345 = arith.muli %add3A_10, %mul3A_344 : i32
      %dma_start3A_346 = arith.constant 0 : i32
      %dma_start3A_347 = arith.constant 0 : i32
      %dma_start3A_348 = arith.constant 0 : i32
      %dma_start3A_349 = tpu.memref_slice %arg6[%dma_start3A_346, %dma_start3A_347, %dma_start3A_348] : memref<1x8x1024xf32, #tpu.memory_space<vmem>> -> memref<1x8x1024xf32, #tpu.memory_space<vmem>>
      %dma_start3A_350 = tpu.memref_squeeze %dma_start3A_349 : memref<1x8x1024xf32, #tpu.memory_space<vmem>> -> memref<8x1024xf32, #tpu.memory_space<vmem>>
      %dma_start3A_351 = arith.constant 0 : i32
      %dma_start3A_352 = tpu.memref_slice %arg3[%mul3A_345, %dma_start3A_351] : memref<512x1024xf32, #tpu.memory_space<hbm>> -> memref<8x1024xf32, #tpu.memory_space<hbm>>
      %dma_start3A_353 = arith.constant 0 : i32
      %dma_start3A_354 = arith.constant 0 : i32
      %dma_start3A_355 = tpu.memref_slice %arg6[%dma_start3A_346, %dma_start3A_353, %dma_start3A_354] : memref<1x8x1024xf32, #tpu.memory_space<vmem>> -> memref<1x8x1024xf32, #tpu.memory_space<vmem>>
      %dma_start3A_356 = tpu.memref_squeeze %dma_start3A_355 : memref<1x8x1024xf32, #tpu.memory_space<vmem>> -> memref<8x1024xf32, #tpu.memory_space<vmem>>
      %dma_start3A_357 = arith.constant 0 : i32
      %dma_start3A_358 = tpu.memref_slice %arg3[%mul3A_345, %dma_start3A_357] : memref<512x1024xf32, #tpu.memory_space<hbm>> -> memref<8x1024xf32, #tpu.memory_space<hbm>>
      tpu.enqueue_dma source(%dma_start3A_358 : memref<8x1024xf32, #tpu.memory_space<hbm>>) target(%dma_start3A_356 : memref<8x1024xf32, #tpu.memory_space<vmem>>) target_semaphore(%arg11 : memref<!tpu.dma_semaphore, #tpu.memory_space<semaphore_mem>>)
      %scan3A_359 = arith.constant 0 : i32
      %scan3A_360 = arith.constant 0 : i32
      %scan3A_361 = arith.constant 31 : i32
      %scan3A_362 = arith.addi %scan3A_360, %scan3A_361 : i32
      %scan3A_363 = arith.constant 1 : i32
      scf.for %scan3A_1051 = %scan3A_360 to %scan3A_362 step %scan3A_363  : i32 {
        %rem3A = arith.constant 2 : i32
        %rem3A_1052 = arith.remsi %scan3A_1051, %rem3A : i32
        %eq3A = arith.constant 0 : i32
        %eq3A_1053 = arith.cmpi eq, %rem3A_1052, %eq3A : i32
        %convert_element_type3A = arith.extui %eq3A_1053 : i1 to i32
        %cond3A = arith.constant 0 : i32
        %cond3A_1054 = arith.cmpi ne, %convert_element_type3A, %cond3A : i32
        scf.if %cond3A_1054 {
          %mul3A_1690 = arith.constant 8 : i32
          %mul3A_1691 = arith.muli %add3A_10, %mul3A_1690 : i32
          %mul3A_1692 = arith.constant 3200 : i32
          %mul3A_1693 = arith.muli %scan3A_1051, %mul3A_1692 : i32
          %dma_wait3A_1694 = arith.constant 0 : i32
          %dma_wait3A_1695 = arith.constant 0 : i32
          %dma_wait3A_1696 = arith.constant 0 : i32
          %dma_wait3A_1697 = tpu.memref_slice %arg5[%dma_wait3A_1694, %dma_wait3A_1695, %dma_wait3A_1696] : memref<2x8x3200xf32, #tpu.memory_space<vmem>> -> memref<1x8x3200xf32, #tpu.memory_space<vmem>>
          %dma_wait3A_1698 = tpu.memref_squeeze %dma_wait3A_1697 : memref<1x8x3200xf32, #tpu.memory_space<vmem>> -> memref<8x3200xf32, #tpu.memory_space<vmem>>
          %dma_wait3A_1699 = tpu.memref_slice %arg2[%mul3A_1691, %mul3A_1693] : memref<1024x100000xf32, #tpu.memory_space<hbm>> -> memref<8x3200xf32, #tpu.memory_space<hbm>>
          %dma_wait3A_1700 = arith.constant 0 : i32
          %dma_wait3A_1701 = arith.constant 0 : i32
          %dma_wait3A_1702 = tpu.memref_slice %arg5[%dma_wait3A_1694, %dma_wait3A_1700, %dma_wait3A_1701] : memref<2x8x3200xf32, #tpu.memory_space<vmem>> -> memref<1x8x3200xf32, #tpu.memory_space<vmem>>
          %dma_wait3A_1703 = tpu.memref_squeeze %dma_wait3A_1702 : memref<1x8x3200xf32, #tpu.memory_space<vmem>> -> memref<8x3200xf32, #tpu.memory_space<vmem>>
          %dma_wait3A_1704 = tpu.memref_slice %arg2[%mul3A_1691, %mul3A_1693] : memref<1024x100000xf32, #tpu.memory_space<hbm>> -> memref<8x3200xf32, #tpu.memory_space<hbm>>
          tpu.wait_dma2 semaphore(%arg9 : memref<!tpu.dma_semaphore, #tpu.memory_space<semaphore_mem>>) src(%dma_wait3A_1704 : memref<8x3200xf32, #tpu.memory_space<hbm>>) dst(%dma_wait3A_1703 : memref<8x3200xf32, #tpu.memory_space<vmem>>)
        } else {
        }
        %eq3A_1055 = arith.constant 1 : i32
        %eq3A_1056 = arith.cmpi eq, %rem3A_1052, %eq3A_1055 : i32
        %convert_element_type3A_1057 = arith.extui %eq3A_1056 : i1 to i32
        %cond3A_1058 = arith.constant 0 : i32
        %cond3A_1059 = arith.cmpi ne, %convert_element_type3A_1057, %cond3A_1058 : i32
        scf.if %cond3A_1059 {
          %mul3A_1690 = arith.constant 8 : i32
          %mul3A_1691 = arith.muli %add3A_10, %mul3A_1690 : i32
          %mul3A_1692 = arith.constant 3200 : i32
          %mul3A_1693 = arith.muli %scan3A_1051, %mul3A_1692 : i32
          %dma_wait3A_1694 = arith.constant 1 : i32
          %dma_wait3A_1695 = arith.constant 0 : i32
          %dma_wait3A_1696 = arith.constant 0 : i32
          %dma_wait3A_1697 = tpu.memref_slice %arg5[%dma_wait3A_1694, %dma_wait3A_1695, %dma_wait3A_1696] : memref<2x8x3200xf32, #tpu.memory_space<vmem>> -> memref<1x8x3200xf32, #tpu.memory_space<vmem>>
          %dma_wait3A_1698 = tpu.memref_squeeze %dma_wait3A_1697 : memref<1x8x3200xf32, #tpu.memory_space<vmem>> -> memref<8x3200xf32, #tpu.memory_space<vmem>>
          %dma_wait3A_1699 = tpu.memref_slice %arg2[%mul3A_1691, %mul3A_1693] : memref<1024x100000xf32, #tpu.memory_space<hbm>> -> memref<8x3200xf32, #tpu.memory_space<hbm>>
          %dma_wait3A_1700 = arith.constant 0 : i32
          %dma_wait3A_1701 = arith.constant 0 : i32
          %dma_wait3A_1702 = tpu.memref_slice %arg5[%dma_wait3A_1694, %dma_wait3A_1700, %dma_wait3A_1701] : memref<2x8x3200xf32, #tpu.memory_space<vmem>> -> memref<1x8x3200xf32, #tpu.memory_space<vmem>>
          %dma_wait3A_1703 = tpu.memref_squeeze %dma_wait3A_1702 : memref<1x8x3200xf32, #tpu.memory_space<vmem>> -> memref<8x3200xf32, #tpu.memory_space<vmem>>
          %dma_wait3A_1704 = tpu.memref_slice %arg2[%mul3A_1691, %mul3A_1693] : memref<1024x100000xf32, #tpu.memory_space<hbm>> -> memref<8x3200xf32, #tpu.memory_space<hbm>>
          tpu.wait_dma2 semaphore(%arg10 : memref<!tpu.dma_semaphore, #tpu.memory_space<semaphore_mem>>) src(%dma_wait3A_1704 : memref<8x3200xf32, #tpu.memory_space<hbm>>) dst(%dma_wait3A_1703 : memref<8x3200xf32, #tpu.memory_space<vmem>>)
        } else {
        }
        %add3A_1060 = arith.constant 1 : i32
        %add3A_1061 = arith.addi %scan3A_1051, %add3A_1060 : i32
        %rem3A_1062 = arith.constant 2 : i32
        %rem3A_1063 = arith.remsi %add3A_1061, %rem3A_1062 : i32
        %add3A_1064 = arith.constant 1 : i32
        %add3A_1065 = arith.addi %scan3A_1051, %add3A_1064 : i32
        %lt3A = arith.constant 31 : i32
        %lt3A_1066 = arith.cmpi slt, %add3A_1065, %lt3A : i32
        %eq3A_1067 = arith.constant 0 : i32
        %eq3A_1068 = arith.cmpi eq, %rem3A_1063, %eq3A_1067 : i32
        %and3A = arith.andi %lt3A_1066, %eq3A_1068 : i1
        %convert_element_type3A_1069 = arith.extui %and3A : i1 to i32
        %cond3A_1070 = arith.constant 0 : i32
        %cond3A_1071 = arith.cmpi ne, %convert_element_type3A_1069, %cond3A_1070 : i32
        scf.if %cond3A_1071 {
          %add3A_1690 = arith.constant 1 : i32
          %add3A_1691 = arith.addi %scan3A_1051, %add3A_1690 : i32
          %mul3A_1692 = arith.constant 8 : i32
          %mul3A_1693 = arith.muli %add3A_10, %mul3A_1692 : i32
          %mul3A_1694 = arith.constant 3200 : i32
          %mul3A_1695 = arith.muli %add3A_1691, %mul3A_1694 : i32
          %dma_start3A_1696 = arith.constant 0 : i32
          %dma_start3A_1697 = arith.constant 0 : i32
          %dma_start3A_1698 = arith.constant 0 : i32
          %dma_start3A_1699 = tpu.memref_slice %arg5[%dma_start3A_1696, %dma_start3A_1697, %dma_start3A_1698] : memref<2x8x3200xf32, #tpu.memory_space<vmem>> -> memref<1x8x3200xf32, #tpu.memory_space<vmem>>
          %dma_start3A_1700 = tpu.memref_squeeze %dma_start3A_1699 : memref<1x8x3200xf32, #tpu.memory_space<vmem>> -> memref<8x3200xf32, #tpu.memory_space<vmem>>
          %dma_start3A_1701 = tpu.memref_slice %arg2[%mul3A_1693, %mul3A_1695] : memref<1024x100000xf32, #tpu.memory_space<hbm>> -> memref<8x3200xf32, #tpu.memory_space<hbm>>
          %dma_start3A_1702 = arith.constant 0 : i32
          %dma_start3A_1703 = arith.constant 0 : i32
          %dma_start3A_1704 = tpu.memref_slice %arg5[%dma_start3A_1696, %dma_start3A_1702, %dma_start3A_1703] : memref<2x8x3200xf32, #tpu.memory_space<vmem>> -> memref<1x8x3200xf32, #tpu.memory_space<vmem>>
          %dma_start3A_1705 = tpu.memref_squeeze %dma_start3A_1704 : memref<1x8x3200xf32, #tpu.memory_space<vmem>> -> memref<8x3200xf32, #tpu.memory_space<vmem>>
          %dma_start3A_1706 = tpu.memref_slice %arg2[%mul3A_1693, %mul3A_1695] : memref<1024x100000xf32, #tpu.memory_space<hbm>> -> memref<8x3200xf32, #tpu.memory_space<hbm>>
          tpu.enqueue_dma source(%dma_start3A_1706 : memref<8x3200xf32, #tpu.memory_space<hbm>>) target(%dma_start3A_1705 : memref<8x3200xf32, #tpu.memory_space<vmem>>) target_semaphore(%arg9 : memref<!tpu.dma_semaphore, #tpu.memory_space<semaphore_mem>>)
        } else {
        }
        %add3A_1072 = arith.constant 1 : i32
        %add3A_1073 = arith.addi %scan3A_1051, %add3A_1072 : i32
        %lt3A_1074 = arith.constant 31 : i32
        %lt3A_1075 = arith.cmpi slt, %add3A_1073, %lt3A_1074 : i32
        %eq3A_1076 = arith.constant 1 : i32
        %eq3A_1077 = arith.cmpi eq, %rem3A_1063, %eq3A_1076 : i32
        %and3A_1078 = arith.andi %lt3A_1075, %eq3A_1077 : i1
        %convert_element_type3A_1079 = arith.extui %and3A_1078 : i1 to i32
        %cond3A_1080 = arith.constant 0 : i32
        %cond3A_1081 = arith.cmpi ne, %convert_element_type3A_1079, %cond3A_1080 : i32
        scf.if %cond3A_1081 {
          %add3A_1690 = arith.constant 1 : i32
          %add3A_1691 = arith.addi %scan3A_1051, %add3A_1690 : i32
          %mul3A_1692 = arith.constant 8 : i32
          %mul3A_1693 = arith.muli %add3A_10, %mul3A_1692 : i32
          %mul3A_1694 = arith.constant 3200 : i32
          %mul3A_1695 = arith.muli %add3A_1691, %mul3A_1694 : i32
          %dma_start3A_1696 = arith.constant 1 : i32
          %dma_start3A_1697 = arith.constant 0 : i32
          %dma_start3A_1698 = arith.constant 0 : i32
          %dma_start3A_1699 = tpu.memref_slice %arg5[%dma_start3A_1696, %dma_start3A_1697, %dma_start3A_1698] : memref<2x8x3200xf32, #tpu.memory_space<vmem>> -> memref<1x8x3200xf32, #tpu.memory_space<vmem>>
          %dma_start3A_1700 = tpu.memref_squeeze %dma_start3A_1699 : memref<1x8x3200xf32, #tpu.memory_space<vmem>> -> memref<8x3200xf32, #tpu.memory_space<vmem>>
          %dma_start3A_1701 = tpu.memref_slice %arg2[%mul3A_1693, %mul3A_1695] : memref<1024x100000xf32, #tpu.memory_space<hbm>> -> memref<8x3200xf32, #tpu.memory_space<hbm>>
          %dma_start3A_1702 = arith.constant 0 : i32
          %dma_start3A_1703 = arith.constant 0 : i32
          %dma_start3A_1704 = tpu.memref_slice %arg5[%dma_start3A_1696, %dma_start3A_1702, %dma_start3A_1703] : memref<2x8x3200xf32, #tpu.memory_space<vmem>> -> memref<1x8x3200xf32, #tpu.memory_space<vmem>>
          %dma_start3A_1705 = tpu.memref_squeeze %dma_start3A_1704 : memref<1x8x3200xf32, #tpu.memory_space<vmem>> -> memref<8x3200xf32, #tpu.memory_space<vmem>>
          %dma_start3A_1706 = tpu.memref_slice %arg2[%mul3A_1693, %mul3A_1695] : memref<1024x100000xf32, #tpu.memory_space<hbm>> -> memref<8x3200xf32, #tpu.memory_space<hbm>>
          tpu.enqueue_dma source(%dma_start3A_1706 : memref<8x3200xf32, #tpu.memory_space<hbm>>) target(%dma_start3A_1705 : memref<8x3200xf32, #tpu.memory_space<vmem>>) target_semaphore(%arg10 : memref<!tpu.dma_semaphore, #tpu.memory_space<semaphore_mem>>)
        } else {
        }
        %get3A_1082 = arith.constant 0 : i32
        %get3A_1083 = arith.constant 0 : i32
        %get3A_1084 = arith.index_cast %get3A_1082 : i32 to index
        %get3A_1085 = arith.index_cast %get3A_1083 : i32 to index
        %get3A_1086 = arith.constant 0 : index
        %get3A_1087 = tpu.vector_load %arg7[%get3A_1084, %get3A_1085, %get3A_1086] {strides = array<i32>} : memref<8x5x16xf32, #tpu.memory_space<vmem>>, vector<1x1x16xf32>,
        %get3A_1088 = vector.shape_cast %get3A_1087 : vector<1x1x16xf32> to vector<16xf32>
        %get3A_1089 = arith.constant 1 : i32
        %get3A_1090 = arith.constant 0 : i32
        %get3A_1091 = arith.index_cast %get3A_1089 : i32 to index
        %get3A_1092 = arith.index_cast %get3A_1090 : i32 to index
        %get3A_1093 = arith.constant 0 : index
        %get3A_1094 = tpu.vector_load %arg7[%get3A_1091, %get3A_1092, %get3A_1093] {strides = array<i32>} : memref<8x5x16xf32, #tpu.memory_space<vmem>>, vector<1x1x16xf32>,
        %get3A_1095 = vector.shape_cast %get3A_1094 : vector<1x1x16xf32> to vector<16xf32>
        %get3A_1096 = arith.constant 2 : i32
        %get3A_1097 = arith.constant 0 : i32
        %get3A_1098 = arith.index_cast %get3A_1096 : i32 to index
        %get3A_1099 = arith.index_cast %get3A_1097 : i32 to index
        %get3A_1100 = arith.constant 0 : index
        %get3A_1101 = tpu.vector_load %arg7[%get3A_1098, %get3A_1099, %get3A_1100] {strides = array<i32>} : memref<8x5x16xf32, #tpu.memory_space<vmem>>, vector<1x1x16xf32>,
        %get3A_1102 = vector.shape_cast %get3A_1101 : vector<1x1x16xf32> to vector<16xf32>
        %get3A_1103 = arith.constant 3 : i32
        %get3A_1104 = arith.constant 0 : i32
        %get3A_1105 = arith.index_cast %get3A_1103 : i32 to index
        %get3A_1106 = arith.index_cast %get3A_1104 : i32 to index
        %get3A_1107 = arith.constant 0 : index
        %get3A_1108 = tpu.vector_load %arg7[%get3A_1105, %get3A_1106, %get3A_1107] {strides = array<i32>} : memref<8x5x16xf32, #tpu.memory_space<vmem>>, vector<1x1x16xf32>,
        %get3A_1109 = vector.shape_cast %get3A_1108 : vector<1x1x16xf32> to vector<16xf32>
        %get3A_1110 = arith.constant 0 : i32
        %get3A_1111 = arith.constant 1 : i32
        %get3A_1112 = arith.index_cast %get3A_1110 : i32 to index
        %get3A_1113 = arith.index_cast %get3A_1111 : i32 to index
        %get3A_1114 = arith.constant 0 : index
        %get3A_1115 = tpu.vector_load %arg7[%get3A_1112, %get3A_1113, %get3A_1114] {strides = array<i32>} : memref<8x5x16xf32, #tpu.memory_space<vmem>>, vector<1x1x16xf32>,
        %get3A_1116 = vector.shape_cast %get3A_1115 : vector<1x1x16xf32> to vector<16xf32>
        %get3A_1117 = arith.constant 1 : i32
        %get3A_1118 = arith.constant 1 : i32
        %get3A_1119 = arith.index_cast %get3A_1117 : i32 to index
        %get3A_1120 = arith.index_cast %get3A_1118 : i32 to index
        %get3A_1121 = arith.constant 0 : index
        %get3A_1122 = tpu.vector_load %arg7[%get3A_1119, %get3A_1120, %get3A_1121] {strides = array<i32>} : memref<8x5x16xf32, #tpu.memory_space<vmem>>, vector<1x1x16xf32>,
        %get3A_1123 = vector.shape_cast %get3A_1122 : vector<1x1x16xf32> to vector<16xf32>
        %get3A_1124 = arith.constant 2 : i32
        %get3A_1125 = arith.constant 1 : i32
        %get3A_1126 = arith.index_cast %get3A_1124 : i32 to index
        %get3A_1127 = arith.index_cast %get3A_1125 : i32 to index
        %get3A_1128 = arith.constant 0 : index
        %get3A_1129 = tpu.vector_load %arg7[%get3A_1126, %get3A_1127, %get3A_1128] {strides = array<i32>} : memref<8x5x16xf32, #tpu.memory_space<vmem>>, vector<1x1x16xf32>,
        %get3A_1130 = vector.shape_cast %get3A_1129 : vector<1x1x16xf32> to vector<16xf32>
        %get3A_1131 = arith.constant 3 : i32
        %get3A_1132 = arith.constant 1 : i32
        %get3A_1133 = arith.index_cast %get3A_1131 : i32 to index
        %get3A_1134 = arith.index_cast %get3A_1132 : i32 to index
        %get3A_1135 = arith.constant 0 : index
        %get3A_1136 = tpu.vector_load %arg7[%get3A_1133, %get3A_1134, %get3A_1135] {strides = array<i32>} : memref<8x5x16xf32, #tpu.memory_space<vmem>>, vector<1x1x16xf32>,
        %get3A_1137 = vector.shape_cast %get3A_1136 : vector<1x1x16xf32> to vector<16xf32>
        %get3A_1138 = arith.constant 0 : i32
        %get3A_1139 = arith.constant 2 : i32
        %get3A_1140 = arith.index_cast %get3A_1138 : i32 to index
        %get3A_1141 = arith.index_cast %get3A_1139 : i32 to index
        %get3A_1142 = arith.constant 0 : index
        %get3A_1143 = tpu.vector_load %arg7[%get3A_1140, %get3A_1141, %get3A_1142] {strides = array<i32>} : memref<8x5x16xf32, #tpu.memory_space<vmem>>, vector<1x1x16xf32>,
        %get3A_1144 = vector.shape_cast %get3A_1143 : vector<1x1x16xf32> to vector<16xf32>
        %get3A_1145 = arith.constant 1 : i32
        %get3A_1146 = arith.constant 2 : i32
        %get3A_1147 = arith.index_cast %get3A_1145 : i32 to index
        %get3A_1148 = arith.index_cast %get3A_1146 : i32 to index
        %get3A_1149 = arith.constant 0 : index
        %get3A_1150 = tpu.vector_load %arg7[%get3A_1147, %get3A_1148, %get3A_1149] {strides = array<i32>} : memref<8x5x16xf32, #tpu.memory_space<vmem>>, vector<1x1x16xf32>,
        %get3A_1151 = vector.shape_cast %get3A_1150 : vector<1x1x16xf32> to vector<16xf32>
        %get3A_1152 = arith.constant 2 : i32
        %get3A_1153 = arith.constant 2 : i32
        %get3A_1154 = arith.index_cast %get3A_1152 : i32 to index
        %get3A_1155 = arith.index_cast %get3A_1153 : i32 to index
        %get3A_1156 = arith.constant 0 : index
        %get3A_1157 = tpu.vector_load %arg7[%get3A_1154, %get3A_1155, %get3A_1156] {strides = array<i32>} : memref<8x5x16xf32, #tpu.memory_space<vmem>>, vector<1x1x16xf32>,
        %get3A_1158 = vector.shape_cast %get3A_1157 : vector<1x1x16xf32> to vector<16xf32>
        %get3A_1159 = arith.constant 3 : i32
        %get3A_1160 = arith.constant 2 : i32
        %get3A_1161 = arith.index_cast %get3A_1159 : i32 to index
        %get3A_1162 = arith.index_cast %get3A_1160 : i32 to index
        %get3A_1163 = arith.constant 0 : index
        %get3A_1164 = tpu.vector_load %arg7[%get3A_1161, %get3A_1162, %get3A_1163] {strides = array<i32>} : memref<8x5x16xf32, #tpu.memory_space<vmem>>, vector<1x1x16xf32>,
        %get3A_1165 = vector.shape_cast %get3A_1164 : vector<1x1x16xf32> to vector<16xf32>
        %get3A_1166 = arith.constant 0 : i32
        %get3A_1167 = arith.constant 3 : i32
        %get3A_1168 = arith.index_cast %get3A_1166 : i32 to index
        %get3A_1169 = arith.index_cast %get3A_1167 : i32 to index
        %get3A_1170 = arith.constant 0 : index
        %get3A_1171 = tpu.vector_load %arg7[%get3A_1168, %get3A_1169, %get3A_1170] {strides = array<i32>} : memref<8x5x16xf32, #tpu.memory_space<vmem>>, vector<1x1x16xf32>,
        %get3A_1172 = vector.shape_cast %get3A_1171 : vector<1x1x16xf32> to vector<16xf32>
        %get3A_1173 = arith.constant 1 : i32
        %get3A_1174 = arith.constant 3 : i32
        %get3A_1175 = arith.index_cast %get3A_1173 : i32 to index
        %get3A_1176 = arith.index_cast %get3A_1174 : i32 to index
        %get3A_1177 = arith.constant 0 : index
        %get3A_1178 = tpu.vector_load %arg7[%get3A_1175, %get3A_1176, %get3A_1177] {strides = array<i32>} : memref<8x5x16xf32, #tpu.memory_space<vmem>>, vector<1x1x16xf32>,
        %get3A_1179 = vector.shape_cast %get3A_1178 : vector<1x1x16xf32> to vector<16xf32>
        %get3A_1180 = arith.constant 2 : i32
        %get3A_1181 = arith.constant 3 : i32
        %get3A_1182 = arith.index_cast %get3A_1180 : i32 to index
        %get3A_1183 = arith.index_cast %get3A_1181 : i32 to index
        %get3A_1184 = arith.constant 0 : index
        %get3A_1185 = tpu.vector_load %arg7[%get3A_1182, %get3A_1183, %get3A_1184] {strides = array<i32>} : memref<8x5x16xf32, #tpu.memory_space<vmem>>, vector<1x1x16xf32>,
        %get3A_1186 = vector.shape_cast %get3A_1185 : vector<1x1x16xf32> to vector<16xf32>
        %get3A_1187 = arith.constant 3 : i32
        %get3A_1188 = arith.constant 3 : i32
        %get3A_1189 = arith.index_cast %get3A_1187 : i32 to index
        %get3A_1190 = arith.index_cast %get3A_1188 : i32 to index
        %get3A_1191 = arith.constant 0 : index
        %get3A_1192 = tpu.vector_load %arg7[%get3A_1189, %get3A_1190, %get3A_1191] {strides = array<i32>} : memref<8x5x16xf32, #tpu.memory_space<vmem>>, vector<1x1x16xf32>,
        %get3A_1193 = vector.shape_cast %get3A_1192 : vector<1x1x16xf32> to vector<16xf32>
        %get3A_1194 = arith.constant 0 : i32
        %get3A_1195 = arith.constant 4 : i32
        %get3A_1196 = arith.index_cast %get3A_1194 : i32 to index
        %get3A_1197 = arith.index_cast %get3A_1195 : i32 to index
        %get3A_1198 = arith.constant 0 : index
        %get3A_1199 = tpu.vector_load %arg7[%get3A_1196, %get3A_1197, %get3A_1198] {strides = array<i32>} : memref<8x5x16xf32, #tpu.memory_space<vmem>>, vector<1x1x16xf32>,
        %get3A_1200 = vector.shape_cast %get3A_1199 : vector<1x1x16xf32> to vector<16xf32>
        %get3A_1201 = arith.constant 1 : i32
        %get3A_1202 = arith.constant 4 : i32
        %get3A_1203 = arith.index_cast %get3A_1201 : i32 to index
        %get3A_1204 = arith.index_cast %get3A_1202 : i32 to index
        %get3A_1205 = arith.constant 0 : index
        %get3A_1206 = tpu.vector_load %arg7[%get3A_1203, %get3A_1204, %get3A_1205] {strides = array<i32>} : memref<8x5x16xf32, #tpu.memory_space<vmem>>, vector<1x1x16xf32>,
        %get3A_1207 = vector.shape_cast %get3A_1206 : vector<1x1x16xf32> to vector<16xf32>
        %get3A_1208 = arith.constant 2 : i32
        %get3A_1209 = arith.constant 4 : i32
        %get3A_1210 = arith.index_cast %get3A_1208 : i32 to index
        %get3A_1211 = arith.index_cast %get3A_1209 : i32 to index
        %get3A_1212 = arith.constant 0 : index
        %get3A_1213 = tpu.vector_load %arg7[%get3A_1210, %get3A_1211, %get3A_1212] {strides = array<i32>} : memref<8x5x16xf32, #tpu.memory_space<vmem>>, vector<1x1x16xf32>,
        %get3A_1214 = vector.shape_cast %get3A_1213 : vector<1x1x16xf32> to vector<16xf32>
        %get3A_1215 = arith.constant 3 : i32
        %get3A_1216 = arith.constant 4 : i32
        %get3A_1217 = arith.index_cast %get3A_1215 : i32 to index
        %get3A_1218 = arith.index_cast %get3A_1216 : i32 to index
        %get3A_1219 = arith.constant 0 : index
        %get3A_1220 = tpu.vector_load %arg7[%get3A_1217, %get3A_1218, %get3A_1219] {strides = array<i32>} : memref<8x5x16xf32, #tpu.memory_space<vmem>>, vector<1x1x16xf32>,
        %get3A_1221 = vector.shape_cast %get3A_1220 : vector<1x1x16xf32> to vector<16xf32>
        %parallel_loop3A_1222 = arith.constant 0 : i32
        %parallel_loop3A_1223 = arith.constant 200 : i32
        %parallel_loop3A_1224 = arith.constant 1 : i32
        %parallel_loop3A_1225:20 = scf.for %parallel_loop3A_1690 = %parallel_loop3A_1222 to %parallel_loop3A_1223 step %parallel_loop3A_1224 iter_args(%parallel_loop3A_1691 = %get3A_1088, %parallel_loop3A_1692 = %get3A_1095, %parallel_loop3A_1693 = %get3A_1102, %parallel_loop3A_1694 = %get3A_1109, %parallel_loop3A_1695 = %get3A_1116, %parallel_loop3A_1696 = %get3A_1123, %parallel_loop3A_1697 = %get3A_1130, %parallel_loop3A_1698 = %get3A_1137, %parallel_loop3A_1699 = %get3A_1144, %parallel_loop3A_1700 = %get3A_1151, %parallel_loop3A_1701 = %get3A_1158, %parallel_loop3A_1702 = %get3A_1165, %parallel_loop3A_1703 = %get3A_1172, %parallel_loop3A_1704 = %get3A_1179, %parallel_loop3A_1705 = %get3A_1186, %parallel_loop3A_1706 = %get3A_1193, %parallel_loop3A_1707 = %get3A_1200, %parallel_loop3A_1708 = %get3A_1207, %parallel_loop3A_1709 = %get3A_1214, %parallel_loop3A_1710 = %get3A_1221) -> (vector<16xf32>, vector<16xf32>, vector<16xf32>, vector<16xf32>, vector<16xf32>, vector<16xf32>, vector<16xf32>, vector<16xf32>, vector<16xf32>, vector<16xf32>, vector<16xf32>, vector<16xf32>, vector<16xf32>, vector<16xf32>, vector<16xf32>, vector<16xf32>, vector<16xf32>, vector<16xf32>, vector<16xf32>, vector<16xf32>)  : i32 {
          %parallel_loop3A_1711 = arith.constant 16 : i32
          %parallel_loop3A_1712 = arith.muli %parallel_loop3A_1690, %parallel_loop3A_1711 : i32
          %parallel_loop3A_1713 = arith.constant 0 : i32
          %parallel_loop3A_1714 = arith.index_cast %rem3A_1052 : i32 to index
          %parallel_loop3A_1715 = arith.index_cast %parallel_loop3A_1713 : i32 to index
          %parallel_loop3A_1716 = arith.index_cast %parallel_loop3A_1712 : i32 to index
          %parallel_loop3A_1717 = tpu.vector_load %arg5[%parallel_loop3A_1714, %parallel_loop3A_1715, %parallel_loop3A_1716] {strides = array<i32>} : memref<2x8x3200xf32, #tpu.memory_space<vmem>>, vector<1x1x16xf32>,
          %parallel_loop3A_1718 = vector.shape_cast %parallel_loop3A_1717 : vector<1x1x16xf32> to vector<16xf32>
          %parallel_loop3A_1719 = arith.constant 16 : i32
          %parallel_loop3A_1720 = arith.muli %parallel_loop3A_1690, %parallel_loop3A_1719 : i32
          %parallel_loop3A_1721 = arith.constant 1 : i32
          %parallel_loop3A_1722 = arith.index_cast %rem3A_1052 : i32 to index
          %parallel_loop3A_1723 = arith.index_cast %parallel_loop3A_1721 : i32 to index
          %parallel_loop3A_1724 = arith.index_cast %parallel_loop3A_1720 : i32 to index
          %parallel_loop3A_1725 = tpu.vector_load %arg5[%parallel_loop3A_1722, %parallel_loop3A_1723, %parallel_loop3A_1724] {strides = array<i32>} : memref<2x8x3200xf32, #tpu.memory_space<vmem>>, vector<1x1x16xf32>,
          %parallel_loop3A_1726 = vector.shape_cast %parallel_loop3A_1725 : vector<1x1x16xf32> to vector<16xf32>
          %parallel_loop3A_1727 = arith.constant 16 : i32
          %parallel_loop3A_1728 = arith.muli %parallel_loop3A_1690, %parallel_loop3A_1727 : i32
          %parallel_loop3A_1729 = arith.constant 2 : i32
          %parallel_loop3A_1730 = arith.index_cast %rem3A_1052 : i32 to index
          %parallel_loop3A_1731 = arith.index_cast %parallel_loop3A_1729 : i32 to index
          %parallel_loop3A_1732 = arith.index_cast %parallel_loop3A_1728 : i32 to index
          %parallel_loop3A_1733 = tpu.vector_load %arg5[%parallel_loop3A_1730, %parallel_loop3A_1731, %parallel_loop3A_1732] {strides = array<i32>} : memref<2x8x3200xf32, #tpu.memory_space<vmem>>, vector<1x1x16xf32>,
          %parallel_loop3A_1734 = vector.shape_cast %parallel_loop3A_1733 : vector<1x1x16xf32> to vector<16xf32>
          %parallel_loop3A_1735 = arith.constant 16 : i32
          %parallel_loop3A_1736 = arith.muli %parallel_loop3A_1690, %parallel_loop3A_1735 : i32
          %parallel_loop3A_1737 = arith.constant 3 : i32
          %parallel_loop3A_1738 = arith.index_cast %rem3A_1052 : i32 to index
          %parallel_loop3A_1739 = arith.index_cast %parallel_loop3A_1737 : i32 to index
          %parallel_loop3A_1740 = arith.index_cast %parallel_loop3A_1736 : i32 to index
          %parallel_loop3A_1741 = tpu.vector_load %arg5[%parallel_loop3A_1738, %parallel_loop3A_1739, %parallel_loop3A_1740] {strides = array<i32>} : memref<2x8x3200xf32, #tpu.memory_space<vmem>>, vector<1x1x16xf32>,
          %parallel_loop3A_1742 = vector.shape_cast %parallel_loop3A_1741 : vector<1x1x16xf32> to vector<16xf32>
          %parallel_loop3A_1743 = arith.maximumf %parallel_loop3A_1691, %parallel_loop3A_1718 : vector<16xf32>
          %parallel_loop3A_1744 = arith.minimumf %parallel_loop3A_1691, %parallel_loop3A_1718 : vector<16xf32>
          %parallel_loop3A_1745 = arith.maximumf %parallel_loop3A_1692, %parallel_loop3A_1726 : vector<16xf32>
          %parallel_loop3A_1746 = arith.minimumf %parallel_loop3A_1692, %parallel_loop3A_1726 : vector<16xf32>
          %parallel_loop3A_1747 = arith.maximumf %parallel_loop3A_1693, %parallel_loop3A_1734 : vector<16xf32>
          %parallel_loop3A_1748 = arith.minimumf %parallel_loop3A_1693, %parallel_loop3A_1734 : vector<16xf32>
          %parallel_loop3A_1749 = arith.maximumf %parallel_loop3A_1694, %parallel_loop3A_1742 : vector<16xf32>
          %parallel_loop3A_1750 = arith.minimumf %parallel_loop3A_1694, %parallel_loop3A_1742 : vector<16xf32>
          %parallel_loop3A_1751 = arith.maximumf %parallel_loop3A_1695, %parallel_loop3A_1744 : vector<16xf32>
          %parallel_loop3A_1752 = arith.minimumf %parallel_loop3A_1695, %parallel_loop3A_1744 : vector<16xf32>
          %parallel_loop3A_1753 = arith.maximumf %parallel_loop3A_1696, %parallel_loop3A_1746 : vector<16xf32>
          %parallel_loop3A_1754 = arith.minimumf %parallel_loop3A_1696, %parallel_loop3A_1746 : vector<16xf32>
          %parallel_loop3A_1755 = arith.maximumf %parallel_loop3A_1697, %parallel_loop3A_1748 : vector<16xf32>
          %parallel_loop3A_1756 = arith.minimumf %parallel_loop3A_1697, %parallel_loop3A_1748 : vector<16xf32>
          %parallel_loop3A_1757 = arith.maximumf %parallel_loop3A_1698, %parallel_loop3A_1750 : vector<16xf32>
          %parallel_loop3A_1758 = arith.minimumf %parallel_loop3A_1698, %parallel_loop3A_1750 : vector<16xf32>
          %parallel_loop3A_1759 = arith.maximumf %parallel_loop3A_1699, %parallel_loop3A_1752 : vector<16xf32>
          %parallel_loop3A_1760 = arith.minimumf %parallel_loop3A_1699, %parallel_loop3A_1752 : vector<16xf32>
          %parallel_loop3A_1761 = arith.maximumf %parallel_loop3A_1700, %parallel_loop3A_1754 : vector<16xf32>
          %parallel_loop3A_1762 = arith.minimumf %parallel_loop3A_1700, %parallel_loop3A_1754 : vector<16xf32>
          %parallel_loop3A_1763 = arith.maximumf %parallel_loop3A_1701, %parallel_loop3A_1756 : vector<16xf32>
          %parallel_loop3A_1764 = arith.minimumf %parallel_loop3A_1701, %parallel_loop3A_1756 : vector<16xf32>
          %parallel_loop3A_1765 = arith.maximumf %parallel_loop3A_1702, %parallel_loop3A_1758 : vector<16xf32>
          %parallel_loop3A_1766 = arith.minimumf %parallel_loop3A_1702, %parallel_loop3A_1758 : vector<16xf32>
          %parallel_loop3A_1767 = arith.maximumf %parallel_loop3A_1703, %parallel_loop3A_1760 : vector<16xf32>
          %parallel_loop3A_1768 = arith.minimumf %parallel_loop3A_1703, %parallel_loop3A_1760 : vector<16xf32>
          %parallel_loop3A_1769 = arith.maximumf %parallel_loop3A_1704, %parallel_loop3A_1762 : vector<16xf32>
          %parallel_loop3A_1770 = arith.minimumf %parallel_loop3A_1704, %parallel_loop3A_1762 : vector<16xf32>
          %parallel_loop3A_1771 = arith.maximumf %parallel_loop3A_1705, %parallel_loop3A_1764 : vector<16xf32>
          %parallel_loop3A_1772 = arith.minimumf %parallel_loop3A_1705, %parallel_loop3A_1764 : vector<16xf32>
          %parallel_loop3A_1773 = arith.maximumf %parallel_loop3A_1706, %parallel_loop3A_1766 : vector<16xf32>
          %parallel_loop3A_1774 = arith.minimumf %parallel_loop3A_1706, %parallel_loop3A_1766 : vector<16xf32>
          %parallel_loop3A_1775 = arith.maximumf %parallel_loop3A_1707, %parallel_loop3A_1768 : vector<16xf32>
          %parallel_loop3A_1776 = arith.maximumf %parallel_loop3A_1708, %parallel_loop3A_1770 : vector<16xf32>
          %parallel_loop3A_1777 = arith.maximumf %parallel_loop3A_1709, %parallel_loop3A_1772 : vector<16xf32>
          %parallel_loop3A_1778 = arith.maximumf %parallel_loop3A_1710, %parallel_loop3A_1774 : vector<16xf32>
          scf.yield %parallel_loop3A_1743, %parallel_loop3A_1745, %parallel_loop3A_1747, %parallel_loop3A_1749, %parallel_loop3A_1751, %parallel_loop3A_1753, %parallel_loop3A_1755, %parallel_loop3A_1757, %parallel_loop3A_1759, %parallel_loop3A_1761, %parallel_loop3A_1763, %parallel_loop3A_1765, %parallel_loop3A_1767, %parallel_loop3A_1769, %parallel_loop3A_1771, %parallel_loop3A_1773, %parallel_loop3A_1775, %parallel_loop3A_1776, %parallel_loop3A_1777, %parallel_loop3A_1778 : vector<16xf32>, vector<16xf32>, vector<16xf32>, vector<16xf32>, vector<16xf32>, vector<16xf32>, vector<16xf32>, vector<16xf32>, vector<16xf32>, vector<16xf32>, vector<16xf32>, vector<16xf32>, vector<16xf32>, vector<16xf32>, vector<16xf32>, vector<16xf32>, vector<16xf32>, vector<16xf32>, vector<16xf32>, vector<16xf32>
        } {sc.loop_unroll_factor = 2 : i64, sc.parallel_access}
        %swap3A_1226 = arith.constant 0 : i32
        %swap3A_1227 = arith.constant 0 : i32
        %swap3A_1228 = arith.index_cast %swap3A_1226 : i32 to index
        %swap3A_1229 = arith.index_cast %swap3A_1227 : i32 to index
        %swap3A_1230 = arith.constant 0 : index
        %swap3A_1231 = tpu.vector_load %arg7[%swap3A_1228, %swap3A_1229, %swap3A_1230] {strides = array<i32>} : memref<8x5x16xf32, #tpu.memory_space<vmem>>, vector<1x1x16xf32>,
        %swap3A_1232 = vector.shape_cast %swap3A_1231 : vector<1x1x16xf32> to vector<16xf32>
        %swap3A_1233 = vector.shape_cast %parallel_loop3A_1225#0 : vector<16xf32> to vector<1x1x16xf32>
        tpu.vector_store %arg7[%swap3A_1228, %swap3A_1229, %swap3A_1230], %swap3A_1233 {strides = array<i32>} : memref<8x5x16xf32, #tpu.memory_space<vmem>>, vector<1x1x16xf32>,
        %swap3A_1234 = arith.constant 1 : i32
        %swap3A_1235 = arith.constant 0 : i32
        %swap3A_1236 = arith.index_cast %swap3A_1234 : i32 to index
        %swap3A_1237 = arith.index_cast %swap3A_1235 : i32 to index
        %swap3A_1238 = arith.constant 0 : index
        %swap3A_1239 = tpu.vector_load %arg7[%swap3A_1236, %swap3A_1237, %swap3A_1238] {strides = array<i32>} : memref<8x5x16xf32, #tpu.memory_space<vmem>>, vector<1x1x16xf32>,
        %swap3A_1240 = vector.shape_cast %swap3A_1239 : vector<1x1x16xf32> to vector<16xf32>
        %swap3A_1241 = vector.shape_cast %parallel_loop3A_1225#1 : vector<16xf32> to vector<1x1x16xf32>
        tpu.vector_store %arg7[%swap3A_1236, %swap3A_1237, %swap3A_1238], %swap3A_1241 {strides = array<i32>} : memref<8x5x16xf32, #tpu.memory_space<vmem>>, vector<1x1x16xf32>,
        %swap3A_1242 = arith.constant 2 : i32
        %swap3A_1243 = arith.constant 0 : i32
        %swap3A_1244 = arith.index_cast %swap3A_1242 : i32 to index
        %swap3A_1245 = arith.index_cast %swap3A_1243 : i32 to index
        %swap3A_1246 = arith.constant 0 : index
        %swap3A_1247 = tpu.vector_load %arg7[%swap3A_1244, %swap3A_1245, %swap3A_1246] {strides = array<i32>} : memref<8x5x16xf32, #tpu.memory_space<vmem>>, vector<1x1x16xf32>,
        %swap3A_1248 = vector.shape_cast %swap3A_1247 : vector<1x1x16xf32> to vector<16xf32>
        %swap3A_1249 = vector.shape_cast %parallel_loop3A_1225#2 : vector<16xf32> to vector<1x1x16xf32>
        tpu.vector_store %arg7[%swap3A_1244, %swap3A_1245, %swap3A_1246], %swap3A_1249 {strides = array<i32>} : memref<8x5x16xf32, #tpu.memory_space<vmem>>, vector<1x1x16xf32>,
        %swap3A_1250 = arith.constant 3 : i32
        %swap3A_1251 = arith.constant 0 : i32
        %swap3A_1252 = arith.index_cast %swap3A_1250 : i32 to index
        %swap3A_1253 = arith.index_cast %swap3A_1251 : i32 to index
        %swap3A_1254 = arith.constant 0 : index
        %swap3A_1255 = tpu.vector_load %arg7[%swap3A_1252, %swap3A_1253, %swap3A_1254] {strides = array<i32>} : memref<8x5x16xf32, #tpu.memory_space<vmem>>, vector<1x1x16xf32>,
        %swap3A_1256 = vector.shape_cast %swap3A_1255 : vector<1x1x16xf32> to vector<16xf32>
        %swap3A_1257 = vector.shape_cast %parallel_loop3A_1225#3 : vector<16xf32> to vector<1x1x16xf32>
        tpu.vector_store %arg7[%swap3A_1252, %swap3A_1253, %swap3A_1254], %swap3A_1257 {strides = array<i32>} : memref<8x5x16xf32, #tpu.memory_space<vmem>>, vector<1x1x16xf32>,
        %swap3A_1258 = arith.constant 0 : i32
        %swap3A_1259 = arith.constant 1 : i32
        %swap3A_1260 = arith.index_cast %swap3A_1258 : i32 to index
        %swap3A_1261 = arith.index_cast %swap3A_1259 : i32 to index
        %swap3A_1262 = arith.constant 0 : index
        %swap3A_1263 = tpu.vector_load %arg7[%swap3A_1260, %swap3A_1261, %swap3A_1262] {strides = array<i32>} : memref<8x5x16xf32, #tpu.memory_space<vmem>>, vector<1x1x16xf32>,
        %swap3A_1264 = vector.shape_cast %swap3A_1263 : vector<1x1x16xf32> to vector<16xf32>
        %swap3A_1265 = vector.shape_cast %parallel_loop3A_1225#4 : vector<16xf32> to vector<1x1x16xf32>
        tpu.vector_store %arg7[%swap3A_1260, %swap3A_1261, %swap3A_1262], %swap3A_1265 {strides = array<i32>} : memref<8x5x16xf32, #tpu.memory_space<vmem>>, vector<1x1x16xf32>,
        %swap3A_1266 = arith.constant 1 : i32
        %swap3A_1267 = arith.constant 1 : i32
        %swap3A_1268 = arith.index_cast %swap3A_1266 : i32 to index
        %swap3A_1269 = arith.index_cast %swap3A_1267 : i32 to index
        %swap3A_1270 = arith.constant 0 : index
        %swap3A_1271 = tpu.vector_load %arg7[%swap3A_1268, %swap3A_1269, %swap3A_1270] {strides = array<i32>} : memref<8x5x16xf32, #tpu.memory_space<vmem>>, vector<1x1x16xf32>,
        %swap3A_1272 = vector.shape_cast %swap3A_1271 : vector<1x1x16xf32> to vector<16xf32>
        %swap3A_1273 = vector.shape_cast %parallel_loop3A_1225#5 : vector<16xf32> to vector<1x1x16xf32>
        tpu.vector_store %arg7[%swap3A_1268, %swap3A_1269, %swap3A_1270], %swap3A_1273 {strides = array<i32>} : memref<8x5x16xf32, #tpu.memory_space<vmem>>, vector<1x1x16xf32>,
        %swap3A_1274 = arith.constant 2 : i32
        %swap3A_1275 = arith.constant 1 : i32
        %swap3A_1276 = arith.index_cast %swap3A_1274 : i32 to index
        %swap3A_1277 = arith.index_cast %swap3A_1275 : i32 to index
        %swap3A_1278 = arith.constant 0 : index
        %swap3A_1279 = tpu.vector_load %arg7[%swap3A_1276, %swap3A_1277, %swap3A_1278] {strides = array<i32>} : memref<8x5x16xf32, #tpu.memory_space<vmem>>, vector<1x1x16xf32>,
        %swap3A_1280 = vector.shape_cast %swap3A_1279 : vector<1x1x16xf32> to vector<16xf32>
        %swap3A_1281 = vector.shape_cast %parallel_loop3A_1225#6 : vector<16xf32> to vector<1x1x16xf32>
        tpu.vector_store %arg7[%swap3A_1276, %swap3A_1277, %swap3A_1278], %swap3A_1281 {strides = array<i32>} : memref<8x5x16xf32, #tpu.memory_space<vmem>>, vector<1x1x16xf32>,
        %swap3A_1282 = arith.constant 3 : i32
        %swap3A_1283 = arith.constant 1 : i32
        %swap3A_1284 = arith.index_cast %swap3A_1282 : i32 to index
        %swap3A_1285 = arith.index_cast %swap3A_1283 : i32 to index
        %swap3A_1286 = arith.constant 0 : index
        %swap3A_1287 = tpu.vector_load %arg7[%swap3A_1284, %swap3A_1285, %swap3A_1286] {strides = array<i32>} : memref<8x5x16xf32, #tpu.memory_space<vmem>>, vector<1x1x16xf32>,
        %swap3A_1288 = vector.shape_cast %swap3A_1287 : vector<1x1x16xf32> to vector<16xf32>
        %swap3A_1289 = vector.shape_cast %parallel_loop3A_1225#7 : vector<16xf32> to vector<1x1x16xf32>
        tpu.vector_store %arg7[%swap3A_1284, %swap3A_1285, %swap3A_1286], %swap3A_1289 {strides = array<i32>} : memref<8x5x16xf32, #tpu.memory_space<vmem>>, vector<1x1x16xf32>,
        %swap3A_1290 = arith.constant 0 : i32
        %swap3A_1291 = arith.constant 2 : i32
        %swap3A_1292 = arith.index_cast %swap3A_1290 : i32 to index
        %swap3A_1293 = arith.index_cast %swap3A_1291 : i32 to index
        %swap3A_1294 = arith.constant 0 : index
        %swap3A_1295 = tpu.vector_load %arg7[%swap3A_1292, %swap3A_1293, %swap3A_1294] {strides = array<i32>} : memref<8x5x16xf32, #tpu.memory_space<vmem>>, vector<1x1x16xf32>,
        %swap3A_1296 = vector.shape_cast %swap3A_1295 : vector<1x1x16xf32> to vector<16xf32>
        %swap3A_1297 = vector.shape_cast %parallel_loop3A_1225#8 : vector<16xf32> to vector<1x1x16xf32>
        tpu.vector_store %arg7[%swap3A_1292, %swap3A_1293, %swap3A_1294], %swap3A_1297 {strides = array<i32>} : memref<8x5x16xf32, #tpu.memory_space<vmem>>, vector<1x1x16xf32>,
        %swap3A_1298 = arith.constant 1 : i32
        %swap3A_1299 = arith.constant 2 : i32
        %swap3A_1300 = arith.index_cast %swap3A_1298 : i32 to index
        %swap3A_1301 = arith.index_cast %swap3A_1299 : i32 to index
        %swap3A_1302 = arith.constant 0 : index
        %swap3A_1303 = tpu.vector_load %arg7[%swap3A_1300, %swap3A_1301, %swap3A_1302] {strides = array<i32>} : memref<8x5x16xf32, #tpu.memory_space<vmem>>, vector<1x1x16xf32>,
        %swap3A_1304 = vector.shape_cast %swap3A_1303 : vector<1x1x16xf32> to vector<16xf32>
        %swap3A_1305 = vector.shape_cast %parallel_loop3A_1225#9 : vector<16xf32> to vector<1x1x16xf32>
        tpu.vector_store %arg7[%swap3A_1300, %swap3A_1301, %swap3A_1302], %swap3A_1305 {strides = array<i32>} : memref<8x5x16xf32, #tpu.memory_space<vmem>>, vector<1x1x16xf32>,
        %swap3A_1306 = arith.constant 2 : i32
        %swap3A_1307 = arith.constant 2 : i32
        %swap3A_1308 = arith.index_cast %swap3A_1306 : i32 to index
        %swap3A_1309 = arith.index_cast %swap3A_1307 : i32 to index
        %swap3A_1310 = arith.constant 0 : index
        %swap3A_1311 = tpu.vector_load %arg7[%swap3A_1308, %swap3A_1309, %swap3A_1310] {strides = array<i32>} : memref<8x5x16xf32, #tpu.memory_space<vmem>>, vector<1x1x16xf32>,
        %swap3A_1312 = vector.shape_cast %swap3A_1311 : vector<1x1x16xf32> to vector<16xf32>
        %swap3A_1313 = vector.shape_cast %parallel_loop3A_1225#10 : vector<16xf32> to vector<1x1x16xf32>
        tpu.vector_store %arg7[%swap3A_1308, %swap3A_1309, %swap3A_1310], %swap3A_1313 {strides = array<i32>} : memref<8x5x16xf32, #tpu.memory_space<vmem>>, vector<1x1x16xf32>,
        %swap3A_1314 = arith.constant 3 : i32
        %swap3A_1315 = arith.constant 2 : i32
        %swap3A_1316 = arith.index_cast %swap3A_1314 : i32 to index
        %swap3A_1317 = arith.index_cast %swap3A_1315 : i32 to index
        %swap3A_1318 = arith.constant 0 : index
        %swap3A_1319 = tpu.vector_load %arg7[%swap3A_1316, %swap3A_1317, %swap3A_1318] {strides = array<i32>} : memref<8x5x16xf32, #tpu.memory_space<vmem>>, vector<1x1x16xf32>,
        %swap3A_1320 = vector.shape_cast %swap3A_1319 : vector<1x1x16xf32> to vector<16xf32>
        %swap3A_1321 = vector.shape_cast %parallel_loop3A_1225#11 : vector<16xf32> to vector<1x1x16xf32>
        tpu.vector_store %arg7[%swap3A_1316, %swap3A_1317, %swap3A_1318], %swap3A_1321 {strides = array<i32>} : memref<8x5x16xf32, #tpu.memory_space<vmem>>, vector<1x1x16xf32>,
        %swap3A_1322 = arith.constant 0 : i32
        %swap3A_1323 = arith.constant 3 : i32
        %swap3A_1324 = arith.index_cast %swap3A_1322 : i32 to index
        %swap3A_1325 = arith.index_cast %swap3A_1323 : i32 to index
        %swap3A_1326 = arith.constant 0 : index
        %swap3A_1327 = tpu.vector_load %arg7[%swap3A_1324, %swap3A_1325, %swap3A_1326] {strides = array<i32>} : memref<8x5x16xf32, #tpu.memory_space<vmem>>, vector<1x1x16xf32>,
        %swap3A_1328 = vector.shape_cast %swap3A_1327 : vector<1x1x16xf32> to vector<16xf32>
        %swap3A_1329 = vector.shape_cast %parallel_loop3A_1225#12 : vector<16xf32> to vector<1x1x16xf32>
        tpu.vector_store %arg7[%swap3A_1324, %swap3A_1325, %swap3A_1326], %swap3A_1329 {strides = array<i32>} : memref<8x5x16xf32, #tpu.memory_space<vmem>>, vector<1x1x16xf32>,
        %swap3A_1330 = arith.constant 1 : i32
        %swap3A_1331 = arith.constant 3 : i32
        %swap3A_1332 = arith.index_cast %swap3A_1330 : i32 to index
        %swap3A_1333 = arith.index_cast %swap3A_1331 : i32 to index
        %swap3A_1334 = arith.constant 0 : index
        %swap3A_1335 = tpu.vector_load %arg7[%swap3A_1332, %swap3A_1333, %swap3A_1334] {strides = array<i32>} : memref<8x5x16xf32, #tpu.memory_space<vmem>>, vector<1x1x16xf32>,
        %swap3A_1336 = vector.shape_cast %swap3A_1335 : vector<1x1x16xf32> to vector<16xf32>
        %swap3A_1337 = vector.shape_cast %parallel_loop3A_1225#13 : vector<16xf32> to vector<1x1x16xf32>
        tpu.vector_store %arg7[%swap3A_1332, %swap3A_1333, %swap3A_1334], %swap3A_1337 {strides = array<i32>} : memref<8x5x16xf32, #tpu.memory_space<vmem>>, vector<1x1x16xf32>,
        %swap3A_1338 = arith.constant 2 : i32
        %swap3A_1339 = arith.constant 3 : i32
        %swap3A_1340 = arith.index_cast %swap3A_1338 : i32 to index
        %swap3A_1341 = arith.index_cast %swap3A_1339 : i32 to index
        %swap3A_1342 = arith.constant 0 : index
        %swap3A_1343 = tpu.vector_load %arg7[%swap3A_1340, %swap3A_1341, %swap3A_1342] {strides = array<i32>} : memref<8x5x16xf32, #tpu.memory_space<vmem>>, vector<1x1x16xf32>,
        %swap3A_1344 = vector.shape_cast %swap3A_1343 : vector<1x1x16xf32> to vector<16xf32>
        %swap3A_1345 = vector.shape_cast %parallel_loop3A_1225#14 : vector<16xf32> to vector<1x1x16xf32>
        tpu.vector_store %arg7[%swap3A_1340, %swap3A_1341, %swap3A_1342], %swap3A_1345 {strides = array<i32>} : memref<8x5x16xf32, #tpu.memory_space<vmem>>, vector<1x1x16xf32>,
        %swap3A_1346 = arith.constant 3 : i32
        %swap3A_1347 = arith.constant 3 : i32
        %swap3A_1348 = arith.index_cast %swap3A_1346 : i32 to index
        %swap3A_1349 = arith.index_cast %swap3A_1347 : i32 to index
        %swap3A_1350 = arith.constant 0 : index
        %swap3A_1351 = tpu.vector_load %arg7[%swap3A_1348, %swap3A_1349, %swap3A_1350] {strides = array<i32>} : memref<8x5x16xf32, #tpu.memory_space<vmem>>, vector<1x1x16xf32>,
        %swap3A_1352 = vector.shape_cast %swap3A_1351 : vector<1x1x16xf32> to vector<16xf32>
        %swap3A_1353 = vector.shape_cast %parallel_loop3A_1225#15 : vector<16xf32> to vector<1x1x16xf32>
        tpu.vector_store %arg7[%swap3A_1348, %swap3A_1349, %swap3A_1350], %swap3A_1353 {strides = array<i32>} : memref<8x5x16xf32, #tpu.memory_space<vmem>>, vector<1x1x16xf32>,
        %swap3A_1354 = arith.constant 0 : i32
        %swap3A_1355 = arith.constant 4 : i32
        %swap3A_1356 = arith.index_cast %swap3A_1354 : i32 to index
        %swap3A_1357 = arith.index_cast %swap3A_1355 : i32 to index
        %swap3A_1358 = arith.constant 0 : index
        %swap3A_1359 = tpu.vector_load %arg7[%swap3A_1356, %swap3A_1357, %swap3A_1358] {strides = array<i32>} : memref<8x5x16xf32, #tpu.memory_space<vmem>>, vector<1x1x16xf32>,
        %swap3A_1360 = vector.shape_cast %swap3A_1359 : vector<1x1x16xf32> to vector<16xf32>
        %swap3A_1361 = vector.shape_cast %parallel_loop3A_1225#16 : vector<16xf32> to vector<1x1x16xf32>
        tpu.vector_store %arg7[%swap3A_1356, %swap3A_1357, %swap3A_1358], %swap3A_1361 {strides = array<i32>} : memref<8x5x16xf32, #tpu.memory_space<vmem>>, vector<1x1x16xf32>,
        %swap3A_1362 = arith.constant 1 : i32
        %swap3A_1363 = arith.constant 4 : i32
        %swap3A_1364 = arith.index_cast %swap3A_1362 : i32 to index
        %swap3A_1365 = arith.index_cast %swap3A_1363 : i32 to index
        %swap3A_1366 = arith.constant 0 : index
        %swap3A_1367 = tpu.vector_load %arg7[%swap3A_1364, %swap3A_1365, %swap3A_1366] {strides = array<i32>} : memref<8x5x16xf32, #tpu.memory_space<vmem>>, vector<1x1x16xf32>,
        %swap3A_1368 = vector.shape_cast %swap3A_1367 : vector<1x1x16xf32> to vector<16xf32>
        %swap3A_1369 = vector.shape_cast %parallel_loop3A_1225#17 : vector<16xf32> to vector<1x1x16xf32>
        tpu.vector_store %arg7[%swap3A_1364, %swap3A_1365, %swap3A_1366], %swap3A_1369 {strides = array<i32>} : memref<8x5x16xf32, #tpu.memory_space<vmem>>, vector<1x1x16xf32>,
        %swap3A_1370 = arith.constant 2 : i32
        %swap3A_1371 = arith.constant 4 : i32
        %swap3A_1372 = arith.index_cast %swap3A_1370 : i32 to index
        %swap3A_1373 = arith.index_cast %swap3A_1371 : i32 to index
        %swap3A_1374 = arith.constant 0 : index
        %swap3A_1375 = tpu.vector_load %arg7[%swap3A_1372, %swap3A_1373, %swap3A_1374] {strides = array<i32>} : memref<8x5x16xf32, #tpu.memory_space<vmem>>, vector<1x1x16xf32>,
        %swap3A_1376 = vector.shape_cast %swap3A_1375 : vector<1x1x16xf32> to vector<16xf32>
        %swap3A_1377 = vector.shape_cast %parallel_loop3A_1225#18 : vector<16xf32> to vector<1x1x16xf32>
        tpu.vector_store %arg7[%swap3A_1372, %swap3A_1373, %swap3A_1374], %swap3A_1377 {strides = array<i32>} : memref<8x5x16xf32, #tpu.memory_space<vmem>>, vector<1x1x16xf32>,
        %swap3A_1378 = arith.constant 3 : i32
        %swap3A_1379 = arith.constant 4 : i32
        %swap3A_1380 = arith.index_cast %swap3A_1378 : i32 to index
        %swap3A_1381 = arith.index_cast %swap3A_1379 : i32 to index
        %swap3A_1382 = arith.constant 0 : index
        %swap3A_1383 = tpu.vector_load %arg7[%swap3A_1380, %swap3A_1381, %swap3A_1382] {strides = array<i32>} : memref<8x5x16xf32, #tpu.memory_space<vmem>>, vector<1x1x16xf32>,
        %swap3A_1384 = vector.shape_cast %swap3A_1383 : vector<1x1x16xf32> to vector<16xf32>
        %swap3A_1385 = vector.shape_cast %parallel_loop3A_1225#19 : vector<16xf32> to vector<1x1x16xf32>
        tpu.vector_store %arg7[%swap3A_1380, %swap3A_1381, %swap3A_1382], %swap3A_1385 {strides = array<i32>} : memref<8x5x16xf32, #tpu.memory_space<vmem>>, vector<1x1x16xf32>,
        %get3A_1386 = arith.constant 4 : i32
        %get3A_1387 = arith.constant 0 : i32
        %get3A_1388 = arith.index_cast %get3A_1386 : i32 to index
        %get3A_1389 = arith.index_cast %get3A_1387 : i32 to index
        %get3A_1390 = arith.constant 0 : index
        %get3A_1391 = tpu.vector_load %arg7[%get3A_1388, %get3A_1389, %get3A_1390] {strides = array<i32>} : memref<8x5x16xf32, #tpu.memory_space<vmem>>, vector<1x1x16xf32>,
        %get3A_1392 = vector.shape_cast %get3A_1391 : vector<1x1x16xf32> to vector<16xf32>
        %get3A_1393 = arith.constant 5 : i32
        %get3A_1394 = arith.constant 0 : i32
        %get3A_1395 = arith.index_cast %get3A_1393 : i32 to index
        %get3A_1396 = arith.index_cast %get3A_1394 : i32 to index
        %get3A_1397 = arith.constant 0 : index
        %get3A_1398 = tpu.vector_load %arg7[%get3A_1395, %get3A_1396, %get3A_1397] {strides = array<i32>} : memref<8x5x16xf32, #tpu.memory_space<vmem>>, vector<1x1x16xf32>,
        %get3A_1399 = vector.shape_cast %get3A_1398 : vector<1x1x16xf32> to vector<16xf32>
        %get3A_1400 = arith.constant 6 : i32
        %get3A_1401 = arith.constant 0 : i32
        %get3A_1402 = arith.index_cast %get3A_1400 : i32 to index
        %get3A_1403 = arith.index_cast %get3A_1401 : i32 to index
        %get3A_1404 = arith.constant 0 : index
        %get3A_1405 = tpu.vector_load %arg7[%get3A_1402, %get3A_1403, %get3A_1404] {strides = array<i32>} : memref<8x5x16xf32, #tpu.memory_space<vmem>>, vector<1x1x16xf32>,
        %get3A_1406 = vector.shape_cast %get3A_1405 : vector<1x1x16xf32> to vector<16xf32>
        %get3A_1407 = arith.constant 7 : i32
        %get3A_1408 = arith.constant 0 : i32
        %get3A_1409 = arith.index_cast %get3A_1407 : i32 to index
        %get3A_1410 = arith.index_cast %get3A_1408 : i32 to index
        %get3A_1411 = arith.constant 0 : index
        %get3A_1412 = tpu.vector_load %arg7[%get3A_1409, %get3A_1410, %get3A_1411] {strides = array<i32>} : memref<8x5x16xf32, #tpu.memory_space<vmem>>, vector<1x1x16xf32>,
        %get3A_1413 = vector.shape_cast %get3A_1412 : vector<1x1x16xf32> to vector<16xf32>
        %get3A_1414 = arith.constant 4 : i32
        %get3A_1415 = arith.constant 1 : i32
        %get3A_1416 = arith.index_cast %get3A_1414 : i32 to index
        %get3A_1417 = arith.index_cast %get3A_1415 : i32 to index
        %get3A_1418 = arith.constant 0 : index
        %get3A_1419 = tpu.vector_load %arg7[%get3A_1416, %get3A_1417, %get3A_1418] {strides = array<i32>} : memref<8x5x16xf32, #tpu.memory_space<vmem>>, vector<1x1x16xf32>,
        %get3A_1420 = vector.shape_cast %get3A_1419 : vector<1x1x16xf32> to vector<16xf32>
        %get3A_1421 = arith.constant 5 : i32
        %get3A_1422 = arith.constant 1 : i32
        %get3A_1423 = arith.index_cast %get3A_1421 : i32 to index
        %get3A_1424 = arith.index_cast %get3A_1422 : i32 to index
        %get3A_1425 = arith.constant 0 : index
        %get3A_1426 = tpu.vector_load %arg7[%get3A_1423, %get3A_1424, %get3A_1425] {strides = array<i32>} : memref<8x5x16xf32, #tpu.memory_space<vmem>>, vector<1x1x16xf32>,
        %get3A_1427 = vector.shape_cast %get3A_1426 : vector<1x1x16xf32> to vector<16xf32>
        %get3A_1428 = arith.constant 6 : i32
        %get3A_1429 = arith.constant 1 : i32
        %get3A_1430 = arith.index_cast %get3A_1428 : i32 to index
        %get3A_1431 = arith.index_cast %get3A_1429 : i32 to index
        %get3A_1432 = arith.constant 0 : index
        %get3A_1433 = tpu.vector_load %arg7[%get3A_1430, %get3A_1431, %get3A_1432] {strides = array<i32>} : memref<8x5x16xf32, #tpu.memory_space<vmem>>, vector<1x1x16xf32>,
        %get3A_1434 = vector.shape_cast %get3A_1433 : vector<1x1x16xf32> to vector<16xf32>
        %get3A_1435 = arith.constant 7 : i32
        %get3A_1436 = arith.constant 1 : i32
        %get3A_1437 = arith.index_cast %get3A_1435 : i32 to index
        %get3A_1438 = arith.index_cast %get3A_1436 : i32 to index
        %get3A_1439 = arith.constant 0 : index
        %get3A_1440 = tpu.vector_load %arg7[%get3A_1437, %get3A_1438, %get3A_1439] {strides = array<i32>} : memref<8x5x16xf32, #tpu.memory_space<vmem>>, vector<1x1x16xf32>,
        %get3A_1441 = vector.shape_cast %get3A_1440 : vector<1x1x16xf32> to vector<16xf32>
        %get3A_1442 = arith.constant 4 : i32
        %get3A_1443 = arith.constant 2 : i32
        %get3A_1444 = arith.index_cast %get3A_1442 : i32 to index
        %get3A_1445 = arith.index_cast %get3A_1443 : i32 to index
        %get3A_1446 = arith.constant 0 : index
        %get3A_1447 = tpu.vector_load %arg7[%get3A_1444, %get3A_1445, %get3A_1446] {strides = array<i32>} : memref<8x5x16xf32, #tpu.memory_space<vmem>>, vector<1x1x16xf32>,
        %get3A_1448 = vector.shape_cast %get3A_1447 : vector<1x1x16xf32> to vector<16xf32>
        %get3A_1449 = arith.constant 5 : i32
        %get3A_1450 = arith.constant 2 : i32
        %get3A_1451 = arith.index_cast %get3A_1449 : i32 to index
        %get3A_1452 = arith.index_cast %get3A_1450 : i32 to index
        %get3A_1453 = arith.constant 0 : index
        %get3A_1454 = tpu.vector_load %arg7[%get3A_1451, %get3A_1452, %get3A_1453] {strides = array<i32>} : memref<8x5x16xf32, #tpu.memory_space<vmem>>, vector<1x1x16xf32>,
        %get3A_1455 = vector.shape_cast %get3A_1454 : vector<1x1x16xf32> to vector<16xf32>
        %get3A_1456 = arith.constant 6 : i32
        %get3A_1457 = arith.constant 2 : i32
        %get3A_1458 = arith.index_cast %get3A_1456 : i32 to index
        %get3A_1459 = arith.index_cast %get3A_1457 : i32 to index
        %get3A_1460 = arith.constant 0 : index
        %get3A_1461 = tpu.vector_load %arg7[%get3A_1458, %get3A_1459, %get3A_1460] {strides = array<i32>} : memref<8x5x16xf32, #tpu.memory_space<vmem>>, vector<1x1x16xf32>,
        %get3A_1462 = vector.shape_cast %get3A_1461 : vector<1x1x16xf32> to vector<16xf32>
        %get3A_1463 = arith.constant 7 : i32
        %get3A_1464 = arith.constant 2 : i32
        %get3A_1465 = arith.index_cast %get3A_1463 : i32 to index
        %get3A_1466 = arith.index_cast %get3A_1464 : i32 to index
        %get3A_1467 = arith.constant 0 : index
        %get3A_1468 = tpu.vector_load %arg7[%get3A_1465, %get3A_1466, %get3A_1467] {strides = array<i32>} : memref<8x5x16xf32, #tpu.memory_space<vmem>>, vector<1x1x16xf32>,
        %get3A_1469 = vector.shape_cast %get3A_1468 : vector<1x1x16xf32> to vector<16xf32>
        %get3A_1470 = arith.constant 4 : i32
        %get3A_1471 = arith.constant 3 : i32
        %get3A_1472 = arith.index_cast %get3A_1470 : i32 to index
        %get3A_1473 = arith.index_cast %get3A_1471 : i32 to index
        %get3A_1474 = arith.constant 0 : index
        %get3A_1475 = tpu.vector_load %arg7[%get3A_1472, %get3A_1473, %get3A_1474] {strides = array<i32>} : memref<8x5x16xf32, #tpu.memory_space<vmem>>, vector<1x1x16xf32>,
        %get3A_1476 = vector.shape_cast %get3A_1475 : vector<1x1x16xf32> to vector<16xf32>
        %get3A_1477 = arith.constant 5 : i32
        %get3A_1478 = arith.constant 3 : i32
        %get3A_1479 = arith.index_cast %get3A_1477 : i32 to index
        %get3A_1480 = arith.index_cast %get3A_1478 : i32 to index
        %get3A_1481 = arith.constant 0 : index
        %get3A_1482 = tpu.vector_load %arg7[%get3A_1479, %get3A_1480, %get3A_1481] {strides = array<i32>} : memref<8x5x16xf32, #tpu.memory_space<vmem>>, vector<1x1x16xf32>,
        %get3A_1483 = vector.shape_cast %get3A_1482 : vector<1x1x16xf32> to vector<16xf32>
        %get3A_1484 = arith.constant 6 : i32
        %get3A_1485 = arith.constant 3 : i32
        %get3A_1486 = arith.index_cast %get3A_1484 : i32 to index
        %get3A_1487 = arith.index_cast %get3A_1485 : i32 to index
        %get3A_1488 = arith.constant 0 : index
        %get3A_1489 = tpu.vector_load %arg7[%get3A_1486, %get3A_1487, %get3A_1488] {strides = array<i32>} : memref<8x5x16xf32, #tpu.memory_space<vmem>>, vector<1x1x16xf32>,
        %get3A_1490 = vector.shape_cast %get3A_1489 : vector<1x1x16xf32> to vector<16xf32>
        %get3A_1491 = arith.constant 7 : i32
        %get3A_1492 = arith.constant 3 : i32
        %get3A_1493 = arith.index_cast %get3A_1491 : i32 to index
        %get3A_1494 = arith.index_cast %get3A_1492 : i32 to index
        %get3A_1495 = arith.constant 0 : index
        %get3A_1496 = tpu.vector_load %arg7[%get3A_1493, %get3A_1494, %get3A_1495] {strides = array<i32>} : memref<8x5x16xf32, #tpu.memory_space<vmem>>, vector<1x1x16xf32>,
        %get3A_1497 = vector.shape_cast %get3A_1496 : vector<1x1x16xf32> to vector<16xf32>
        %get3A_1498 = arith.constant 4 : i32
        %get3A_1499 = arith.constant 4 : i32
        %get3A_1500 = arith.index_cast %get3A_1498 : i32 to index
        %get3A_1501 = arith.index_cast %get3A_1499 : i32 to index
        %get3A_1502 = arith.constant 0 : index
        %get3A_1503 = tpu.vector_load %arg7[%get3A_1500, %get3A_1501, %get3A_1502] {strides = array<i32>} : memref<8x5x16xf32, #tpu.memory_space<vmem>>, vector<1x1x16xf32>,
        %get3A_1504 = vector.shape_cast %get3A_1503 : vector<1x1x16xf32> to vector<16xf32>
        %get3A_1505 = arith.constant 5 : i32
        %get3A_1506 = arith.constant 4 : i32
        %get3A_1507 = arith.index_cast %get3A_1505 : i32 to index
        %get3A_1508 = arith.index_cast %get3A_1506 : i32 to index
        %get3A_1509 = arith.constant 0 : index
        %get3A_1510 = tpu.vector_load %arg7[%get3A_1507, %get3A_1508, %get3A_1509] {strides = array<i32>} : memref<8x5x16xf32, #tpu.memory_space<vmem>>, vector<1x1x16xf32>,
        %get3A_1511 = vector.shape_cast %get3A_1510 : vector<1x1x16xf32> to vector<16xf32>
        %get3A_1512 = arith.constant 6 : i32
        %get3A_1513 = arith.constant 4 : i32
        %get3A_1514 = arith.index_cast %get3A_1512 : i32 to index
        %get3A_1515 = arith.index_cast %get3A_1513 : i32 to index
        %get3A_1516 = arith.constant 0 : index
        %get3A_1517 = tpu.vector_load %arg7[%get3A_1514, %get3A_1515, %get3A_1516] {strides = array<i32>} : memref<8x5x16xf32, #tpu.memory_space<vmem>>, vector<1x1x16xf32>,
        %get3A_1518 = vector.shape_cast %get3A_1517 : vector<1x1x16xf32> to vector<16xf32>
        %get3A_1519 = arith.constant 7 : i32
        %get3A_1520 = arith.constant 4 : i32
        %get3A_1521 = arith.index_cast %get3A_1519 : i32 to index
        %get3A_1522 = arith.index_cast %get3A_1520 : i32 to index
        %get3A_1523 = arith.constant 0 : index
        %get3A_1524 = tpu.vector_load %arg7[%get3A_1521, %get3A_1522, %get3A_1523] {strides = array<i32>} : memref<8x5x16xf32, #tpu.memory_space<vmem>>, vector<1x1x16xf32>,
        %get3A_1525 = vector.shape_cast %get3A_1524 : vector<1x1x16xf32> to vector<16xf32>
        %parallel_loop3A_1526 = arith.constant 0 : i32
        %parallel_loop3A_1527 = arith.constant 200 : i32
        %parallel_loop3A_1528 = arith.constant 1 : i32
        %parallel_loop3A_1529:20 = scf.for %parallel_loop3A_1690 = %parallel_loop3A_1526 to %parallel_loop3A_1527 step %parallel_loop3A_1528 iter_args(%parallel_loop3A_1691 = %get3A_1392, %parallel_loop3A_1692 = %get3A_1399, %parallel_loop3A_1693 = %get3A_1406, %parallel_loop3A_1694 = %get3A_1413, %parallel_loop3A_1695 = %get3A_1420, %parallel_loop3A_1696 = %get3A_1427, %parallel_loop3A_1697 = %get3A_1434, %parallel_loop3A_1698 = %get3A_1441, %parallel_loop3A_1699 = %get3A_1448, %parallel_loop3A_1700 = %get3A_1455, %parallel_loop3A_1701 = %get3A_1462, %parallel_loop3A_1702 = %get3A_1469, %parallel_loop3A_1703 = %get3A_1476, %parallel_loop3A_1704 = %get3A_1483, %parallel_loop3A_1705 = %get3A_1490, %parallel_loop3A_1706 = %get3A_1497, %parallel_loop3A_1707 = %get3A_1504, %parallel_loop3A_1708 = %get3A_1511, %parallel_loop3A_1709 = %get3A_1518, %parallel_loop3A_1710 = %get3A_1525) -> (vector<16xf32>, vector<16xf32>, vector<16xf32>, vector<16xf32>, vector<16xf32>, vector<16xf32>, vector<16xf32>, vector<16xf32>, vector<16xf32>, vector<16xf32>, vector<16xf32>, vector<16xf32>, vector<16xf32>, vector<16xf32>, vector<16xf32>, vector<16xf32>, vector<16xf32>, vector<16xf32>, vector<16xf32>, vector<16xf32>)  : i32 {
          %parallel_loop3A_1711 = arith.constant 16 : i32
          %parallel_loop3A_1712 = arith.muli %parallel_loop3A_1690, %parallel_loop3A_1711 : i32
          %parallel_loop3A_1713 = arith.constant 4 : i32
          %parallel_loop3A_1714 = arith.index_cast %rem3A_1052 : i32 to index
          %parallel_loop3A_1715 = arith.index_cast %parallel_loop3A_1713 : i32 to index
          %parallel_loop3A_1716 = arith.index_cast %parallel_loop3A_1712 : i32 to index
          %parallel_loop3A_1717 = tpu.vector_load %arg5[%parallel_loop3A_1714, %parallel_loop3A_1715, %parallel_loop3A_1716] {strides = array<i32>} : memref<2x8x3200xf32, #tpu.memory_space<vmem>>, vector<1x1x16xf32>,
          %parallel_loop3A_1718 = vector.shape_cast %parallel_loop3A_1717 : vector<1x1x16xf32> to vector<16xf32>
          %parallel_loop3A_1719 = arith.constant 16 : i32
          %parallel_loop3A_1720 = arith.muli %parallel_loop3A_1690, %parallel_loop3A_1719 : i32
          %parallel_loop3A_1721 = arith.constant 5 : i32
          %parallel_loop3A_1722 = arith.index_cast %rem3A_1052 : i32 to index
          %parallel_loop3A_1723 = arith.index_cast %parallel_loop3A_1721 : i32 to index
          %parallel_loop3A_1724 = arith.index_cast %parallel_loop3A_1720 : i32 to index
          %parallel_loop3A_1725 = tpu.vector_load %arg5[%parallel_loop3A_1722, %parallel_loop3A_1723, %parallel_loop3A_1724] {strides = array<i32>} : memref<2x8x3200xf32, #tpu.memory_space<vmem>>, vector<1x1x16xf32>,
          %parallel_loop3A_1726 = vector.shape_cast %parallel_loop3A_1725 : vector<1x1x16xf32> to vector<16xf32>
          %parallel_loop3A_1727 = arith.constant 16 : i32
          %parallel_loop3A_1728 = arith.muli %parallel_loop3A_1690, %parallel_loop3A_1727 : i32
          %parallel_loop3A_1729 = arith.constant 6 : i32
          %parallel_loop3A_1730 = arith.index_cast %rem3A_1052 : i32 to index
          %parallel_loop3A_1731 = arith.index_cast %parallel_loop3A_1729 : i32 to index
          %parallel_loop3A_1732 = arith.index_cast %parallel_loop3A_1728 : i32 to index
          %parallel_loop3A_1733 = tpu.vector_load %arg5[%parallel_loop3A_1730, %parallel_loop3A_1731, %parallel_loop3A_1732] {strides = array<i32>} : memref<2x8x3200xf32, #tpu.memory_space<vmem>>, vector<1x1x16xf32>,
          %parallel_loop3A_1734 = vector.shape_cast %parallel_loop3A_1733 : vector<1x1x16xf32> to vector<16xf32>
          %parallel_loop3A_1735 = arith.constant 16 : i32
          %parallel_loop3A_1736 = arith.muli %parallel_loop3A_1690, %parallel_loop3A_1735 : i32
          %parallel_loop3A_1737 = arith.constant 7 : i32
          %parallel_loop3A_1738 = arith.index_cast %rem3A_1052 : i32 to index
          %parallel_loop3A_1739 = arith.index_cast %parallel_loop3A_1737 : i32 to index
          %parallel_loop3A_1740 = arith.index_cast %parallel_loop3A_1736 : i32 to index
          %parallel_loop3A_1741 = tpu.vector_load %arg5[%parallel_loop3A_1738, %parallel_loop3A_1739, %parallel_loop3A_1740] {strides = array<i32>} : memref<2x8x3200xf32, #tpu.memory_space<vmem>>, vector<1x1x16xf32>,
          %parallel_loop3A_1742 = vector.shape_cast %parallel_loop3A_1741 : vector<1x1x16xf32> to vector<16xf32>
          %parallel_loop3A_1743 = arith.maximumf %parallel_loop3A_1691, %parallel_loop3A_1718 : vector<16xf32>
          %parallel_loop3A_1744 = arith.minimumf %parallel_loop3A_1691, %parallel_loop3A_1718 : vector<16xf32>
          %parallel_loop3A_1745 = arith.maximumf %parallel_loop3A_1692, %parallel_loop3A_1726 : vector<16xf32>
          %parallel_loop3A_1746 = arith.minimumf %parallel_loop3A_1692, %parallel_loop3A_1726 : vector<16xf32>
          %parallel_loop3A_1747 = arith.maximumf %parallel_loop3A_1693, %parallel_loop3A_1734 : vector<16xf32>
          %parallel_loop3A_1748 = arith.minimumf %parallel_loop3A_1693, %parallel_loop3A_1734 : vector<16xf32>
          %parallel_loop3A_1749 = arith.maximumf %parallel_loop3A_1694, %parallel_loop3A_1742 : vector<16xf32>
          %parallel_loop3A_1750 = arith.minimumf %parallel_loop3A_1694, %parallel_loop3A_1742 : vector<16xf32>
          %parallel_loop3A_1751 = arith.maximumf %parallel_loop3A_1695, %parallel_loop3A_1744 : vector<16xf32>
          %parallel_loop3A_1752 = arith.minimumf %parallel_loop3A_1695, %parallel_loop3A_1744 : vector<16xf32>
          %parallel_loop3A_1753 = arith.maximumf %parallel_loop3A_1696, %parallel_loop3A_1746 : vector<16xf32>
          %parallel_loop3A_1754 = arith.minimumf %parallel_loop3A_1696, %parallel_loop3A_1746 : vector<16xf32>
          %parallel_loop3A_1755 = arith.maximumf %parallel_loop3A_1697, %parallel_loop3A_1748 : vector<16xf32>
          %parallel_loop3A_1756 = arith.minimumf %parallel_loop3A_1697, %parallel_loop3A_1748 : vector<16xf32>
          %parallel_loop3A_1757 = arith.maximumf %parallel_loop3A_1698, %parallel_loop3A_1750 : vector<16xf32>
          %parallel_loop3A_1758 = arith.minimumf %parallel_loop3A_1698, %parallel_loop3A_1750 : vector<16xf32>
          %parallel_loop3A_1759 = arith.maximumf %parallel_loop3A_1699, %parallel_loop3A_1752 : vector<16xf32>
          %parallel_loop3A_1760 = arith.minimumf %parallel_loop3A_1699, %parallel_loop3A_1752 : vector<16xf32>
          %parallel_loop3A_1761 = arith.maximumf %parallel_loop3A_1700, %parallel_loop3A_1754 : vector<16xf32>
          %parallel_loop3A_1762 = arith.minimumf %parallel_loop3A_1700, %parallel_loop3A_1754 : vector<16xf32>
          %parallel_loop3A_1763 = arith.maximumf %parallel_loop3A_1701, %parallel_loop3A_1756 : vector<16xf32>
          %parallel_loop3A_1764 = arith.minimumf %parallel_loop3A_1701, %parallel_loop3A_1756 : vector<16xf32>
          %parallel_loop3A_1765 = arith.maximumf %parallel_loop3A_1702, %parallel_loop3A_1758 : vector<16xf32>
          %parallel_loop3A_1766 = arith.minimumf %parallel_loop3A_1702, %parallel_loop3A_1758 : vector<16xf32>
          %parallel_loop3A_1767 = arith.maximumf %parallel_loop3A_1703, %parallel_loop3A_1760 : vector<16xf32>
          %parallel_loop3A_1768 = arith.minimumf %parallel_loop3A_1703, %parallel_loop3A_1760 : vector<16xf32>
          %parallel_loop3A_1769 = arith.maximumf %parallel_loop3A_1704, %parallel_loop3A_1762 : vector<16xf32>
          %parallel_loop3A_1770 = arith.minimumf %parallel_loop3A_1704, %parallel_loop3A_1762 : vector<16xf32>
          %parallel_loop3A_1771 = arith.maximumf %parallel_loop3A_1705, %parallel_loop3A_1764 : vector<16xf32>
          %parallel_loop3A_1772 = arith.minimumf %parallel_loop3A_1705, %parallel_loop3A_1764 : vector<16xf32>
          %parallel_loop3A_1773 = arith.maximumf %parallel_loop3A_1706, %parallel_loop3A_1766 : vector<16xf32>
          %parallel_loop3A_1774 = arith.minimumf %parallel_loop3A_1706, %parallel_loop3A_1766 : vector<16xf32>
          %parallel_loop3A_1775 = arith.maximumf %parallel_loop3A_1707, %parallel_loop3A_1768 : vector<16xf32>
          %parallel_loop3A_1776 = arith.maximumf %parallel_loop3A_1708, %parallel_loop3A_1770 : vector<16xf32>
          %parallel_loop3A_1777 = arith.maximumf %parallel_loop3A_1709, %parallel_loop3A_1772 : vector<16xf32>
          %parallel_loop3A_1778 = arith.maximumf %parallel_loop3A_1710, %parallel_loop3A_1774 : vector<16xf32>
          scf.yield %parallel_loop3A_1743, %parallel_loop3A_1745, %parallel_loop3A_1747, %parallel_loop3A_1749, %parallel_loop3A_1751, %parallel_loop3A_1753, %parallel_loop3A_1755, %parallel_loop3A_1757, %parallel_loop3A_1759, %parallel_loop3A_1761, %parallel_loop3A_1763, %parallel_loop3A_1765, %parallel_loop3A_1767, %parallel_loop3A_1769, %parallel_loop3A_1771, %parallel_loop3A_1773, %parallel_loop3A_1775, %parallel_loop3A_1776, %parallel_loop3A_1777, %parallel_loop3A_1778 : vector<16xf32>, vector<16xf32>, vector<16xf32>, vector<16xf32>, vector<16xf32>, vector<16xf32>, vector<16xf32>, vector<16xf32>, vector<16xf32>, vector<16xf32>, vector<16xf32>, vector<16xf32>, vector<16xf32>, vector<16xf32>, vector<16xf32>, vector<16xf32>, vector<16xf32>, vector<16xf32>, vector<16xf32>, vector<16xf32>
        } {sc.loop_unroll_factor = 2 : i64, sc.parallel_access}
        %swap3A_1530 = arith.constant 4 : i32
        %swap3A_1531 = arith.constant 0 : i32
        %swap3A_1532 = arith.index_cast %swap3A_1530 : i32 to index
        %swap3A_1533 = arith.index_cast %swap3A_1531 : i32 to index
        %swap3A_1534 = arith.constant 0 : index
        %swap3A_1535 = tpu.vector_load %arg7[%swap3A_1532, %swap3A_1533, %swap3A_1534] {strides = array<i32>} : memref<8x5x16xf32, #tpu.memory_space<vmem>>, vector<1x1x16xf32>,
        %swap3A_1536 = vector.shape_cast %swap3A_1535 : vector<1x1x16xf32> to vector<16xf32>
        %swap3A_1537 = vector.shape_cast %parallel_loop3A_1529#0 : vector<16xf32> to vector<1x1x16xf32>
        tpu.vector_store %arg7[%swap3A_1532, %swap3A_1533, %swap3A_1534], %swap3A_1537 {strides = array<i32>} : memref<8x5x16xf32, #tpu.memory_space<vmem>>, vector<1x1x16xf32>,
        %swap3A_1538 = arith.constant 5 : i32
        %swap3A_1539 = arith.constant 0 : i32
        %swap3A_1540 = arith.index_cast %swap3A_1538 : i32 to index
        %swap3A_1541 = arith.index_cast %swap3A_1539 : i32 to index
        %swap3A_1542 = arith.constant 0 : index
        %swap3A_1543 = tpu.vector_load %arg7[%swap3A_1540, %swap3A_1541, %swap3A_1542] {strides = array<i32>} : memref<8x5x16xf32, #tpu.memory_space<vmem>>, vector<1x1x16xf32>,
        %swap3A_1544 = vector.shape_cast %swap3A_1543 : vector<1x1x16xf32> to vector<16xf32>
        %swap3A_1545 = vector.shape_cast %parallel_loop3A_1529#1 : vector<16xf32> to vector<1x1x16xf32>
        tpu.vector_store %arg7[%swap3A_1540, %swap3A_1541, %swap3A_1542], %swap3A_1545 {strides = array<i32>} : memref<8x5x16xf32, #tpu.memory_space<vmem>>, vector<1x1x16xf32>,
        %swap3A_1546 = arith.constant 6 : i32
        %swap3A_1547 = arith.constant 0 : i32
        %swap3A_1548 = arith.index_cast %swap3A_1546 : i32 to index
        %swap3A_1549 = arith.index_cast %swap3A_1547 : i32 to index
        %swap3A_1550 = arith.constant 0 : index
        %swap3A_1551 = tpu.vector_load %arg7[%swap3A_1548, %swap3A_1549, %swap3A_1550] {strides = array<i32>} : memref<8x5x16xf32, #tpu.memory_space<vmem>>, vector<1x1x16xf32>,
        %swap3A_1552 = vector.shape_cast %swap3A_1551 : vector<1x1x16xf32> to vector<16xf32>
        %swap3A_1553 = vector.shape_cast %parallel_loop3A_1529#2 : vector<16xf32> to vector<1x1x16xf32>
        tpu.vector_store %arg7[%swap3A_1548, %swap3A_1549, %swap3A_1550], %swap3A_1553 {strides = array<i32>} : memref<8x5x16xf32, #tpu.memory_space<vmem>>, vector<1x1x16xf32>,
        %swap3A_1554 = arith.constant 7 : i32
        %swap3A_1555 = arith.constant 0 : i32
        %swap3A_1556 = arith.index_cast %swap3A_1554 : i32 to index
        %swap3A_1557 = arith.index_cast %swap3A_1555 : i32 to index
        %swap3A_1558 = arith.constant 0 : index
        %swap3A_1559 = tpu.vector_load %arg7[%swap3A_1556, %swap3A_1557, %swap3A_1558] {strides = array<i32>} : memref<8x5x16xf32, #tpu.memory_space<vmem>>, vector<1x1x16xf32>,
        %swap3A_1560 = vector.shape_cast %swap3A_1559 : vector<1x1x16xf32> to vector<16xf32>
        %swap3A_1561 = vector.shape_cast %parallel_loop3A_1529#3 : vector<16xf32> to vector<1x1x16xf32>
        tpu.vector_store %arg7[%swap3A_1556, %swap3A_1557, %swap3A_1558], %swap3A_1561 {strides = array<i32>} : memref<8x5x16xf32, #tpu.memory_space<vmem>>, vector<1x1x16xf32>,
        %swap3A_1562 = arith.constant 4 : i32
        %swap3A_1563 = arith.constant 1 : i32
        %swap3A_1564 = arith.index_cast %swap3A_1562 : i32 to index
        %swap3A_1565 = arith.index_cast %swap3A_1563 : i32 to index
        %swap3A_1566 = arith.constant 0 : index
        %swap3A_1567 = tpu.vector_load %arg7[%swap3A_1564, %swap3A_1565, %swap3A_1566] {strides = array<i32>} : memref<8x5x16xf32, #tpu.memory_space<vmem>>, vector<1x1x16xf32>,
        %swap3A_1568 = vector.shape_cast %swap3A_1567 : vector<1x1x16xf32> to vector<16xf32>
        %swap3A_1569 = vector.shape_cast %parallel_loop3A_1529#4 : vector<16xf32> to vector<1x1x16xf32>
        tpu.vector_store %arg7[%swap3A_1564, %swap3A_1565, %swap3A_1566], %swap3A_1569 {strides = array<i32>} : memref<8x5x16xf32, #tpu.memory_space<vmem>>, vector<1x1x16xf32>,
        %swap3A_1570 = arith.constant 5 : i32
        %swap3A_1571 = arith.constant 1 : i32
        %swap3A_1572 = arith.index_cast %swap3A_1570 : i32 to index
        %swap3A_1573 = arith.index_cast %swap3A_1571 : i32 to index
        %swap3A_1574 = arith.constant 0 : index
        %swap3A_1575 = tpu.vector_load %arg7[%swap3A_1572, %swap3A_1573, %swap3A_1574] {strides = array<i32>} : memref<8x5x16xf32, #tpu.memory_space<vmem>>, vector<1x1x16xf32>,
        %swap3A_1576 = vector.shape_cast %swap3A_1575 : vector<1x1x16xf32> to vector<16xf32>
        %swap3A_1577 = vector.shape_cast %parallel_loop3A_1529#5 : vector<16xf32> to vector<1x1x16xf32>
        tpu.vector_store %arg7[%swap3A_1572, %swap3A_1573, %swap3A_1574], %swap3A_1577 {strides = array<i32>} : memref<8x5x16xf32, #tpu.memory_space<vmem>>, vector<1x1x16xf32>,
        %swap3A_1578 = arith.constant 6 : i32
        %swap3A_1579 = arith.constant 1 : i32
        %swap3A_1580 = arith.index_cast %swap3A_1578 : i32 to index
        %swap3A_1581 = arith.index_cast %swap3A_1579 : i32 to index
        %swap3A_1582 = arith.constant 0 : index
        %swap3A_1583 = tpu.vector_load %arg7[%swap3A_1580, %swap3A_1581, %swap3A_1582] {strides = array<i32>} : memref<8x5x16xf32, #tpu.memory_space<vmem>>, vector<1x1x16xf32>,
        %swap3A_1584 = vector.shape_cast %swap3A_1583 : vector<1x1x16xf32> to vector<16xf32>
        %swap3A_1585 = vector.shape_cast %parallel_loop3A_1529#6 : vector<16xf32> to vector<1x1x16xf32>
        tpu.vector_store %arg7[%swap3A_1580, %swap3A_1581, %swap3A_1582], %swap3A_1585 {strides = array<i32>} : memref<8x5x16xf32, #tpu.memory_space<vmem>>, vector<1x1x16xf32>,
        %swap3A_1586 = arith.constant 7 : i32
        %swap3A_1587 = arith.constant 1 : i32
        %swap3A_1588 = arith.index_cast %swap3A_1586 : i32 to index
        %swap3A_1589 = arith.index_cast %swap3A_1587 : i32 to index
        %swap3A_1590 = arith.constant 0 : index
        %swap3A_1591 = tpu.vector_load %arg7[%swap3A_1588, %swap3A_1589, %swap3A_1590] {strides = array<i32>} : memref<8x5x16xf32, #tpu.memory_space<vmem>>, vector<1x1x16xf32>,
        %swap3A_1592 = vector.shape_cast %swap3A_1591 : vector<1x1x16xf32> to vector<16xf32>
        %swap3A_1593 = vector.shape_cast %parallel_loop3A_1529#7 : vector<16xf32> to vector<1x1x16xf32>
        tpu.vector_store %arg7[%swap3A_1588, %swap3A_1589, %swap3A_1590], %swap3A_1593 {strides = array<i32>} : memref<8x5x16xf32, #tpu.memory_space<vmem>>, vector<1x1x16xf32>,
        %swap3A_1594 = arith.constant 4 : i32
        %swap3A_1595 = arith.constant 2 : i32
        %swap3A_1596 = arith.index_cast %swap3A_1594 : i32 to index
        %swap3A_1597 = arith.index_cast %swap3A_1595 : i32 to index
        %swap3A_1598 = arith.constant 0 : index
        %swap3A_1599 = tpu.vector_load %arg7[%swap3A_1596, %swap3A_1597, %swap3A_1598] {strides = array<i32>} : memref<8x5x16xf32, #tpu.memory_space<vmem>>, vector<1x1x16xf32>,
        %swap3A_1600 = vector.shape_cast %swap3A_1599 : vector<1x1x16xf32> to vector<16xf32>
        %swap3A_1601 = vector.shape_cast %parallel_loop3A_1529#8 : vector<16xf32> to vector<1x1x16xf32>
        tpu.vector_store %arg7[%swap3A_1596, %swap3A_1597, %swap3A_1598], %swap3A_1601 {strides = array<i32>} : memref<8x5x16xf32, #tpu.memory_space<vmem>>, vector<1x1x16xf32>,
        %swap3A_1602 = arith.constant 5 : i32
        %swap3A_1603 = arith.constant 2 : i32
        %swap3A_1604 = arith.index_cast %swap3A_1602 : i32 to index
        %swap3A_1605 = arith.index_cast %swap3A_1603 : i32 to index
        %swap3A_1606 = arith.constant 0 : index
        %swap3A_1607 = tpu.vector_load %arg7[%swap3A_1604, %swap3A_1605, %swap3A_1606] {strides = array<i32>} : memref<8x5x16xf32, #tpu.memory_space<vmem>>, vector<1x1x16xf32>,
        %swap3A_1608 = vector.shape_cast %swap3A_1607 : vector<1x1x16xf32> to vector<16xf32>
        %swap3A_1609 = vector.shape_cast %parallel_loop3A_1529#9 : vector<16xf32> to vector<1x1x16xf32>
        tpu.vector_store %arg7[%swap3A_1604, %swap3A_1605, %swap3A_1606], %swap3A_1609 {strides = array<i32>} : memref<8x5x16xf32, #tpu.memory_space<vmem>>, vector<1x1x16xf32>,
        %swap3A_1610 = arith.constant 6 : i32
        %swap3A_1611 = arith.constant 2 : i32
        %swap3A_1612 = arith.index_cast %swap3A_1610 : i32 to index
        %swap3A_1613 = arith.index_cast %swap3A_1611 : i32 to index
        %swap3A_1614 = arith.constant 0 : index
        %swap3A_1615 = tpu.vector_load %arg7[%swap3A_1612, %swap3A_1613, %swap3A_1614] {strides = array<i32>} : memref<8x5x16xf32, #tpu.memory_space<vmem>>, vector<1x1x16xf32>,
        %swap3A_1616 = vector.shape_cast %swap3A_1615 : vector<1x1x16xf32> to vector<16xf32>
        %swap3A_1617 = vector.shape_cast %parallel_loop3A_1529#10 : vector<16xf32> to vector<1x1x16xf32>
        tpu.vector_store %arg7[%swap3A_1612, %swap3A_1613, %swap3A_1614], %swap3A_1617 {strides = array<i32>} : memref<8x5x16xf32, #tpu.memory_space<vmem>>, vector<1x1x16xf32>,
        %swap3A_1618 = arith.constant 7 : i32
        %swap3A_1619 = arith.constant 2 : i32
        %swap3A_1620 = arith.index_cast %swap3A_1618 : i32 to index
        %swap3A_1621 = arith.index_cast %swap3A_1619 : i32 to index
        %swap3A_1622 = arith.constant 0 : index
        %swap3A_1623 = tpu.vector_load %arg7[%swap3A_1620, %swap3A_1621, %swap3A_1622] {strides = array<i32>} : memref<8x5x16xf32, #tpu.memory_space<vmem>>, vector<1x1x16xf32>,
        %swap3A_1624 = vector.shape_cast %swap3A_1623 : vector<1x1x16xf32> to vector<16xf32>
        %swap3A_1625 = vector.shape_cast %parallel_loop3A_1529#11 : vector<16xf32> to vector<1x1x16xf32>
        tpu.vector_store %arg7[%swap3A_1620, %swap3A_1621, %swap3A_1622], %swap3A_1625 {strides = array<i32>} : memref<8x5x16xf32, #tpu.memory_space<vmem>>, vector<1x1x16xf32>,
        %swap3A_1626 = arith.constant 4 : i32
        %swap3A_1627 = arith.constant 3 : i32
        %swap3A_1628 = arith.index_cast %swap3A_1626 : i32 to index
        %swap3A_1629 = arith.index_cast %swap3A_1627 : i32 to index
        %swap3A_1630 = arith.constant 0 : index
        %swap3A_1631 = tpu.vector_load %arg7[%swap3A_1628, %swap3A_1629, %swap3A_1630] {strides = array<i32>} : memref<8x5x16xf32, #tpu.memory_space<vmem>>, vector<1x1x16xf32>,
        %swap3A_1632 = vector.shape_cast %swap3A_1631 : vector<1x1x16xf32> to vector<16xf32>
        %swap3A_1633 = vector.shape_cast %parallel_loop3A_1529#12 : vector<16xf32> to vector<1x1x16xf32>
        tpu.vector_store %arg7[%swap3A_1628, %swap3A_1629, %swap3A_1630], %swap3A_1633 {strides = array<i32>} : memref<8x5x16xf32, #tpu.memory_space<vmem>>, vector<1x1x16xf32>,
        %swap3A_1634 = arith.constant 5 : i32
        %swap3A_1635 = arith.constant 3 : i32
        %swap3A_1636 = arith.index_cast %swap3A_1634 : i32 to index
        %swap3A_1637 = arith.index_cast %swap3A_1635 : i32 to index
        %swap3A_1638 = arith.constant 0 : index
        %swap3A_1639 = tpu.vector_load %arg7[%swap3A_1636, %swap3A_1637, %swap3A_1638] {strides = array<i32>} : memref<8x5x16xf32, #tpu.memory_space<vmem>>, vector<1x1x16xf32>,
        %swap3A_1640 = vector.shape_cast %swap3A_1639 : vector<1x1x16xf32> to vector<16xf32>
        %swap3A_1641 = vector.shape_cast %parallel_loop3A_1529#13 : vector<16xf32> to vector<1x1x16xf32>
        tpu.vector_store %arg7[%swap3A_1636, %swap3A_1637, %swap3A_1638], %swap3A_1641 {strides = array<i32>} : memref<8x5x16xf32, #tpu.memory_space<vmem>>, vector<1x1x16xf32>,
        %swap3A_1642 = arith.constant 6 : i32
        %swap3A_1643 = arith.constant 3 : i32
        %swap3A_1644 = arith.index_cast %swap3A_1642 : i32 to index
        %swap3A_1645 = arith.index_cast %swap3A_1643 : i32 to index
        %swap3A_1646 = arith.constant 0 : index
        %swap3A_1647 = tpu.vector_load %arg7[%swap3A_1644, %swap3A_1645, %swap3A_1646] {strides = array<i32>} : memref<8x5x16xf32, #tpu.memory_space<vmem>>, vector<1x1x16xf32>,
        %swap3A_1648 = vector.shape_cast %swap3A_1647 : vector<1x1x16xf32> to vector<16xf32>
        %swap3A_1649 = vector.shape_cast %parallel_loop3A_1529#14 : vector<16xf32> to vector<1x1x16xf32>
        tpu.vector_store %arg7[%swap3A_1644, %swap3A_1645, %swap3A_1646], %swap3A_1649 {strides = array<i32>} : memref<8x5x16xf32, #tpu.memory_space<vmem>>, vector<1x1x16xf32>,
        %swap3A_1650 = arith.constant 7 : i32
        %swap3A_1651 = arith.constant 3 : i32
        %swap3A_1652 = arith.index_cast %swap3A_1650 : i32 to index
        %swap3A_1653 = arith.index_cast %swap3A_1651 : i32 to index
        %swap3A_1654 = arith.constant 0 : index
        %swap3A_1655 = tpu.vector_load %arg7[%swap3A_1652, %swap3A_1653, %swap3A_1654] {strides = array<i32>} : memref<8x5x16xf32, #tpu.memory_space<vmem>>, vector<1x1x16xf32>,
        %swap3A_1656 = vector.shape_cast %swap3A_1655 : vector<1x1x16xf32> to vector<16xf32>
        %swap3A_1657 = vector.shape_cast %parallel_loop3A_1529#15 : vector<16xf32> to vector<1x1x16xf32>
        tpu.vector_store %arg7[%swap3A_1652, %swap3A_1653, %swap3A_1654], %swap3A_1657 {strides = array<i32>} : memref<8x5x16xf32, #tpu.memory_space<vmem>>, vector<1x1x16xf32>,
        %swap3A_1658 = arith.constant 4 : i32
        %swap3A_1659 = arith.constant 4 : i32
        %swap3A_1660 = arith.index_cast %swap3A_1658 : i32 to index
        %swap3A_1661 = arith.index_cast %swap3A_1659 : i32 to index
        %swap3A_1662 = arith.constant 0 : index
        %swap3A_1663 = tpu.vector_load %arg7[%swap3A_1660, %swap3A_1661, %swap3A_1662] {strides = array<i32>} : memref<8x5x16xf32, #tpu.memory_space<vmem>>, vector<1x1x16xf32>,
        %swap3A_1664 = vector.shape_cast %swap3A_1663 : vector<1x1x16xf32> to vector<16xf32>
        %swap3A_1665 = vector.shape_cast %parallel_loop3A_1529#16 : vector<16xf32> to vector<1x1x16xf32>
        tpu.vector_store %arg7[%swap3A_1660, %swap3A_1661, %swap3A_1662], %swap3A_1665 {strides = array<i32>} : memref<8x5x16xf32, #tpu.memory_space<vmem>>, vector<1x1x16xf32>,
        %swap3A_1666 = arith.constant 5 : i32
        %swap3A_1667 = arith.constant 4 : i32
        %swap3A_1668 = arith.index_cast %swap3A_1666 : i32 to index
        %swap3A_1669 = arith.index_cast %swap3A_1667 : i32 to index
        %swap3A_1670 = arith.constant 0 : index
        %swap3A_1671 = tpu.vector_load %arg7[%swap3A_1668, %swap3A_1669, %swap3A_1670] {strides = array<i32>} : memref<8x5x16xf32, #tpu.memory_space<vmem>>, vector<1x1x16xf32>,
        %swap3A_1672 = vector.shape_cast %swap3A_1671 : vector<1x1x16xf32> to vector<16xf32>
        %swap3A_1673 = vector.shape_cast %parallel_loop3A_1529#17 : vector<16xf32> to vector<1x1x16xf32>
        tpu.vector_store %arg7[%swap3A_1668, %swap3A_1669, %swap3A_1670], %swap3A_1673 {strides = array<i32>} : memref<8x5x16xf32, #tpu.memory_space<vmem>>, vector<1x1x16xf32>,
        %swap3A_1674 = arith.constant 6 : i32
        %swap3A_1675 = arith.constant 4 : i32
        %swap3A_1676 = arith.index_cast %swap3A_1674 : i32 to index
        %swap3A_1677 = arith.index_cast %swap3A_1675 : i32 to index
        %swap3A_1678 = arith.constant 0 : index
        %swap3A_1679 = tpu.vector_load %arg7[%swap3A_1676, %swap3A_1677, %swap3A_1678] {strides = array<i32>} : memref<8x5x16xf32, #tpu.memory_space<vmem>>, vector<1x1x16xf32>,
        %swap3A_1680 = vector.shape_cast %swap3A_1679 : vector<1x1x16xf32> to vector<16xf32>
        %swap3A_1681 = vector.shape_cast %parallel_loop3A_1529#18 : vector<16xf32> to vector<1x1x16xf32>
        tpu.vector_store %arg7[%swap3A_1676, %swap3A_1677, %swap3A_1678], %swap3A_1681 {strides = array<i32>} : memref<8x5x16xf32, #tpu.memory_space<vmem>>, vector<1x1x16xf32>,
        %swap3A_1682 = arith.constant 7 : i32
        %swap3A_1683 = arith.constant 4 : i32
        %swap3A_1684 = arith.index_cast %swap3A_1682 : i32 to index
        %swap3A_1685 = arith.index_cast %swap3A_1683 : i32 to index
        %swap3A_1686 = arith.constant 0 : index
        %swap3A_1687 = tpu.vector_load %arg7[%swap3A_1684, %swap3A_1685, %swap3A_1686] {strides = array<i32>} : memref<8x5x16xf32, #tpu.memory_space<vmem>>, vector<1x1x16xf32>,
        %swap3A_1688 = vector.shape_cast %swap3A_1687 : vector<1x1x16xf32> to vector<16xf32>
        %swap3A_1689 = vector.shape_cast %parallel_loop3A_1529#19 : vector<16xf32> to vector<1x1x16xf32>
        tpu.vector_store %arg7[%swap3A_1684, %swap3A_1685, %swap3A_1686], %swap3A_1689 {strides = array<i32>} : memref<8x5x16xf32, #tpu.memory_space<vmem>>, vector<1x1x16xf32>,
      }
      %scan3A_364 = arith.constant 31 : i32
      %mul3A_365 = arith.constant 8 : i32
      %mul3A_366 = arith.muli %add3A_10, %mul3A_365 : i32
      %dma_wait3A = arith.constant 0 : i32
      %dma_wait3A_367 = arith.constant 0 : i32
      %dma_wait3A_368 = arith.constant 0 : i32
      %dma_wait3A_369 = tpu.memref_slice %arg6[%dma_wait3A, %dma_wait3A_367, %dma_wait3A_368] : memref<1x8x1024xf32, #tpu.memory_space<vmem>> -> memref<1x8x1024xf32, #tpu.memory_space<vmem>>
      %dma_wait3A_370 = tpu.memref_squeeze %dma_wait3A_369 : memref<1x8x1024xf32, #tpu.memory_space<vmem>> -> memref<8x1024xf32, #tpu.memory_space<vmem>>
      %dma_wait3A_371 = arith.constant 0 : i32
      %dma_wait3A_372 = tpu.memref_slice %arg3[%mul3A_366, %dma_wait3A_371] : memref<512x1024xf32, #tpu.memory_space<hbm>> -> memref<8x1024xf32, #tpu.memory_space<hbm>>
      %dma_wait3A_373 = arith.constant 0 : i32
      %dma_wait3A_374 = arith.constant 0 : i32
      %dma_wait3A_375 = tpu.memref_slice %arg6[%dma_wait3A, %dma_wait3A_373, %dma_wait3A_374] : memref<1x8x1024xf32, #tpu.memory_space<vmem>> -> memref<1x8x1024xf32, #tpu.memory_space<vmem>>
      %dma_wait3A_376 = tpu.memref_squeeze %dma_wait3A_375 : memref<1x8x1024xf32, #tpu.memory_space<vmem>> -> memref<8x1024xf32, #tpu.memory_space<vmem>>
      %dma_wait3A_377 = arith.constant 0 : i32
      %dma_wait3A_378 = tpu.memref_slice %arg3[%mul3A_366, %dma_wait3A_377] : memref<512x1024xf32, #tpu.memory_space<hbm>> -> memref<8x1024xf32, #tpu.memory_space<hbm>>
      tpu.wait_dma2 semaphore(%arg11 : memref<!tpu.dma_semaphore, #tpu.memory_space<semaphore_mem>>) src(%dma_wait3A_378 : memref<8x1024xf32, #tpu.memory_space<hbm>>) dst(%dma_wait3A_376 : memref<8x1024xf32, #tpu.memory_space<vmem>>)
      %get3A = arith.constant 0 : i32
      %get3A_379 = arith.constant 0 : i32
      %get3A_380 = arith.index_cast %get3A : i32 to index
      %get3A_381 = arith.index_cast %get3A_379 : i32 to index
      %get3A_382 = arith.constant 0 : index
      %get3A_383 = tpu.vector_load %arg7[%get3A_380, %get3A_381, %get3A_382] {strides = array<i32>} : memref<8x5x16xf32, #tpu.memory_space<vmem>>, vector<1x1x16xf32>,
      %get3A_384 = vector.shape_cast %get3A_383 : vector<1x1x16xf32> to vector<16xf32>
      %get3A_385 = arith.constant 1 : i32
      %get3A_386 = arith.constant 0 : i32
      %get3A_387 = arith.index_cast %get3A_385 : i32 to index
      %get3A_388 = arith.index_cast %get3A_386 : i32 to index
      %get3A_389 = arith.constant 0 : index
      %get3A_390 = tpu.vector_load %arg7[%get3A_387, %get3A_388, %get3A_389] {strides = array<i32>} : memref<8x5x16xf32, #tpu.memory_space<vmem>>, vector<1x1x16xf32>,
      %get3A_391 = vector.shape_cast %get3A_390 : vector<1x1x16xf32> to vector<16xf32>
      %get3A_392 = arith.constant 2 : i32
      %get3A_393 = arith.constant 0 : i32
      %get3A_394 = arith.index_cast %get3A_392 : i32 to index
      %get3A_395 = arith.index_cast %get3A_393 : i32 to index
      %get3A_396 = arith.constant 0 : index
      %get3A_397 = tpu.vector_load %arg7[%get3A_394, %get3A_395, %get3A_396] {strides = array<i32>} : memref<8x5x16xf32, #tpu.memory_space<vmem>>, vector<1x1x16xf32>,
      %get3A_398 = vector.shape_cast %get3A_397 : vector<1x1x16xf32> to vector<16xf32>
      %get3A_399 = arith.constant 3 : i32
      %get3A_400 = arith.constant 0 : i32
      %get3A_401 = arith.index_cast %get3A_399 : i32 to index
      %get3A_402 = arith.index_cast %get3A_400 : i32 to index
      %get3A_403 = arith.constant 0 : index
      %get3A_404 = tpu.vector_load %arg7[%get3A_401, %get3A_402, %get3A_403] {strides = array<i32>} : memref<8x5x16xf32, #tpu.memory_space<vmem>>, vector<1x1x16xf32>,
      %get3A_405 = vector.shape_cast %get3A_404 : vector<1x1x16xf32> to vector<16xf32>
      %get3A_406 = arith.constant 0 : i32
      %get3A_407 = arith.constant 1 : i32
      %get3A_408 = arith.index_cast %get3A_406 : i32 to index
      %get3A_409 = arith.index_cast %get3A_407 : i32 to index
      %get3A_410 = arith.constant 0 : index
      %get3A_411 = tpu.vector_load %arg7[%get3A_408, %get3A_409, %get3A_410] {strides = array<i32>} : memref<8x5x16xf32, #tpu.memory_space<vmem>>, vector<1x1x16xf32>,
      %get3A_412 = vector.shape_cast %get3A_411 : vector<1x1x16xf32> to vector<16xf32>
      %get3A_413 = arith.constant 1 : i32
      %get3A_414 = arith.constant 1 : i32
      %get3A_415 = arith.index_cast %get3A_413 : i32 to index
      %get3A_416 = arith.index_cast %get3A_414 : i32 to index
      %get3A_417 = arith.constant 0 : index
      %get3A_418 = tpu.vector_load %arg7[%get3A_415, %get3A_416, %get3A_417] {strides = array<i32>} : memref<8x5x16xf32, #tpu.memory_space<vmem>>, vector<1x1x16xf32>,
      %get3A_419 = vector.shape_cast %get3A_418 : vector<1x1x16xf32> to vector<16xf32>
      %get3A_420 = arith.constant 2 : i32
      %get3A_421 = arith.constant 1 : i32
      %get3A_422 = arith.index_cast %get3A_420 : i32 to index
      %get3A_423 = arith.index_cast %get3A_421 : i32 to index
      %get3A_424 = arith.constant 0 : index
      %get3A_425 = tpu.vector_load %arg7[%get3A_422, %get3A_423, %get3A_424] {strides = array<i32>} : memref<8x5x16xf32, #tpu.memory_space<vmem>>, vector<1x1x16xf32>,
      %get3A_426 = vector.shape_cast %get3A_425 : vector<1x1x16xf32> to vector<16xf32>
      %get3A_427 = arith.constant 3 : i32
      %get3A_428 = arith.constant 1 : i32
      %get3A_429 = arith.index_cast %get3A_427 : i32 to index
      %get3A_430 = arith.index_cast %get3A_428 : i32 to index
      %get3A_431 = arith.constant 0 : index
      %get3A_432 = tpu.vector_load %arg7[%get3A_429, %get3A_430, %get3A_431] {strides = array<i32>} : memref<8x5x16xf32, #tpu.memory_space<vmem>>, vector<1x1x16xf32>,
      %get3A_433 = vector.shape_cast %get3A_432 : vector<1x1x16xf32> to vector<16xf32>
      %get3A_434 = arith.constant 0 : i32
      %get3A_435 = arith.constant 2 : i32
      %get3A_436 = arith.index_cast %get3A_434 : i32 to index
      %get3A_437 = arith.index_cast %get3A_435 : i32 to index
      %get3A_438 = arith.constant 0 : index
      %get3A_439 = tpu.vector_load %arg7[%get3A_436, %get3A_437, %get3A_438] {strides = array<i32>} : memref<8x5x16xf32, #tpu.memory_space<vmem>>, vector<1x1x16xf32>,
      %get3A_440 = vector.shape_cast %get3A_439 : vector<1x1x16xf32> to vector<16xf32>
      %get3A_441 = arith.constant 1 : i32
      %get3A_442 = arith.constant 2 : i32
      %get3A_443 = arith.index_cast %get3A_441 : i32 to index
      %get3A_444 = arith.index_cast %get3A_442 : i32 to index
      %get3A_445 = arith.constant 0 : index
      %get3A_446 = tpu.vector_load %arg7[%get3A_443, %get3A_444, %get3A_445] {strides = array<i32>} : memref<8x5x16xf32, #tpu.memory_space<vmem>>, vector<1x1x16xf32>,
      %get3A_447 = vector.shape_cast %get3A_446 : vector<1x1x16xf32> to vector<16xf32>
      %get3A_448 = arith.constant 2 : i32
      %get3A_449 = arith.constant 2 : i32
      %get3A_450 = arith.index_cast %get3A_448 : i32 to index
      %get3A_451 = arith.index_cast %get3A_449 : i32 to index
      %get3A_452 = arith.constant 0 : index
      %get3A_453 = tpu.vector_load %arg7[%get3A_450, %get3A_451, %get3A_452] {strides = array<i32>} : memref<8x5x16xf32, #tpu.memory_space<vmem>>, vector<1x1x16xf32>,
      %get3A_454 = vector.shape_cast %get3A_453 : vector<1x1x16xf32> to vector<16xf32>
      %get3A_455 = arith.constant 3 : i32
      %get3A_456 = arith.constant 2 : i32
      %get3A_457 = arith.index_cast %get3A_455 : i32 to index
      %get3A_458 = arith.index_cast %get3A_456 : i32 to index
      %get3A_459 = arith.constant 0 : index
      %get3A_460 = tpu.vector_load %arg7[%get3A_457, %get3A_458, %get3A_459] {strides = array<i32>} : memref<8x5x16xf32, #tpu.memory_space<vmem>>, vector<1x1x16xf32>,
      %get3A_461 = vector.shape_cast %get3A_460 : vector<1x1x16xf32> to vector<16xf32>
      %get3A_462 = arith.constant 0 : i32
      %get3A_463 = arith.constant 3 : i32
      %get3A_464 = arith.index_cast %get3A_462 : i32 to index
      %get3A_465 = arith.index_cast %get3A_463 : i32 to index
      %get3A_466 = arith.constant 0 : index
      %get3A_467 = tpu.vector_load %arg7[%get3A_464, %get3A_465, %get3A_466] {strides = array<i32>} : memref<8x5x16xf32, #tpu.memory_space<vmem>>, vector<1x1x16xf32>,
      %get3A_468 = vector.shape_cast %get3A_467 : vector<1x1x16xf32> to vector<16xf32>
      %get3A_469 = arith.constant 1 : i32
      %get3A_470 = arith.constant 3 : i32
      %get3A_471 = arith.index_cast %get3A_469 : i32 to index
      %get3A_472 = arith.index_cast %get3A_470 : i32 to index
      %get3A_473 = arith.constant 0 : index
      %get3A_474 = tpu.vector_load %arg7[%get3A_471, %get3A_472, %get3A_473] {strides = array<i32>} : memref<8x5x16xf32, #tpu.memory_space<vmem>>, vector<1x1x16xf32>,
      %get3A_475 = vector.shape_cast %get3A_474 : vector<1x1x16xf32> to vector<16xf32>
      %get3A_476 = arith.constant 2 : i32
      %get3A_477 = arith.constant 3 : i32
      %get3A_478 = arith.index_cast %get3A_476 : i32 to index
      %get3A_479 = arith.index_cast %get3A_477 : i32 to index
      %get3A_480 = arith.constant 0 : index
      %get3A_481 = tpu.vector_load %arg7[%get3A_478, %get3A_479, %get3A_480] {strides = array<i32>} : memref<8x5x16xf32, #tpu.memory_space<vmem>>, vector<1x1x16xf32>,
      %get3A_482 = vector.shape_cast %get3A_481 : vector<1x1x16xf32> to vector<16xf32>
      %get3A_483 = arith.constant 3 : i32
      %get3A_484 = arith.constant 3 : i32
      %get3A_485 = arith.index_cast %get3A_483 : i32 to index
      %get3A_486 = arith.index_cast %get3A_484 : i32 to index
      %get3A_487 = arith.constant 0 : index
      %get3A_488 = tpu.vector_load %arg7[%get3A_485, %get3A_486, %get3A_487] {strides = array<i32>} : memref<8x5x16xf32, #tpu.memory_space<vmem>>, vector<1x1x16xf32>,
      %get3A_489 = vector.shape_cast %get3A_488 : vector<1x1x16xf32> to vector<16xf32>
      %get3A_490 = arith.constant 0 : i32
      %get3A_491 = arith.constant 4 : i32
      %get3A_492 = arith.index_cast %get3A_490 : i32 to index
      %get3A_493 = arith.index_cast %get3A_491 : i32 to index
      %get3A_494 = arith.constant 0 : index
      %get3A_495 = tpu.vector_load %arg7[%get3A_492, %get3A_493, %get3A_494] {strides = array<i32>} : memref<8x5x16xf32, #tpu.memory_space<vmem>>, vector<1x1x16xf32>,
      %get3A_496 = vector.shape_cast %get3A_495 : vector<1x1x16xf32> to vector<16xf32>
      %get3A_497 = arith.constant 1 : i32
      %get3A_498 = arith.constant 4 : i32
      %get3A_499 = arith.index_cast %get3A_497 : i32 to index
      %get3A_500 = arith.index_cast %get3A_498 : i32 to index
      %get3A_501 = arith.constant 0 : index
      %get3A_502 = tpu.vector_load %arg7[%get3A_499, %get3A_500, %get3A_501] {strides = array<i32>} : memref<8x5x16xf32, #tpu.memory_space<vmem>>, vector<1x1x16xf32>,
      %get3A_503 = vector.shape_cast %get3A_502 : vector<1x1x16xf32> to vector<16xf32>
      %get3A_504 = arith.constant 2 : i32
      %get3A_505 = arith.constant 4 : i32
      %get3A_506 = arith.index_cast %get3A_504 : i32 to index
      %get3A_507 = arith.index_cast %get3A_505 : i32 to index
      %get3A_508 = arith.constant 0 : index
      %get3A_509 = tpu.vector_load %arg7[%get3A_506, %get3A_507, %get3A_508] {strides = array<i32>} : memref<8x5x16xf32, #tpu.memory_space<vmem>>, vector<1x1x16xf32>,
      %get3A_510 = vector.shape_cast %get3A_509 : vector<1x1x16xf32> to vector<16xf32>
      %get3A_511 = arith.constant 3 : i32
      %get3A_512 = arith.constant 4 : i32
      %get3A_513 = arith.index_cast %get3A_511 : i32 to index
      %get3A_514 = arith.index_cast %get3A_512 : i32 to index
      %get3A_515 = arith.constant 0 : index
      %get3A_516 = tpu.vector_load %arg7[%get3A_513, %get3A_514, %get3A_515] {strides = array<i32>} : memref<8x5x16xf32, #tpu.memory_space<vmem>>, vector<1x1x16xf32>,
      %get3A_517 = vector.shape_cast %get3A_516 : vector<1x1x16xf32> to vector<16xf32>
      %parallel_loop3A = arith.constant 0 : i32
      %parallel_loop3A_518 = arith.constant 64 : i32
      %parallel_loop3A_519 = arith.constant 1 : i32
      %parallel_loop3A_520:20 = scf.for %parallel_loop3A_1051 = %parallel_loop3A to %parallel_loop3A_518 step %parallel_loop3A_519 iter_args(%parallel_loop3A_1052 = %get3A_384, %parallel_loop3A_1053 = %get3A_391, %parallel_loop3A_1054 = %get3A_398, %parallel_loop3A_1055 = %get3A_405, %parallel_loop3A_1056 = %get3A_412, %parallel_loop3A_1057 = %get3A_419, %parallel_loop3A_1058 = %get3A_426, %parallel_loop3A_1059 = %get3A_433, %parallel_loop3A_1060 = %get3A_440, %parallel_loop3A_1061 = %get3A_447, %parallel_loop3A_1062 = %get3A_454, %parallel_loop3A_1063 = %get3A_461, %parallel_loop3A_1064 = %get3A_468, %parallel_loop3A_1065 = %get3A_475, %parallel_loop3A_1066 = %get3A_482, %parallel_loop3A_1067 = %get3A_489, %parallel_loop3A_1068 = %get3A_496, %parallel_loop3A_1069 = %get3A_503, %parallel_loop3A_1070 = %get3A_510, %parallel_loop3A_1071 = %get3A_517) -> (vector<16xf32>, vector<16xf32>, vector<16xf32>, vector<16xf32>, vector<16xf32>, vector<16xf32>, vector<16xf32>, vector<16xf32>, vector<16xf32>, vector<16xf32>, vector<16xf32>, vector<16xf32>, vector<16xf32>, vector<16xf32>, vector<16xf32>, vector<16xf32>, vector<16xf32>, vector<16xf32>, vector<16xf32>, vector<16xf32>)  : i32 {
        %parallel_loop3A_1072 = arith.constant 16 : i32
        %parallel_loop3A_1073 = arith.muli %parallel_loop3A_1051, %parallel_loop3A_1072 : i32
        %parallel_loop3A_1074 = arith.constant 0 : i32
        %parallel_loop3A_1075 = arith.constant 0 : i32
        %parallel_loop3A_1076 = arith.index_cast %parallel_loop3A_1074 : i32 to index
        %parallel_loop3A_1077 = arith.index_cast %parallel_loop3A_1075 : i32 to index
        %parallel_loop3A_1078 = arith.index_cast %parallel_loop3A_1073 : i32 to index
        %parallel_loop3A_1079 = tpu.vector_load %arg6[%parallel_loop3A_1076, %parallel_loop3A_1077, %parallel_loop3A_1078] {strides = array<i32>} : memref<1x8x1024xf32, #tpu.memory_space<vmem>>, vector<1x1x16xf32>,
        %parallel_loop3A_1080 = vector.shape_cast %parallel_loop3A_1079 : vector<1x1x16xf32> to vector<16xf32>
        %parallel_loop3A_1081 = arith.constant 16 : i32
        %parallel_loop3A_1082 = arith.muli %parallel_loop3A_1051, %parallel_loop3A_1081 : i32
        %parallel_loop3A_1083 = arith.constant 0 : i32
        %parallel_loop3A_1084 = arith.constant 1 : i32
        %parallel_loop3A_1085 = arith.index_cast %parallel_loop3A_1083 : i32 to index
        %parallel_loop3A_1086 = arith.index_cast %parallel_loop3A_1084 : i32 to index
        %parallel_loop3A_1087 = arith.index_cast %parallel_loop3A_1082 : i32 to index
        %parallel_loop3A_1088 = tpu.vector_load %arg6[%parallel_loop3A_1085, %parallel_loop3A_1086, %parallel_loop3A_1087] {strides = array<i32>} : memref<1x8x1024xf32, #tpu.memory_space<vmem>>, vector<1x1x16xf32>,
        %parallel_loop3A_1089 = vector.shape_cast %parallel_loop3A_1088 : vector<1x1x16xf32> to vector<16xf32>
        %parallel_loop3A_1090 = arith.constant 16 : i32
        %parallel_loop3A_1091 = arith.muli %parallel_loop3A_1051, %parallel_loop3A_1090 : i32
        %parallel_loop3A_1092 = arith.constant 0 : i32
        %parallel_loop3A_1093 = arith.constant 2 : i32
        %parallel_loop3A_1094 = arith.index_cast %parallel_loop3A_1092 : i32 to index
        %parallel_loop3A_1095 = arith.index_cast %parallel_loop3A_1093 : i32 to index
        %parallel_loop3A_1096 = arith.index_cast %parallel_loop3A_1091 : i32 to index
        %parallel_loop3A_1097 = tpu.vector_load %arg6[%parallel_loop3A_1094, %parallel_loop3A_1095, %parallel_loop3A_1096] {strides = array<i32>} : memref<1x8x1024xf32, #tpu.memory_space<vmem>>, vector<1x1x16xf32>,
        %parallel_loop3A_1098 = vector.shape_cast %parallel_loop3A_1097 : vector<1x1x16xf32> to vector<16xf32>
        %parallel_loop3A_1099 = arith.constant 16 : i32
        %parallel_loop3A_1100 = arith.muli %parallel_loop3A_1051, %parallel_loop3A_1099 : i32
        %parallel_loop3A_1101 = arith.constant 0 : i32
        %parallel_loop3A_1102 = arith.constant 3 : i32
        %parallel_loop3A_1103 = arith.index_cast %parallel_loop3A_1101 : i32 to index
        %parallel_loop3A_1104 = arith.index_cast %parallel_loop3A_1102 : i32 to index
        %parallel_loop3A_1105 = arith.index_cast %parallel_loop3A_1100 : i32 to index
        %parallel_loop3A_1106 = tpu.vector_load %arg6[%parallel_loop3A_1103, %parallel_loop3A_1104, %parallel_loop3A_1105] {strides = array<i32>} : memref<1x8x1024xf32, #tpu.memory_space<vmem>>, vector<1x1x16xf32>,
        %parallel_loop3A_1107 = vector.shape_cast %parallel_loop3A_1106 : vector<1x1x16xf32> to vector<16xf32>
        %parallel_loop3A_1108 = arith.maximumf %parallel_loop3A_1052, %parallel_loop3A_1080 : vector<16xf32>
        %parallel_loop3A_1109 = arith.minimumf %parallel_loop3A_1052, %parallel_loop3A_1080 : vector<16xf32>
        %parallel_loop3A_1110 = arith.maximumf %parallel_loop3A_1053, %parallel_loop3A_1089 : vector<16xf32>
        %parallel_loop3A_1111 = arith.minimumf %parallel_loop3A_1053, %parallel_loop3A_1089 : vector<16xf32>
        %parallel_loop3A_1112 = arith.maximumf %parallel_loop3A_1054, %parallel_loop3A_1098 : vector<16xf32>
        %parallel_loop3A_1113 = arith.minimumf %parallel_loop3A_1054, %parallel_loop3A_1098 : vector<16xf32>
        %parallel_loop3A_1114 = arith.maximumf %parallel_loop3A_1055, %parallel_loop3A_1107 : vector<16xf32>
        %parallel_loop3A_1115 = arith.minimumf %parallel_loop3A_1055, %parallel_loop3A_1107 : vector<16xf32>
        %parallel_loop3A_1116 = arith.maximumf %parallel_loop3A_1056, %parallel_loop3A_1109 : vector<16xf32>
        %parallel_loop3A_1117 = arith.minimumf %parallel_loop3A_1056, %parallel_loop3A_1109 : vector<16xf32>
        %parallel_loop3A_1118 = arith.maximumf %parallel_loop3A_1057, %parallel_loop3A_1111 : vector<16xf32>
        %parallel_loop3A_1119 = arith.minimumf %parallel_loop3A_1057, %parallel_loop3A_1111 : vector<16xf32>
        %parallel_loop3A_1120 = arith.maximumf %parallel_loop3A_1058, %parallel_loop3A_1113 : vector<16xf32>
        %parallel_loop3A_1121 = arith.minimumf %parallel_loop3A_1058, %parallel_loop3A_1113 : vector<16xf32>
        %parallel_loop3A_1122 = arith.maximumf %parallel_loop3A_1059, %parallel_loop3A_1115 : vector<16xf32>
        %parallel_loop3A_1123 = arith.minimumf %parallel_loop3A_1059, %parallel_loop3A_1115 : vector<16xf32>
        %parallel_loop3A_1124 = arith.maximumf %parallel_loop3A_1060, %parallel_loop3A_1117 : vector<16xf32>
        %parallel_loop3A_1125 = arith.minimumf %parallel_loop3A_1060, %parallel_loop3A_1117 : vector<16xf32>
        %parallel_loop3A_1126 = arith.maximumf %parallel_loop3A_1061, %parallel_loop3A_1119 : vector<16xf32>
        %parallel_loop3A_1127 = arith.minimumf %parallel_loop3A_1061, %parallel_loop3A_1119 : vector<16xf32>
        %parallel_loop3A_1128 = arith.maximumf %parallel_loop3A_1062, %parallel_loop3A_1121 : vector<16xf32>
        %parallel_loop3A_1129 = arith.minimumf %parallel_loop3A_1062, %parallel_loop3A_1121 : vector<16xf32>
        %parallel_loop3A_1130 = arith.maximumf %parallel_loop3A_1063, %parallel_loop3A_1123 : vector<16xf32>
        %parallel_loop3A_1131 = arith.minimumf %parallel_loop3A_1063, %parallel_loop3A_1123 : vector<16xf32>
        %parallel_loop3A_1132 = arith.maximumf %parallel_loop3A_1064, %parallel_loop3A_1125 : vector<16xf32>
        %parallel_loop3A_1133 = arith.minimumf %parallel_loop3A_1064, %parallel_loop3A_1125 : vector<16xf32>
        %parallel_loop3A_1134 = arith.maximumf %parallel_loop3A_1065, %parallel_loop3A_1127 : vector<16xf32>
        %parallel_loop3A_1135 = arith.minimumf %parallel_loop3A_1065, %parallel_loop3A_1127 : vector<16xf32>
        %parallel_loop3A_1136 = arith.maximumf %parallel_loop3A_1066, %parallel_loop3A_1129 : vector<16xf32>
        %parallel_loop3A_1137 = arith.minimumf %parallel_loop3A_1066, %parallel_loop3A_1129 : vector<16xf32>
        %parallel_loop3A_1138 = arith.maximumf %parallel_loop3A_1067, %parallel_loop3A_1131 : vector<16xf32>
        %parallel_loop3A_1139 = arith.minimumf %parallel_loop3A_1067, %parallel_loop3A_1131 : vector<16xf32>
        %parallel_loop3A_1140 = arith.maximumf %parallel_loop3A_1068, %parallel_loop3A_1133 : vector<16xf32>
        %parallel_loop3A_1141 = arith.maximumf %parallel_loop3A_1069, %parallel_loop3A_1135 : vector<16xf32>
        %parallel_loop3A_1142 = arith.maximumf %parallel_loop3A_1070, %parallel_loop3A_1137 : vector<16xf32>
        %parallel_loop3A_1143 = arith.maximumf %parallel_loop3A_1071, %parallel_loop3A_1139 : vector<16xf32>
        scf.yield %parallel_loop3A_1108, %parallel_loop3A_1110, %parallel_loop3A_1112, %parallel_loop3A_1114, %parallel_loop3A_1116, %parallel_loop3A_1118, %parallel_loop3A_1120, %parallel_loop3A_1122, %parallel_loop3A_1124, %parallel_loop3A_1126, %parallel_loop3A_1128, %parallel_loop3A_1130, %parallel_loop3A_1132, %parallel_loop3A_1134, %parallel_loop3A_1136, %parallel_loop3A_1138, %parallel_loop3A_1140, %parallel_loop3A_1141, %parallel_loop3A_1142, %parallel_loop3A_1143 : vector<16xf32>, vector<16xf32>, vector<16xf32>, vector<16xf32>, vector<16xf32>, vector<16xf32>, vector<16xf32>, vector<16xf32>, vector<16xf32>, vector<16xf32>, vector<16xf32>, vector<16xf32>, vector<16xf32>, vector<16xf32>, vector<16xf32>, vector<16xf32>, vector<16xf32>, vector<16xf32>, vector<16xf32>, vector<16xf32>
      } {sc.loop_unroll_factor = 2 : i64, sc.parallel_access}
      %swap3A_521 = arith.constant 0 : i32
      %swap3A_522 = arith.index_cast %swap3A_521 : i32 to index
      %swap3A_523 = arith.constant 0 : index
      %swap3A_524 = tpu.vector_load %arg8[%swap3A_522, %swap3A_523] {strides = array<i32>} : memref<8x128xf32, #tpu.memory_space<vmem>>, vector<1x16xf32>,
      %swap3A_525 = vector.shape_cast %swap3A_524 : vector<1x16xf32> to vector<16xf32>
      %swap3A_526 = vector.shape_cast %parallel_loop3A_520#0 : vector<16xf32> to vector<1x16xf32>
      tpu.vector_store %arg8[%swap3A_522, %swap3A_523], %swap3A_526 {strides = array<i32>} : memref<8x128xf32, #tpu.memory_space<vmem>>, vector<1x16xf32>,
      %swap3A_527 = arith.constant 1 : i32
      %swap3A_528 = arith.index_cast %swap3A_527 : i32 to index
      %swap3A_529 = arith.constant 0 : index
      %swap3A_530 = tpu.vector_load %arg8[%swap3A_528, %swap3A_529] {strides = array<i32>} : memref<8x128xf32, #tpu.memory_space<vmem>>, vector<1x16xf32>,
      %swap3A_531 = vector.shape_cast %swap3A_530 : vector<1x16xf32> to vector<16xf32>
      %swap3A_532 = vector.shape_cast %parallel_loop3A_520#1 : vector<16xf32> to vector<1x16xf32>
      tpu.vector_store %arg8[%swap3A_528, %swap3A_529], %swap3A_532 {strides = array<i32>} : memref<8x128xf32, #tpu.memory_space<vmem>>, vector<1x16xf32>,
      %swap3A_533 = arith.constant 2 : i32
      %swap3A_534 = arith.index_cast %swap3A_533 : i32 to index
      %swap3A_535 = arith.constant 0 : index
      %swap3A_536 = tpu.vector_load %arg8[%swap3A_534, %swap3A_535] {strides = array<i32>} : memref<8x128xf32, #tpu.memory_space<vmem>>, vector<1x16xf32>,
      %swap3A_537 = vector.shape_cast %swap3A_536 : vector<1x16xf32> to vector<16xf32>
      %swap3A_538 = vector.shape_cast %parallel_loop3A_520#2 : vector<16xf32> to vector<1x16xf32>
      tpu.vector_store %arg8[%swap3A_534, %swap3A_535], %swap3A_538 {strides = array<i32>} : memref<8x128xf32, #tpu.memory_space<vmem>>, vector<1x16xf32>,
      %swap3A_539 = arith.constant 3 : i32
      %swap3A_540 = arith.index_cast %swap3A_539 : i32 to index
      %swap3A_541 = arith.constant 0 : index
      %swap3A_542 = tpu.vector_load %arg8[%swap3A_540, %swap3A_541] {strides = array<i32>} : memref<8x128xf32, #tpu.memory_space<vmem>>, vector<1x16xf32>,
      %swap3A_543 = vector.shape_cast %swap3A_542 : vector<1x16xf32> to vector<16xf32>
      %swap3A_544 = vector.shape_cast %parallel_loop3A_520#3 : vector<16xf32> to vector<1x16xf32>
      tpu.vector_store %arg8[%swap3A_540, %swap3A_541], %swap3A_544 {strides = array<i32>} : memref<8x128xf32, #tpu.memory_space<vmem>>, vector<1x16xf32>,
      %swap3A_545 = arith.constant 0 : i32
      %swap3A_546 = arith.index_cast %swap3A_545 : i32 to index
      %swap3A_547 = arith.constant 16 : index
      %swap3A_548 = tpu.vector_load %arg8[%swap3A_546, %swap3A_547] {strides = array<i32>} : memref<8x128xf32, #tpu.memory_space<vmem>>, vector<1x16xf32>,
      %swap3A_549 = vector.shape_cast %swap3A_548 : vector<1x16xf32> to vector<16xf32>
      %swap3A_550 = vector.shape_cast %parallel_loop3A_520#4 : vector<16xf32> to vector<1x16xf32>
      tpu.vector_store %arg8[%swap3A_546, %swap3A_547], %swap3A_550 {strides = array<i32>} : memref<8x128xf32, #tpu.memory_space<vmem>>, vector<1x16xf32>,
      %swap3A_551 = arith.constant 1 : i32
      %swap3A_552 = arith.index_cast %swap3A_551 : i32 to index
      %swap3A_553 = arith.constant 16 : index
      %swap3A_554 = tpu.vector_load %arg8[%swap3A_552, %swap3A_553] {strides = array<i32>} : memref<8x128xf32, #tpu.memory_space<vmem>>, vector<1x16xf32>,
      %swap3A_555 = vector.shape_cast %swap3A_554 : vector<1x16xf32> to vector<16xf32>
      %swap3A_556 = vector.shape_cast %parallel_loop3A_520#5 : vector<16xf32> to vector<1x16xf32>
      tpu.vector_store %arg8[%swap3A_552, %swap3A_553], %swap3A_556 {strides = array<i32>} : memref<8x128xf32, #tpu.memory_space<vmem>>, vector<1x16xf32>,
      %swap3A_557 = arith.constant 2 : i32
      %swap3A_558 = arith.index_cast %swap3A_557 : i32 to index
      %swap3A_559 = arith.constant 16 : index
      %swap3A_560 = tpu.vector_load %arg8[%swap3A_558, %swap3A_559] {strides = array<i32>} : memref<8x128xf32, #tpu.memory_space<vmem>>, vector<1x16xf32>,
      %swap3A_561 = vector.shape_cast %swap3A_560 : vector<1x16xf32> to vector<16xf32>
      %swap3A_562 = vector.shape_cast %parallel_loop3A_520#6 : vector<16xf32> to vector<1x16xf32>
      tpu.vector_store %arg8[%swap3A_558, %swap3A_559], %swap3A_562 {strides = array<i32>} : memref<8x128xf32, #tpu.memory_space<vmem>>, vector<1x16xf32>,
      %swap3A_563 = arith.constant 3 : i32
      %swap3A_564 = arith.index_cast %swap3A_563 : i32 to index
      %swap3A_565 = arith.constant 16 : index
      %swap3A_566 = tpu.vector_load %arg8[%swap3A_564, %swap3A_565] {strides = array<i32>} : memref<8x128xf32, #tpu.memory_space<vmem>>, vector<1x16xf32>,
      %swap3A_567 = vector.shape_cast %swap3A_566 : vector<1x16xf32> to vector<16xf32>
      %swap3A_568 = vector.shape_cast %parallel_loop3A_520#7 : vector<16xf32> to vector<1x16xf32>
      tpu.vector_store %arg8[%swap3A_564, %swap3A_565], %swap3A_568 {strides = array<i32>} : memref<8x128xf32, #tpu.memory_space<vmem>>, vector<1x16xf32>,
      %swap3A_569 = arith.constant 0 : i32
      %swap3A_570 = arith.index_cast %swap3A_569 : i32 to index
      %swap3A_571 = arith.constant 32 : index
      %swap3A_572 = tpu.vector_load %arg8[%swap3A_570, %swap3A_571] {strides = array<i32>} : memref<8x128xf32, #tpu.memory_space<vmem>>, vector<1x16xf32>,
      %swap3A_573 = vector.shape_cast %swap3A_572 : vector<1x16xf32> to vector<16xf32>
      %swap3A_574 = vector.shape_cast %parallel_loop3A_520#8 : vector<16xf32> to vector<1x16xf32>
      tpu.vector_store %arg8[%swap3A_570, %swap3A_571], %swap3A_574 {strides = array<i32>} : memref<8x128xf32, #tpu.memory_space<vmem>>, vector<1x16xf32>,
      %swap3A_575 = arith.constant 1 : i32
      %swap3A_576 = arith.index_cast %swap3A_575 : i32 to index
      %swap3A_577 = arith.constant 32 : index
      %swap3A_578 = tpu.vector_load %arg8[%swap3A_576, %swap3A_577] {strides = array<i32>} : memref<8x128xf32, #tpu.memory_space<vmem>>, vector<1x16xf32>,
      %swap3A_579 = vector.shape_cast %swap3A_578 : vector<1x16xf32> to vector<16xf32>
      %swap3A_580 = vector.shape_cast %parallel_loop3A_520#9 : vector<16xf32> to vector<1x16xf32>
      tpu.vector_store %arg8[%swap3A_576, %swap3A_577], %swap3A_580 {strides = array<i32>} : memref<8x128xf32, #tpu.memory_space<vmem>>, vector<1x16xf32>,
      %swap3A_581 = arith.constant 2 : i32
      %swap3A_582 = arith.index_cast %swap3A_581 : i32 to index
      %swap3A_583 = arith.constant 32 : index
      %swap3A_584 = tpu.vector_load %arg8[%swap3A_582, %swap3A_583] {strides = array<i32>} : memref<8x128xf32, #tpu.memory_space<vmem>>, vector<1x16xf32>,
      %swap3A_585 = vector.shape_cast %swap3A_584 : vector<1x16xf32> to vector<16xf32>
      %swap3A_586 = vector.shape_cast %parallel_loop3A_520#10 : vector<16xf32> to vector<1x16xf32>
      tpu.vector_store %arg8[%swap3A_582, %swap3A_583], %swap3A_586 {strides = array<i32>} : memref<8x128xf32, #tpu.memory_space<vmem>>, vector<1x16xf32>,
      %swap3A_587 = arith.constant 3 : i32
      %swap3A_588 = arith.index_cast %swap3A_587 : i32 to index
      %swap3A_589 = arith.constant 32 : index
      %swap3A_590 = tpu.vector_load %arg8[%swap3A_588, %swap3A_589] {strides = array<i32>} : memref<8x128xf32, #tpu.memory_space<vmem>>, vector<1x16xf32>,
      %swap3A_591 = vector.shape_cast %swap3A_590 : vector<1x16xf32> to vector<16xf32>
      %swap3A_592 = vector.shape_cast %parallel_loop3A_520#11 : vector<16xf32> to vector<1x16xf32>
      tpu.vector_store %arg8[%swap3A_588, %swap3A_589], %swap3A_592 {strides = array<i32>} : memref<8x128xf32, #tpu.memory_space<vmem>>, vector<1x16xf32>,
      %swap3A_593 = arith.constant 0 : i32
      %swap3A_594 = arith.index_cast %swap3A_593 : i32 to index
      %swap3A_595 = arith.constant 48 : index
      %swap3A_596 = tpu.vector_load %arg8[%swap3A_594, %swap3A_595] {strides = array<i32>} : memref<8x128xf32, #tpu.memory_space<vmem>>, vector<1x16xf32>,
      %swap3A_597 = vector.shape_cast %swap3A_596 : vector<1x16xf32> to vector<16xf32>
      %swap3A_598 = vector.shape_cast %parallel_loop3A_520#12 : vector<16xf32> to vector<1x16xf32>
      tpu.vector_store %arg8[%swap3A_594, %swap3A_595], %swap3A_598 {strides = array<i32>} : memref<8x128xf32, #tpu.memory_space<vmem>>, vector<1x16xf32>,
      %swap3A_599 = arith.constant 1 : i32
      %swap3A_600 = arith.index_cast %swap3A_599 : i32 to index
      %swap3A_601 = arith.constant 48 : index
      %swap3A_602 = tpu.vector_load %arg8[%swap3A_600, %swap3A_601] {strides = array<i32>} : memref<8x128xf32, #tpu.memory_space<vmem>>, vector<1x16xf32>,
      %swap3A_603 = vector.shape_cast %swap3A_602 : vector<1x16xf32> to vector<16xf32>
      %swap3A_604 = vector.shape_cast %parallel_loop3A_520#13 : vector<16xf32> to vector<1x16xf32>
      tpu.vector_store %arg8[%swap3A_600, %swap3A_601], %swap3A_604 {strides = array<i32>} : memref<8x128xf32, #tpu.memory_space<vmem>>, vector<1x16xf32>,
      %swap3A_605 = arith.constant 2 : i32
      %swap3A_606 = arith.index_cast %swap3A_605 : i32 to index
      %swap3A_607 = arith.constant 48 : index
      %swap3A_608 = tpu.vector_load %arg8[%swap3A_606, %swap3A_607] {strides = array<i32>} : memref<8x128xf32, #tpu.memory_space<vmem>>, vector<1x16xf32>,
      %swap3A_609 = vector.shape_cast %swap3A_608 : vector<1x16xf32> to vector<16xf32>
      %swap3A_610 = vector.shape_cast %parallel_loop3A_520#14 : vector<16xf32> to vector<1x16xf32>
      tpu.vector_store %arg8[%swap3A_606, %swap3A_607], %swap3A_610 {strides = array<i32>} : memref<8x128xf32, #tpu.memory_space<vmem>>, vector<1x16xf32>,
      %swap3A_611 = arith.constant 3 : i32
      %swap3A_612 = arith.index_cast %swap3A_611 : i32 to index
      %swap3A_613 = arith.constant 48 : index
      %swap3A_614 = tpu.vector_load %arg8[%swap3A_612, %swap3A_613] {strides = array<i32>} : memref<8x128xf32, #tpu.memory_space<vmem>>, vector<1x16xf32>,
      %swap3A_615 = vector.shape_cast %swap3A_614 : vector<1x16xf32> to vector<16xf32>
      %swap3A_616 = vector.shape_cast %parallel_loop3A_520#15 : vector<16xf32> to vector<1x16xf32>
      tpu.vector_store %arg8[%swap3A_612, %swap3A_613], %swap3A_616 {strides = array<i32>} : memref<8x128xf32, #tpu.memory_space<vmem>>, vector<1x16xf32>,
      %swap3A_617 = arith.constant 0 : i32
      %swap3A_618 = arith.index_cast %swap3A_617 : i32 to index
      %swap3A_619 = arith.constant 64 : index
      %swap3A_620 = tpu.vector_load %arg8[%swap3A_618, %swap3A_619] {strides = array<i32>} : memref<8x128xf32, #tpu.memory_space<vmem>>, vector<1x16xf32>,
      %swap3A_621 = vector.shape_cast %swap3A_620 : vector<1x16xf32> to vector<16xf32>
      %swap3A_622 = vector.shape_cast %parallel_loop3A_520#16 : vector<16xf32> to vector<1x16xf32>
      tpu.vector_store %arg8[%swap3A_618, %swap3A_619], %swap3A_622 {strides = array<i32>} : memref<8x128xf32, #tpu.memory_space<vmem>>, vector<1x16xf32>,
      %swap3A_623 = arith.constant 1 : i32
      %swap3A_624 = arith.index_cast %swap3A_623 : i32 to index
      %swap3A_625 = arith.constant 64 : index
      %swap3A_626 = tpu.vector_load %arg8[%swap3A_624, %swap3A_625] {strides = array<i32>} : memref<8x128xf32, #tpu.memory_space<vmem>>, vector<1x16xf32>,
      %swap3A_627 = vector.shape_cast %swap3A_626 : vector<1x16xf32> to vector<16xf32>
      %swap3A_628 = vector.shape_cast %parallel_loop3A_520#17 : vector<16xf32> to vector<1x16xf32>
      tpu.vector_store %arg8[%swap3A_624, %swap3A_625], %swap3A_628 {strides = array<i32>} : memref<8x128xf32, #tpu.memory_space<vmem>>, vector<1x16xf32>,
      %swap3A_629 = arith.constant 2 : i32
      %swap3A_630 = arith.index_cast %swap3A_629 : i32 to index
      %swap3A_631 = arith.constant 64 : index
      %swap3A_632 = tpu.vector_load %arg8[%swap3A_630, %swap3A_631] {strides = array<i32>} : memref<8x128xf32, #tpu.memory_space<vmem>>, vector<1x16xf32>,
      %swap3A_633 = vector.shape_cast %swap3A_632 : vector<1x16xf32> to vector<16xf32>
      %swap3A_634 = vector.shape_cast %parallel_loop3A_520#18 : vector<16xf32> to vector<1x16xf32>
      tpu.vector_store %arg8[%swap3A_630, %swap3A_631], %swap3A_634 {strides = array<i32>} : memref<8x128xf32, #tpu.memory_space<vmem>>, vector<1x16xf32>,
      %swap3A_635 = arith.constant 3 : i32
      %swap3A_636 = arith.index_cast %swap3A_635 : i32 to index
      %swap3A_637 = arith.constant 64 : index
      %swap3A_638 = tpu.vector_load %arg8[%swap3A_636, %swap3A_637] {strides = array<i32>} : memref<8x128xf32, #tpu.memory_space<vmem>>, vector<1x16xf32>,
      %swap3A_639 = vector.shape_cast %swap3A_638 : vector<1x16xf32> to vector<16xf32>
      %swap3A_640 = vector.shape_cast %parallel_loop3A_520#19 : vector<16xf32> to vector<1x16xf32>
      tpu.vector_store %arg8[%swap3A_636, %swap3A_637], %swap3A_640 {strides = array<i32>} : memref<8x128xf32, #tpu.memory_space<vmem>>, vector<1x16xf32>,
      %swap3A_641 = arith.constant 0 : i32
      %swap3A_642 = arith.index_cast %swap3A_641 : i32 to index
      %swap3A_643 = arith.constant 80 : index
      %swap3A_644 = tpu.vector_load %arg8[%swap3A_642, %swap3A_643] {strides = array<i32>} : memref<8x128xf32, #tpu.memory_space<vmem>>, vector<1x16xf32>,
      %swap3A_645 = vector.shape_cast %swap3A_644 : vector<1x16xf32> to vector<16xf32>
      %swap3A_646 = vector.shape_cast %broadcast_in_dim3A_1 : vector<16xf32> to vector<1x16xf32>
      tpu.vector_store %arg8[%swap3A_642, %swap3A_643], %swap3A_646 {strides = array<i32>} : memref<8x128xf32, #tpu.memory_space<vmem>>, vector<1x16xf32>,
      %swap3A_647 = arith.constant 1 : i32
      %swap3A_648 = arith.index_cast %swap3A_647 : i32 to index
      %swap3A_649 = arith.constant 80 : index
      %swap3A_650 = tpu.vector_load %arg8[%swap3A_648, %swap3A_649] {strides = array<i32>} : memref<8x128xf32, #tpu.memory_space<vmem>>, vector<1x16xf32>,
      %swap3A_651 = vector.shape_cast %swap3A_650 : vector<1x16xf32> to vector<16xf32>
      %swap3A_652 = vector.shape_cast %broadcast_in_dim3A_1 : vector<16xf32> to vector<1x16xf32>
      tpu.vector_store %arg8[%swap3A_648, %swap3A_649], %swap3A_652 {strides = array<i32>} : memref<8x128xf32, #tpu.memory_space<vmem>>, vector<1x16xf32>,
      %swap3A_653 = arith.constant 2 : i32
      %swap3A_654 = arith.index_cast %swap3A_653 : i32 to index
      %swap3A_655 = arith.constant 80 : index
      %swap3A_656 = tpu.vector_load %arg8[%swap3A_654, %swap3A_655] {strides = array<i32>} : memref<8x128xf32, #tpu.memory_space<vmem>>, vector<1x16xf32>,
      %swap3A_657 = vector.shape_cast %swap3A_656 : vector<1x16xf32> to vector<16xf32>
      %swap3A_658 = vector.shape_cast %broadcast_in_dim3A_1 : vector<16xf32> to vector<1x16xf32>
      tpu.vector_store %arg8[%swap3A_654, %swap3A_655], %swap3A_658 {strides = array<i32>} : memref<8x128xf32, #tpu.memory_space<vmem>>, vector<1x16xf32>,
      %swap3A_659 = arith.constant 3 : i32
      %swap3A_660 = arith.index_cast %swap3A_659 : i32 to index
      %swap3A_661 = arith.constant 80 : index
      %swap3A_662 = tpu.vector_load %arg8[%swap3A_660, %swap3A_661] {strides = array<i32>} : memref<8x128xf32, #tpu.memory_space<vmem>>, vector<1x16xf32>,
      %swap3A_663 = vector.shape_cast %swap3A_662 : vector<1x16xf32> to vector<16xf32>
      %swap3A_664 = vector.shape_cast %broadcast_in_dim3A_1 : vector<16xf32> to vector<1x16xf32>
      tpu.vector_store %arg8[%swap3A_660, %swap3A_661], %swap3A_664 {strides = array<i32>} : memref<8x128xf32, #tpu.memory_space<vmem>>, vector<1x16xf32>,
      %swap3A_665 = arith.constant 0 : i32
      %swap3A_666 = arith.index_cast %swap3A_665 : i32 to index
      %swap3A_667 = arith.constant 96 : index
      %swap3A_668 = tpu.vector_load %arg8[%swap3A_666, %swap3A_667] {strides = array<i32>} : memref<8x128xf32, #tpu.memory_space<vmem>>, vector<1x16xf32>,
      %swap3A_669 = vector.shape_cast %swap3A_668 : vector<1x16xf32> to vector<16xf32>
      %swap3A_670 = vector.shape_cast %broadcast_in_dim3A_1 : vector<16xf32> to vector<1x16xf32>
      tpu.vector_store %arg8[%swap3A_666, %swap3A_667], %swap3A_670 {strides = array<i32>} : memref<8x128xf32, #tpu.memory_space<vmem>>, vector<1x16xf32>,
      %swap3A_671 = arith.constant 1 : i32
      %swap3A_672 = arith.index_cast %swap3A_671 : i32 to index
      %swap3A_673 = arith.constant 96 : index
      %swap3A_674 = tpu.vector_load %arg8[%swap3A_672, %swap3A_673] {strides = array<i32>} : memref<8x128xf32, #tpu.memory_space<vmem>>, vector<1x16xf32>,
      %swap3A_675 = vector.shape_cast %swap3A_674 : vector<1x16xf32> to vector<16xf32>
      %swap3A_676 = vector.shape_cast %broadcast_in_dim3A_1 : vector<16xf32> to vector<1x16xf32>
      tpu.vector_store %arg8[%swap3A_672, %swap3A_673], %swap3A_676 {strides = array<i32>} : memref<8x128xf32, #tpu.memory_space<vmem>>, vector<1x16xf32>,
      %swap3A_677 = arith.constant 2 : i32
      %swap3A_678 = arith.index_cast %swap3A_677 : i32 to index
      %swap3A_679 = arith.constant 96 : index
      %swap3A_680 = tpu.vector_load %arg8[%swap3A_678, %swap3A_679] {strides = array<i32>} : memref<8x128xf32, #tpu.memory_space<vmem>>, vector<1x16xf32>,
      %swap3A_681 = vector.shape_cast %swap3A_680 : vector<1x16xf32> to vector<16xf32>
      %swap3A_682 = vector.shape_cast %broadcast_in_dim3A_1 : vector<16xf32> to vector<1x16xf32>
      tpu.vector_store %arg8[%swap3A_678, %swap3A_679], %swap3A_682 {strides = array<i32>} : memref<8x128xf32, #tpu.memory_space<vmem>>, vector<1x16xf32>,
      %swap3A_683 = arith.constant 3 : i32
      %swap3A_684 = arith.index_cast %swap3A_683 : i32 to index
      %swap3A_685 = arith.constant 96 : index
      %swap3A_686 = tpu.vector_load %arg8[%swap3A_684, %swap3A_685] {strides = array<i32>} : memref<8x128xf32, #tpu.memory_space<vmem>>, vector<1x16xf32>,
      %swap3A_687 = vector.shape_cast %swap3A_686 : vector<1x16xf32> to vector<16xf32>
      %swap3A_688 = vector.shape_cast %broadcast_in_dim3A_1 : vector<16xf32> to vector<1x16xf32>
      tpu.vector_store %arg8[%swap3A_684, %swap3A_685], %swap3A_688 {strides = array<i32>} : memref<8x128xf32, #tpu.memory_space<vmem>>, vector<1x16xf32>,
      %swap3A_689 = arith.constant 0 : i32
      %swap3A_690 = arith.index_cast %swap3A_689 : i32 to index
      %swap3A_691 = arith.constant 112 : index
      %swap3A_692 = tpu.vector_load %arg8[%swap3A_690, %swap3A_691] {strides = array<i32>} : memref<8x128xf32, #tpu.memory_space<vmem>>, vector<1x16xf32>,
      %swap3A_693 = vector.shape_cast %swap3A_692 : vector<1x16xf32> to vector<16xf32>
      %swap3A_694 = vector.shape_cast %broadcast_in_dim3A_1 : vector<16xf32> to vector<1x16xf32>
      tpu.vector_store %arg8[%swap3A_690, %swap3A_691], %swap3A_694 {strides = array<i32>} : memref<8x128xf32, #tpu.memory_space<vmem>>, vector<1x16xf32>,
      %swap3A_695 = arith.constant 1 : i32
      %swap3A_696 = arith.index_cast %swap3A_695 : i32 to index
      %swap3A_697 = arith.constant 112 : index
      %swap3A_698 = tpu.vector_load %arg8[%swap3A_696, %swap3A_697] {strides = array<i32>} : memref<8x128xf32, #tpu.memory_space<vmem>>, vector<1x16xf32>,
      %swap3A_699 = vector.shape_cast %swap3A_698 : vector<1x16xf32> to vector<16xf32>
      %swap3A_700 = vector.shape_cast %broadcast_in_dim3A_1 : vector<16xf32> to vector<1x16xf32>
      tpu.vector_store %arg8[%swap3A_696, %swap3A_697], %swap3A_700 {strides = array<i32>} : memref<8x128xf32, #tpu.memory_space<vmem>>, vector<1x16xf32>,
      %swap3A_701 = arith.constant 2 : i32
      %swap3A_702 = arith.index_cast %swap3A_701 : i32 to index
      %swap3A_703 = arith.constant 112 : index
      %swap3A_704 = tpu.vector_load %arg8[%swap3A_702, %swap3A_703] {strides = array<i32>} : memref<8x128xf32, #tpu.memory_space<vmem>>, vector<1x16xf32>,
      %swap3A_705 = vector.shape_cast %swap3A_704 : vector<1x16xf32> to vector<16xf32>
      %swap3A_706 = vector.shape_cast %broadcast_in_dim3A_1 : vector<16xf32> to vector<1x16xf32>
      tpu.vector_store %arg8[%swap3A_702, %swap3A_703], %swap3A_706 {strides = array<i32>} : memref<8x128xf32, #tpu.memory_space<vmem>>, vector<1x16xf32>,
      %swap3A_707 = arith.constant 3 : i32
      %swap3A_708 = arith.index_cast %swap3A_707 : i32 to index
      %swap3A_709 = arith.constant 112 : index
      %swap3A_710 = tpu.vector_load %arg8[%swap3A_708, %swap3A_709] {strides = array<i32>} : memref<8x128xf32, #tpu.memory_space<vmem>>, vector<1x16xf32>,
      %swap3A_711 = vector.shape_cast %swap3A_710 : vector<1x16xf32> to vector<16xf32>
      %swap3A_712 = vector.shape_cast %broadcast_in_dim3A_1 : vector<16xf32> to vector<1x16xf32>
      tpu.vector_store %arg8[%swap3A_708, %swap3A_709], %swap3A_712 {strides = array<i32>} : memref<8x128xf32, #tpu.memory_space<vmem>>, vector<1x16xf32>,
      %get3A_713 = arith.constant 4 : i32
      %get3A_714 = arith.constant 0 : i32
      %get3A_715 = arith.index_cast %get3A_713 : i32 to index
      %get3A_716 = arith.index_cast %get3A_714 : i32 to index
      %get3A_717 = arith.constant 0 : index
      %get3A_718 = tpu.vector_load %arg7[%get3A_715, %get3A_716, %get3A_717] {strides = array<i32>} : memref<8x5x16xf32, #tpu.memory_space<vmem>>, vector<1x1x16xf32>,
      %get3A_719 = vector.shape_cast %get3A_718 : vector<1x1x16xf32> to vector<16xf32>
      %get3A_720 = arith.constant 5 : i32
      %get3A_721 = arith.constant 0 : i32
      %get3A_722 = arith.index_cast %get3A_720 : i32 to index
      %get3A_723 = arith.index_cast %get3A_721 : i32 to index
      %get3A_724 = arith.constant 0 : index
      %get3A_725 = tpu.vector_load %arg7[%get3A_722, %get3A_723, %get3A_724] {strides = array<i32>} : memref<8x5x16xf32, #tpu.memory_space<vmem>>, vector<1x1x16xf32>,
      %get3A_726 = vector.shape_cast %get3A_725 : vector<1x1x16xf32> to vector<16xf32>
      %get3A_727 = arith.constant 6 : i32
      %get3A_728 = arith.constant 0 : i32
      %get3A_729 = arith.index_cast %get3A_727 : i32 to index
      %get3A_730 = arith.index_cast %get3A_728 : i32 to index
      %get3A_731 = arith.constant 0 : index
      %get3A_732 = tpu.vector_load %arg7[%get3A_729, %get3A_730, %get3A_731] {strides = array<i32>} : memref<8x5x16xf32, #tpu.memory_space<vmem>>, vector<1x1x16xf32>,
      %get3A_733 = vector.shape_cast %get3A_732 : vector<1x1x16xf32> to vector<16xf32>
      %get3A_734 = arith.constant 7 : i32
      %get3A_735 = arith.constant 0 : i32
      %get3A_736 = arith.index_cast %get3A_734 : i32 to index
      %get3A_737 = arith.index_cast %get3A_735 : i32 to index
      %get3A_738 = arith.constant 0 : index
      %get3A_739 = tpu.vector_load %arg7[%get3A_736, %get3A_737, %get3A_738] {strides = array<i32>} : memref<8x5x16xf32, #tpu.memory_space<vmem>>, vector<1x1x16xf32>,
      %get3A_740 = vector.shape_cast %get3A_739 : vector<1x1x16xf32> to vector<16xf32>
      %get3A_741 = arith.constant 4 : i32
      %get3A_742 = arith.constant 1 : i32
      %get3A_743 = arith.index_cast %get3A_741 : i32 to index
      %get3A_744 = arith.index_cast %get3A_742 : i32 to index
      %get3A_745 = arith.constant 0 : index
      %get3A_746 = tpu.vector_load %arg7[%get3A_743, %get3A_744, %get3A_745] {strides = array<i32>} : memref<8x5x16xf32, #tpu.memory_space<vmem>>, vector<1x1x16xf32>,
      %get3A_747 = vector.shape_cast %get3A_746 : vector<1x1x16xf32> to vector<16xf32>
      %get3A_748 = arith.constant 5 : i32
      %get3A_749 = arith.constant 1 : i32
      %get3A_750 = arith.index_cast %get3A_748 : i32 to index
      %get3A_751 = arith.index_cast %get3A_749 : i32 to index
      %get3A_752 = arith.constant 0 : index
      %get3A_753 = tpu.vector_load %arg7[%get3A_750, %get3A_751, %get3A_752] {strides = array<i32>} : memref<8x5x16xf32, #tpu.memory_space<vmem>>, vector<1x1x16xf32>,
      %get3A_754 = vector.shape_cast %get3A_753 : vector<1x1x16xf32> to vector<16xf32>
      %get3A_755 = arith.constant 6 : i32
      %get3A_756 = arith.constant 1 : i32
      %get3A_757 = arith.index_cast %get3A_755 : i32 to index
      %get3A_758 = arith.index_cast %get3A_756 : i32 to index
      %get3A_759 = arith.constant 0 : index
      %get3A_760 = tpu.vector_load %arg7[%get3A_757, %get3A_758, %get3A_759] {strides = array<i32>} : memref<8x5x16xf32, #tpu.memory_space<vmem>>, vector<1x1x16xf32>,
      %get3A_761 = vector.shape_cast %get3A_760 : vector<1x1x16xf32> to vector<16xf32>
      %get3A_762 = arith.constant 7 : i32
      %get3A_763 = arith.constant 1 : i32
      %get3A_764 = arith.index_cast %get3A_762 : i32 to index
      %get3A_765 = arith.index_cast %get3A_763 : i32 to index
      %get3A_766 = arith.constant 0 : index
      %get3A_767 = tpu.vector_load %arg7[%get3A_764, %get3A_765, %get3A_766] {strides = array<i32>} : memref<8x5x16xf32, #tpu.memory_space<vmem>>, vector<1x1x16xf32>,
      %get3A_768 = vector.shape_cast %get3A_767 : vector<1x1x16xf32> to vector<16xf32>
      %get3A_769 = arith.constant 4 : i32
      %get3A_770 = arith.constant 2 : i32
      %get3A_771 = arith.index_cast %get3A_769 : i32 to index
      %get3A_772 = arith.index_cast %get3A_770 : i32 to index
      %get3A_773 = arith.constant 0 : index
      %get3A_774 = tpu.vector_load %arg7[%get3A_771, %get3A_772, %get3A_773] {strides = array<i32>} : memref<8x5x16xf32, #tpu.memory_space<vmem>>, vector<1x1x16xf32>,
      %get3A_775 = vector.shape_cast %get3A_774 : vector<1x1x16xf32> to vector<16xf32>
      %get3A_776 = arith.constant 5 : i32
      %get3A_777 = arith.constant 2 : i32
      %get3A_778 = arith.index_cast %get3A_776 : i32 to index
      %get3A_779 = arith.index_cast %get3A_777 : i32 to index
      %get3A_780 = arith.constant 0 : index
      %get3A_781 = tpu.vector_load %arg7[%get3A_778, %get3A_779, %get3A_780] {strides = array<i32>} : memref<8x5x16xf32, #tpu.memory_space<vmem>>, vector<1x1x16xf32>,
      %get3A_782 = vector.shape_cast %get3A_781 : vector<1x1x16xf32> to vector<16xf32>
      %get3A_783 = arith.constant 6 : i32
      %get3A_784 = arith.constant 2 : i32
      %get3A_785 = arith.index_cast %get3A_783 : i32 to index
      %get3A_786 = arith.index_cast %get3A_784 : i32 to index
      %get3A_787 = arith.constant 0 : index
      %get3A_788 = tpu.vector_load %arg7[%get3A_785, %get3A_786, %get3A_787] {strides = array<i32>} : memref<8x5x16xf32, #tpu.memory_space<vmem>>, vector<1x1x16xf32>,
      %get3A_789 = vector.shape_cast %get3A_788 : vector<1x1x16xf32> to vector<16xf32>
      %get3A_790 = arith.constant 7 : i32
      %get3A_791 = arith.constant 2 : i32
      %get3A_792 = arith.index_cast %get3A_790 : i32 to index
      %get3A_793 = arith.index_cast %get3A_791 : i32 to index
      %get3A_794 = arith.constant 0 : index
      %get3A_795 = tpu.vector_load %arg7[%get3A_792, %get3A_793, %get3A_794] {strides = array<i32>} : memref<8x5x16xf32, #tpu.memory_space<vmem>>, vector<1x1x16xf32>,
      %get3A_796 = vector.shape_cast %get3A_795 : vector<1x1x16xf32> to vector<16xf32>
      %get3A_797 = arith.constant 4 : i32
      %get3A_798 = arith.constant 3 : i32
      %get3A_799 = arith.index_cast %get3A_797 : i32 to index
      %get3A_800 = arith.index_cast %get3A_798 : i32 to index
      %get3A_801 = arith.constant 0 : index
      %get3A_802 = tpu.vector_load %arg7[%get3A_799, %get3A_800, %get3A_801] {strides = array<i32>} : memref<8x5x16xf32, #tpu.memory_space<vmem>>, vector<1x1x16xf32>,
      %get3A_803 = vector.shape_cast %get3A_802 : vector<1x1x16xf32> to vector<16xf32>
      %get3A_804 = arith.constant 5 : i32
      %get3A_805 = arith.constant 3 : i32
      %get3A_806 = arith.index_cast %get3A_804 : i32 to index
      %get3A_807 = arith.index_cast %get3A_805 : i32 to index
      %get3A_808 = arith.constant 0 : index
      %get3A_809 = tpu.vector_load %arg7[%get3A_806, %get3A_807, %get3A_808] {strides = array<i32>} : memref<8x5x16xf32, #tpu.memory_space<vmem>>, vector<1x1x16xf32>,
      %get3A_810 = vector.shape_cast %get3A_809 : vector<1x1x16xf32> to vector<16xf32>
      %get3A_811 = arith.constant 6 : i32
      %get3A_812 = arith.constant 3 : i32
      %get3A_813 = arith.index_cast %get3A_811 : i32 to index
      %get3A_814 = arith.index_cast %get3A_812 : i32 to index
      %get3A_815 = arith.constant 0 : index
      %get3A_816 = tpu.vector_load %arg7[%get3A_813, %get3A_814, %get3A_815] {strides = array<i32>} : memref<8x5x16xf32, #tpu.memory_space<vmem>>, vector<1x1x16xf32>,
      %get3A_817 = vector.shape_cast %get3A_816 : vector<1x1x16xf32> to vector<16xf32>
      %get3A_818 = arith.constant 7 : i32
      %get3A_819 = arith.constant 3 : i32
      %get3A_820 = arith.index_cast %get3A_818 : i32 to index
      %get3A_821 = arith.index_cast %get3A_819 : i32 to index
      %get3A_822 = arith.constant 0 : index
      %get3A_823 = tpu.vector_load %arg7[%get3A_820, %get3A_821, %get3A_822] {strides = array<i32>} : memref<8x5x16xf32, #tpu.memory_space<vmem>>, vector<1x1x16xf32>,
      %get3A_824 = vector.shape_cast %get3A_823 : vector<1x1x16xf32> to vector<16xf32>
      %get3A_825 = arith.constant 4 : i32
      %get3A_826 = arith.constant 4 : i32
      %get3A_827 = arith.index_cast %get3A_825 : i32 to index
      %get3A_828 = arith.index_cast %get3A_826 : i32 to index
      %get3A_829 = arith.constant 0 : index
      %get3A_830 = tpu.vector_load %arg7[%get3A_827, %get3A_828, %get3A_829] {strides = array<i32>} : memref<8x5x16xf32, #tpu.memory_space<vmem>>, vector<1x1x16xf32>,
      %get3A_831 = vector.shape_cast %get3A_830 : vector<1x1x16xf32> to vector<16xf32>
      %get3A_832 = arith.constant 5 : i32
      %get3A_833 = arith.constant 4 : i32
      %get3A_834 = arith.index_cast %get3A_832 : i32 to index
      %get3A_835 = arith.index_cast %get3A_833 : i32 to index
      %get3A_836 = arith.constant 0 : index
      %get3A_837 = tpu.vector_load %arg7[%get3A_834, %get3A_835, %get3A_836] {strides = array<i32>} : memref<8x5x16xf32, #tpu.memory_space<vmem>>, vector<1x1x16xf32>,
      %get3A_838 = vector.shape_cast %get3A_837 : vector<1x1x16xf32> to vector<16xf32>
      %get3A_839 = arith.constant 6 : i32
      %get3A_840 = arith.constant 4 : i32
      %get3A_841 = arith.index_cast %get3A_839 : i32 to index
      %get3A_842 = arith.index_cast %get3A_840 : i32 to index
      %get3A_843 = arith.constant 0 : index
      %get3A_844 = tpu.vector_load %arg7[%get3A_841, %get3A_842, %get3A_843] {strides = array<i32>} : memref<8x5x16xf32, #tpu.memory_space<vmem>>, vector<1x1x16xf32>,
      %get3A_845 = vector.shape_cast %get3A_844 : vector<1x1x16xf32> to vector<16xf32>
      %get3A_846 = arith.constant 7 : i32
      %get3A_847 = arith.constant 4 : i32
      %get3A_848 = arith.index_cast %get3A_846 : i32 to index
      %get3A_849 = arith.index_cast %get3A_847 : i32 to index
      %get3A_850 = arith.constant 0 : index
      %get3A_851 = tpu.vector_load %arg7[%get3A_848, %get3A_849, %get3A_850] {strides = array<i32>} : memref<8x5x16xf32, #tpu.memory_space<vmem>>, vector<1x1x16xf32>,
      %get3A_852 = vector.shape_cast %get3A_851 : vector<1x1x16xf32> to vector<16xf32>
      %parallel_loop3A_853 = arith.constant 0 : i32
      %parallel_loop3A_854 = arith.constant 64 : i32
      %parallel_loop3A_855 = arith.constant 1 : i32
      %parallel_loop3A_856:20 = scf.for %parallel_loop3A_1051 = %parallel_loop3A_853 to %parallel_loop3A_854 step %parallel_loop3A_855 iter_args(%parallel_loop3A_1052 = %get3A_719, %parallel_loop3A_1053 = %get3A_726, %parallel_loop3A_1054 = %get3A_733, %parallel_loop3A_1055 = %get3A_740, %parallel_loop3A_1056 = %get3A_747, %parallel_loop3A_1057 = %get3A_754, %parallel_loop3A_1058 = %get3A_761, %parallel_loop3A_1059 = %get3A_768, %parallel_loop3A_1060 = %get3A_775, %parallel_loop3A_1061 = %get3A_782, %parallel_loop3A_1062 = %get3A_789, %parallel_loop3A_1063 = %get3A_796, %parallel_loop3A_1064 = %get3A_803, %parallel_loop3A_1065 = %get3A_810, %parallel_loop3A_1066 = %get3A_817, %parallel_loop3A_1067 = %get3A_824, %parallel_loop3A_1068 = %get3A_831, %parallel_loop3A_1069 = %get3A_838, %parallel_loop3A_1070 = %get3A_845, %parallel_loop3A_1071 = %get3A_852) -> (vector<16xf32>, vector<16xf32>, vector<16xf32>, vector<16xf32>, vector<16xf32>, vector<16xf32>, vector<16xf32>, vector<16xf32>, vector<16xf32>, vector<16xf32>, vector<16xf32>, vector<16xf32>, vector<16xf32>, vector<16xf32>, vector<16xf32>, vector<16xf32>, vector<16xf32>, vector<16xf32>, vector<16xf32>, vector<16xf32>)  : i32 {
        %parallel_loop3A_1072 = arith.constant 16 : i32
        %parallel_loop3A_1073 = arith.muli %parallel_loop3A_1051, %parallel_loop3A_1072 : i32
        %parallel_loop3A_1074 = arith.constant 0 : i32
        %parallel_loop3A_1075 = arith.constant 4 : i32
        %parallel_loop3A_1076 = arith.index_cast %parallel_loop3A_1074 : i32 to index
        %parallel_loop3A_1077 = arith.index_cast %parallel_loop3A_1075 : i32 to index
        %parallel_loop3A_1078 = arith.index_cast %parallel_loop3A_1073 : i32 to index
        %parallel_loop3A_1079 = tpu.vector_load %arg6[%parallel_loop3A_1076, %parallel_loop3A_1077, %parallel_loop3A_1078] {strides = array<i32>} : memref<1x8x1024xf32, #tpu.memory_space<vmem>>, vector<1x1x16xf32>,
        %parallel_loop3A_1080 = vector.shape_cast %parallel_loop3A_1079 : vector<1x1x16xf32> to vector<16xf32>
        %parallel_loop3A_1081 = arith.constant 16 : i32
        %parallel_loop3A_1082 = arith.muli %parallel_loop3A_1051, %parallel_loop3A_1081 : i32
        %parallel_loop3A_1083 = arith.constant 0 : i32
        %parallel_loop3A_1084 = arith.constant 5 : i32
        %parallel_loop3A_1085 = arith.index_cast %parallel_loop3A_1083 : i32 to index
        %parallel_loop3A_1086 = arith.index_cast %parallel_loop3A_1084 : i32 to index
        %parallel_loop3A_1087 = arith.index_cast %parallel_loop3A_1082 : i32 to index
        %parallel_loop3A_1088 = tpu.vector_load %arg6[%parallel_loop3A_1085, %parallel_loop3A_1086, %parallel_loop3A_1087] {strides = array<i32>} : memref<1x8x1024xf32, #tpu.memory_space<vmem>>, vector<1x1x16xf32>,
        %parallel_loop3A_1089 = vector.shape_cast %parallel_loop3A_1088 : vector<1x1x16xf32> to vector<16xf32>
        %parallel_loop3A_1090 = arith.constant 16 : i32
        %parallel_loop3A_1091 = arith.muli %parallel_loop3A_1051, %parallel_loop3A_1090 : i32
        %parallel_loop3A_1092 = arith.constant 0 : i32
        %parallel_loop3A_1093 = arith.constant 6 : i32
        %parallel_loop3A_1094 = arith.index_cast %parallel_loop3A_1092 : i32 to index
        %parallel_loop3A_1095 = arith.index_cast %parallel_loop3A_1093 : i32 to index
        %parallel_loop3A_1096 = arith.index_cast %parallel_loop3A_1091 : i32 to index
        %parallel_loop3A_1097 = tpu.vector_load %arg6[%parallel_loop3A_1094, %parallel_loop3A_1095, %parallel_loop3A_1096] {strides = array<i32>} : memref<1x8x1024xf32, #tpu.memory_space<vmem>>, vector<1x1x16xf32>,
        %parallel_loop3A_1098 = vector.shape_cast %parallel_loop3A_1097 : vector<1x1x16xf32> to vector<16xf32>
        %parallel_loop3A_1099 = arith.constant 16 : i32
        %parallel_loop3A_1100 = arith.muli %parallel_loop3A_1051, %parallel_loop3A_1099 : i32
        %parallel_loop3A_1101 = arith.constant 0 : i32
        %parallel_loop3A_1102 = arith.constant 7 : i32
        %parallel_loop3A_1103 = arith.index_cast %parallel_loop3A_1101 : i32 to index
        %parallel_loop3A_1104 = arith.index_cast %parallel_loop3A_1102 : i32 to index
        %parallel_loop3A_1105 = arith.index_cast %parallel_loop3A_1100 : i32 to index
        %parallel_loop3A_1106 = tpu.vector_load %arg6[%parallel_loop3A_1103, %parallel_loop3A_1104, %parallel_loop3A_1105] {strides = array<i32>} : memref<1x8x1024xf32, #tpu.memory_space<vmem>>, vector<1x1x16xf32>,
        %parallel_loop3A_1107 = vector.shape_cast %parallel_loop3A_1106 : vector<1x1x16xf32> to vector<16xf32>
        %parallel_loop3A_1108 = arith.maximumf %parallel_loop3A_1052, %parallel_loop3A_1080 : vector<16xf32>
        %parallel_loop3A_1109 = arith.minimumf %parallel_loop3A_1052, %parallel_loop3A_1080 : vector<16xf32>
        %parallel_loop3A_1110 = arith.maximumf %parallel_loop3A_1053, %parallel_loop3A_1089 : vector<16xf32>
        %parallel_loop3A_1111 = arith.minimumf %parallel_loop3A_1053, %parallel_loop3A_1089 : vector<16xf32>
        %parallel_loop3A_1112 = arith.maximumf %parallel_loop3A_1054, %parallel_loop3A_1098 : vector<16xf32>
        %parallel_loop3A_1113 = arith.minimumf %parallel_loop3A_1054, %parallel_loop3A_1098 : vector<16xf32>
        %parallel_loop3A_1114 = arith.maximumf %parallel_loop3A_1055, %parallel_loop3A_1107 : vector<16xf32>
        %parallel_loop3A_1115 = arith.minimumf %parallel_loop3A_1055, %parallel_loop3A_1107 : vector<16xf32>
        %parallel_loop3A_1116 = arith.maximumf %parallel_loop3A_1056, %parallel_loop3A_1109 : vector<16xf32>
        %parallel_loop3A_1117 = arith.minimumf %parallel_loop3A_1056, %parallel_loop3A_1109 : vector<16xf32>
        %parallel_loop3A_1118 = arith.maximumf %parallel_loop3A_1057, %parallel_loop3A_1111 : vector<16xf32>
        %parallel_loop3A_1119 = arith.minimumf %parallel_loop3A_1057, %parallel_loop3A_1111 : vector<16xf32>
        %parallel_loop3A_1120 = arith.maximumf %parallel_loop3A_1058, %parallel_loop3A_1113 : vector<16xf32>
        %parallel_loop3A_1121 = arith.minimumf %parallel_loop3A_1058, %parallel_loop3A_1113 : vector<16xf32>
        %parallel_loop3A_1122 = arith.maximumf %parallel_loop3A_1059, %parallel_loop3A_1115 : vector<16xf32>
        %parallel_loop3A_1123 = arith.minimumf %parallel_loop3A_1059, %parallel_loop3A_1115 : vector<16xf32>
        %parallel_loop3A_1124 = arith.maximumf %parallel_loop3A_1060, %parallel_loop3A_1117 : vector<16xf32>
        %parallel_loop3A_1125 = arith.minimumf %parallel_loop3A_1060, %parallel_loop3A_1117 : vector<16xf32>
        %parallel_loop3A_1126 = arith.maximumf %parallel_loop3A_1061, %parallel_loop3A_1119 : vector<16xf32>
        %parallel_loop3A_1127 = arith.minimumf %parallel_loop3A_1061, %parallel_loop3A_1119 : vector<16xf32>
        %parallel_loop3A_1128 = arith.maximumf %parallel_loop3A_1062, %parallel_loop3A_1121 : vector<16xf32>
        %parallel_loop3A_1129 = arith.minimumf %parallel_loop3A_1062, %parallel_loop3A_1121 : vector<16xf32>
        %parallel_loop3A_1130 = arith.maximumf %parallel_loop3A_1063, %parallel_loop3A_1123 : vector<16xf32>
        %parallel_loop3A_1131 = arith.minimumf %parallel_loop3A_1063, %parallel_loop3A_1123 : vector<16xf32>
        %parallel_loop3A_1132 = arith.maximumf %parallel_loop3A_1064, %parallel_loop3A_1125 : vector<16xf32>
        %parallel_loop3A_1133 = arith.minimumf %parallel_loop3A_1064, %parallel_loop3A_1125 : vector<16xf32>
        %parallel_loop3A_1134 = arith.maximumf %parallel_loop3A_1065, %parallel_loop3A_1127 : vector<16xf32>
        %parallel_loop3A_1135 = arith.minimumf %parallel_loop3A_1065, %parallel_loop3A_1127 : vector<16xf32>
        %parallel_loop3A_1136 = arith.maximumf %parallel_loop3A_1066, %parallel_loop3A_1129 : vector<16xf32>
        %parallel_loop3A_1137 = arith.minimumf %parallel_loop3A_1066, %parallel_loop3A_1129 : vector<16xf32>
        %parallel_loop3A_1138 = arith.maximumf %parallel_loop3A_1067, %parallel_loop3A_1131 : vector<16xf32>
        %parallel_loop3A_1139 = arith.minimumf %parallel_loop3A_1067, %parallel_loop3A_1131 : vector<16xf32>
        %parallel_loop3A_1140 = arith.maximumf %parallel_loop3A_1068, %parallel_loop3A_1133 : vector<16xf32>
        %parallel_loop3A_1141 = arith.maximumf %parallel_loop3A_1069, %parallel_loop3A_1135 : vector<16xf32>
        %parallel_loop3A_1142 = arith.maximumf %parallel_loop3A_1070, %parallel_loop3A_1137 : vector<16xf32>
        %parallel_loop3A_1143 = arith.maximumf %parallel_loop3A_1071, %parallel_loop3A_1139 : vector<16xf32>
        scf.yield %parallel_loop3A_1108, %parallel_loop3A_1110, %parallel_loop3A_1112, %parallel_loop3A_1114, %parallel_loop3A_1116, %parallel_loop3A_1118, %parallel_loop3A_1120, %parallel_loop3A_1122, %parallel_loop3A_1124, %parallel_loop3A_1126, %parallel_loop3A_1128, %parallel_loop3A_1130, %parallel_loop3A_1132, %parallel_loop3A_1134, %parallel_loop3A_1136, %parallel_loop3A_1138, %parallel_loop3A_1140, %parallel_loop3A_1141, %parallel_loop3A_1142, %parallel_loop3A_1143 : vector<16xf32>, vector<16xf32>, vector<16xf32>, vector<16xf32>, vector<16xf32>, vector<16xf32>, vector<16xf32>, vector<16xf32>, vector<16xf32>, vector<16xf32>, vector<16xf32>, vector<16xf32>, vector<16xf32>, vector<16xf32>, vector<16xf32>, vector<16xf32>, vector<16xf32>, vector<16xf32>, vector<16xf32>, vector<16xf32>
      } {sc.loop_unroll_factor = 2 : i64, sc.parallel_access}
      %swap3A_857 = arith.constant 4 : i32
      %swap3A_858 = arith.index_cast %swap3A_857 : i32 to index
      %swap3A_859 = arith.constant 0 : index
      %swap3A_860 = tpu.vector_load %arg8[%swap3A_858, %swap3A_859] {strides = array<i32>} : memref<8x128xf32, #tpu.memory_space<vmem>>, vector<1x16xf32>,
      %swap3A_861 = vector.shape_cast %swap3A_860 : vector<1x16xf32> to vector<16xf32>
      %swap3A_862 = vector.shape_cast %parallel_loop3A_856#0 : vector<16xf32> to vector<1x16xf32>
      tpu.vector_store %arg8[%swap3A_858, %swap3A_859], %swap3A_862 {strides = array<i32>} : memref<8x128xf32, #tpu.memory_space<vmem>>, vector<1x16xf32>,
      %swap3A_863 = arith.constant 5 : i32
      %swap3A_864 = arith.index_cast %swap3A_863 : i32 to index
      %swap3A_865 = arith.constant 0 : index
      %swap3A_866 = tpu.vector_load %arg8[%swap3A_864, %swap3A_865] {strides = array<i32>} : memref<8x128xf32, #tpu.memory_space<vmem>>, vector<1x16xf32>,
      %swap3A_867 = vector.shape_cast %swap3A_866 : vector<1x16xf32> to vector<16xf32>
      %swap3A_868 = vector.shape_cast %parallel_loop3A_856#1 : vector<16xf32> to vector<1x16xf32>
      tpu.vector_store %arg8[%swap3A_864, %swap3A_865], %swap3A_868 {strides = array<i32>} : memref<8x128xf32, #tpu.memory_space<vmem>>, vector<1x16xf32>,
      %swap3A_869 = arith.constant 6 : i32
      %swap3A_870 = arith.index_cast %swap3A_869 : i32 to index
      %swap3A_871 = arith.constant 0 : index
      %swap3A_872 = tpu.vector_load %arg8[%swap3A_870, %swap3A_871] {strides = array<i32>} : memref<8x128xf32, #tpu.memory_space<vmem>>, vector<1x16xf32>,
      %swap3A_873 = vector.shape_cast %swap3A_872 : vector<1x16xf32> to vector<16xf32>
      %swap3A_874 = vector.shape_cast %parallel_loop3A_856#2 : vector<16xf32> to vector<1x16xf32>
      tpu.vector_store %arg8[%swap3A_870, %swap3A_871], %swap3A_874 {strides = array<i32>} : memref<8x128xf32, #tpu.memory_space<vmem>>, vector<1x16xf32>,
      %swap3A_875 = arith.constant 7 : i32
      %swap3A_876 = arith.index_cast %swap3A_875 : i32 to index
      %swap3A_877 = arith.constant 0 : index
      %swap3A_878 = tpu.vector_load %arg8[%swap3A_876, %swap3A_877] {strides = array<i32>} : memref<8x128xf32, #tpu.memory_space<vmem>>, vector<1x16xf32>,
      %swap3A_879 = vector.shape_cast %swap3A_878 : vector<1x16xf32> to vector<16xf32>
      %swap3A_880 = vector.shape_cast %parallel_loop3A_856#3 : vector<16xf32> to vector<1x16xf32>
      tpu.vector_store %arg8[%swap3A_876, %swap3A_877], %swap3A_880 {strides = array<i32>} : memref<8x128xf32, #tpu.memory_space<vmem>>, vector<1x16xf32>,
      %swap3A_881 = arith.constant 4 : i32
      %swap3A_882 = arith.index_cast %swap3A_881 : i32 to index
      %swap3A_883 = arith.constant 16 : index
      %swap3A_884 = tpu.vector_load %arg8[%swap3A_882, %swap3A_883] {strides = array<i32>} : memref<8x128xf32, #tpu.memory_space<vmem>>, vector<1x16xf32>,
      %swap3A_885 = vector.shape_cast %swap3A_884 : vector<1x16xf32> to vector<16xf32>
      %swap3A_886 = vector.shape_cast %parallel_loop3A_856#4 : vector<16xf32> to vector<1x16xf32>
      tpu.vector_store %arg8[%swap3A_882, %swap3A_883], %swap3A_886 {strides = array<i32>} : memref<8x128xf32, #tpu.memory_space<vmem>>, vector<1x16xf32>,
      %swap3A_887 = arith.constant 5 : i32
      %swap3A_888 = arith.index_cast %swap3A_887 : i32 to index
      %swap3A_889 = arith.constant 16 : index
      %swap3A_890 = tpu.vector_load %arg8[%swap3A_888, %swap3A_889] {strides = array<i32>} : memref<8x128xf32, #tpu.memory_space<vmem>>, vector<1x16xf32>,
      %swap3A_891 = vector.shape_cast %swap3A_890 : vector<1x16xf32> to vector<16xf32>
      %swap3A_892 = vector.shape_cast %parallel_loop3A_856#5 : vector<16xf32> to vector<1x16xf32>
      tpu.vector_store %arg8[%swap3A_888, %swap3A_889], %swap3A_892 {strides = array<i32>} : memref<8x128xf32, #tpu.memory_space<vmem>>, vector<1x16xf32>,
      %swap3A_893 = arith.constant 6 : i32
      %swap3A_894 = arith.index_cast %swap3A_893 : i32 to index
      %swap3A_895 = arith.constant 16 : index
      %swap3A_896 = tpu.vector_load %arg8[%swap3A_894, %swap3A_895] {strides = array<i32>} : memref<8x128xf32, #tpu.memory_space<vmem>>, vector<1x16xf32>,
      %swap3A_897 = vector.shape_cast %swap3A_896 : vector<1x16xf32> to vector<16xf32>
      %swap3A_898 = vector.shape_cast %parallel_loop3A_856#6 : vector<16xf32> to vector<1x16xf32>
      tpu.vector_store %arg8[%swap3A_894, %swap3A_895], %swap3A_898 {strides = array<i32>} : memref<8x128xf32, #tpu.memory_space<vmem>>, vector<1x16xf32>,
      %swap3A_899 = arith.constant 7 : i32
      %swap3A_900 = arith.index_cast %swap3A_899 : i32 to index
      %swap3A_901 = arith.constant 16 : index
      %swap3A_902 = tpu.vector_load %arg8[%swap3A_900, %swap3A_901] {strides = array<i32>} : memref<8x128xf32, #tpu.memory_space<vmem>>, vector<1x16xf32>,
      %swap3A_903 = vector.shape_cast %swap3A_902 : vector<1x16xf32> to vector<16xf32>
      %swap3A_904 = vector.shape_cast %parallel_loop3A_856#7 : vector<16xf32> to vector<1x16xf32>
      tpu.vector_store %arg8[%swap3A_900, %swap3A_901], %swap3A_904 {strides = array<i32>} : memref<8x128xf32, #tpu.memory_space<vmem>>, vector<1x16xf32>,
      %swap3A_905 = arith.constant 4 : i32
      %swap3A_906 = arith.index_cast %swap3A_905 : i32 to index
      %swap3A_907 = arith.constant 32 : index
      %swap3A_908 = tpu.vector_load %arg8[%swap3A_906, %swap3A_907] {strides = array<i32>} : memref<8x128xf32, #tpu.memory_space<vmem>>, vector<1x16xf32>,
      %swap3A_909 = vector.shape_cast %swap3A_908 : vector<1x16xf32> to vector<16xf32>
      %swap3A_910 = vector.shape_cast %parallel_loop3A_856#8 : vector<16xf32> to vector<1x16xf32>
      tpu.vector_store %arg8[%swap3A_906, %swap3A_907], %swap3A_910 {strides = array<i32>} : memref<8x128xf32, #tpu.memory_space<vmem>>, vector<1x16xf32>,
      %swap3A_911 = arith.constant 5 : i32
      %swap3A_912 = arith.index_cast %swap3A_911 : i32 to index
      %swap3A_913 = arith.constant 32 : index
      %swap3A_914 = tpu.vector_load %arg8[%swap3A_912, %swap3A_913] {strides = array<i32>} : memref<8x128xf32, #tpu.memory_space<vmem>>, vector<1x16xf32>,
      %swap3A_915 = vector.shape_cast %swap3A_914 : vector<1x16xf32> to vector<16xf32>
      %swap3A_916 = vector.shape_cast %parallel_loop3A_856#9 : vector<16xf32> to vector<1x16xf32>
      tpu.vector_store %arg8[%swap3A_912, %swap3A_913], %swap3A_916 {strides = array<i32>} : memref<8x128xf32, #tpu.memory_space<vmem>>, vector<1x16xf32>,
      %swap3A_917 = arith.constant 6 : i32
      %swap3A_918 = arith.index_cast %swap3A_917 : i32 to index
      %swap3A_919 = arith.constant 32 : index
      %swap3A_920 = tpu.vector_load %arg8[%swap3A_918, %swap3A_919] {strides = array<i32>} : memref<8x128xf32, #tpu.memory_space<vmem>>, vector<1x16xf32>,
      %swap3A_921 = vector.shape_cast %swap3A_920 : vector<1x16xf32> to vector<16xf32>
      %swap3A_922 = vector.shape_cast %parallel_loop3A_856#10 : vector<16xf32> to vector<1x16xf32>
      tpu.vector_store %arg8[%swap3A_918, %swap3A_919], %swap3A_922 {strides = array<i32>} : memref<8x128xf32, #tpu.memory_space<vmem>>, vector<1x16xf32>,
      %swap3A_923 = arith.constant 7 : i32
      %swap3A_924 = arith.index_cast %swap3A_923 : i32 to index
      %swap3A_925 = arith.constant 32 : index
      %swap3A_926 = tpu.vector_load %arg8[%swap3A_924, %swap3A_925] {strides = array<i32>} : memref<8x128xf32, #tpu.memory_space<vmem>>, vector<1x16xf32>,
      %swap3A_927 = vector.shape_cast %swap3A_926 : vector<1x16xf32> to vector<16xf32>
      %swap3A_928 = vector.shape_cast %parallel_loop3A_856#11 : vector<16xf32> to vector<1x16xf32>
      tpu.vector_store %arg8[%swap3A_924, %swap3A_925], %swap3A_928 {strides = array<i32>} : memref<8x128xf32, #tpu.memory_space<vmem>>, vector<1x16xf32>,
      %swap3A_929 = arith.constant 4 : i32
      %swap3A_930 = arith.index_cast %swap3A_929 : i32 to index
      %swap3A_931 = arith.constant 48 : index
      %swap3A_932 = tpu.vector_load %arg8[%swap3A_930, %swap3A_931] {strides = array<i32>} : memref<8x128xf32, #tpu.memory_space<vmem>>, vector<1x16xf32>,
      %swap3A_933 = vector.shape_cast %swap3A_932 : vector<1x16xf32> to vector<16xf32>
      %swap3A_934 = vector.shape_cast %parallel_loop3A_856#12 : vector<16xf32> to vector<1x16xf32>
      tpu.vector_store %arg8[%swap3A_930, %swap3A_931], %swap3A_934 {strides = array<i32>} : memref<8x128xf32, #tpu.memory_space<vmem>>, vector<1x16xf32>,
      %swap3A_935 = arith.constant 5 : i32
      %swap3A_936 = arith.index_cast %swap3A_935 : i32 to index
      %swap3A_937 = arith.constant 48 : index
      %swap3A_938 = tpu.vector_load %arg8[%swap3A_936, %swap3A_937] {strides = array<i32>} : memref<8x128xf32, #tpu.memory_space<vmem>>, vector<1x16xf32>,
      %swap3A_939 = vector.shape_cast %swap3A_938 : vector<1x16xf32> to vector<16xf32>
      %swap3A_940 = vector.shape_cast %parallel_loop3A_856#13 : vector<16xf32> to vector<1x16xf32>
      tpu.vector_store %arg8[%swap3A_936, %swap3A_937], %swap3A_940 {strides = array<i32>} : memref<8x128xf32, #tpu.memory_space<vmem>>, vector<1x16xf32>,
      %swap3A_941 = arith.constant 6 : i32
      %swap3A_942 = arith.index_cast %swap3A_941 : i32 to index
      %swap3A_943 = arith.constant 48 : index
      %swap3A_944 = tpu.vector_load %arg8[%swap3A_942, %swap3A_943] {strides = array<i32>} : memref<8x128xf32, #tpu.memory_space<vmem>>, vector<1x16xf32>,
      %swap3A_945 = vector.shape_cast %swap3A_944 : vector<1x16xf32> to vector<16xf32>
      %swap3A_946 = vector.shape_cast %parallel_loop3A_856#14 : vector<16xf32> to vector<1x16xf32>
      tpu.vector_store %arg8[%swap3A_942, %swap3A_943], %swap3A_946 {strides = array<i32>} : memref<8x128xf32, #tpu.memory_space<vmem>>, vector<1x16xf32>,
      %swap3A_947 = arith.constant 7 : i32
      %swap3A_948 = arith.index_cast %swap3A_947 : i32 to index
      %swap3A_949 = arith.constant 48 : index
      %swap3A_950 = tpu.vector_load %arg8[%swap3A_948, %swap3A_949] {strides = array<i32>} : memref<8x128xf32, #tpu.memory_space<vmem>>, vector<1x16xf32>,
      %swap3A_951 = vector.shape_cast %swap3A_950 : vector<1x16xf32> to vector<16xf32>
      %swap3A_952 = vector.shape_cast %parallel_loop3A_856#15 : vector<16xf32> to vector<1x16xf32>
      tpu.vector_store %arg8[%swap3A_948, %swap3A_949], %swap3A_952 {strides = array<i32>} : memref<8x128xf32, #tpu.memory_space<vmem>>, vector<1x16xf32>,
      %swap3A_953 = arith.constant 4 : i32
      %swap3A_954 = arith.index_cast %swap3A_953 : i32 to index
      %swap3A_955 = arith.constant 64 : index
      %swap3A_956 = tpu.vector_load %arg8[%swap3A_954, %swap3A_955] {strides = array<i32>} : memref<8x128xf32, #tpu.memory_space<vmem>>, vector<1x16xf32>,
      %swap3A_957 = vector.shape_cast %swap3A_956 : vector<1x16xf32> to vector<16xf32>
      %swap3A_958 = vector.shape_cast %parallel_loop3A_856#16 : vector<16xf32> to vector<1x16xf32>
      tpu.vector_store %arg8[%swap3A_954, %swap3A_955], %swap3A_958 {strides = array<i32>} : memref<8x128xf32, #tpu.memory_space<vmem>>, vector<1x16xf32>,
      %swap3A_959 = arith.constant 5 : i32
      %swap3A_960 = arith.index_cast %swap3A_959 : i32 to index
      %swap3A_961 = arith.constant 64 : index
      %swap3A_962 = tpu.vector_load %arg8[%swap3A_960, %swap3A_961] {strides = array<i32>} : memref<8x128xf32, #tpu.memory_space<vmem>>, vector<1x16xf32>,
      %swap3A_963 = vector.shape_cast %swap3A_962 : vector<1x16xf32> to vector<16xf32>
      %swap3A_964 = vector.shape_cast %parallel_loop3A_856#17 : vector<16xf32> to vector<1x16xf32>
      tpu.vector_store %arg8[%swap3A_960, %swap3A_961], %swap3A_964 {strides = array<i32>} : memref<8x128xf32, #tpu.memory_space<vmem>>, vector<1x16xf32>,
      %swap3A_965 = arith.constant 6 : i32
      %swap3A_966 = arith.index_cast %swap3A_965 : i32 to index
      %swap3A_967 = arith.constant 64 : index
      %swap3A_968 = tpu.vector_load %arg8[%swap3A_966, %swap3A_967] {strides = array<i32>} : memref<8x128xf32, #tpu.memory_space<vmem>>, vector<1x16xf32>,
      %swap3A_969 = vector.shape_cast %swap3A_968 : vector<1x16xf32> to vector<16xf32>
      %swap3A_970 = vector.shape_cast %parallel_loop3A_856#18 : vector<16xf32> to vector<1x16xf32>
      tpu.vector_store %arg8[%swap3A_966, %swap3A_967], %swap3A_970 {strides = array<i32>} : memref<8x128xf32, #tpu.memory_space<vmem>>, vector<1x16xf32>,
      %swap3A_971 = arith.constant 7 : i32
      %swap3A_972 = arith.index_cast %swap3A_971 : i32 to index
      %swap3A_973 = arith.constant 64 : index
      %swap3A_974 = tpu.vector_load %arg8[%swap3A_972, %swap3A_973] {strides = array<i32>} : memref<8x128xf32, #tpu.memory_space<vmem>>, vector<1x16xf32>,
      %swap3A_975 = vector.shape_cast %swap3A_974 : vector<1x16xf32> to vector<16xf32>
      %swap3A_976 = vector.shape_cast %parallel_loop3A_856#19 : vector<16xf32> to vector<1x16xf32>
      tpu.vector_store %arg8[%swap3A_972, %swap3A_973], %swap3A_976 {strides = array<i32>} : memref<8x128xf32, #tpu.memory_space<vmem>>, vector<1x16xf32>,
      %swap3A_977 = arith.constant 4 : i32
      %swap3A_978 = arith.index_cast %swap3A_977 : i32 to index
      %swap3A_979 = arith.constant 80 : index
      %swap3A_980 = tpu.vector_load %arg8[%swap3A_978, %swap3A_979] {strides = array<i32>} : memref<8x128xf32, #tpu.memory_space<vmem>>, vector<1x16xf32>,
      %swap3A_981 = vector.shape_cast %swap3A_980 : vector<1x16xf32> to vector<16xf32>
      %swap3A_982 = vector.shape_cast %broadcast_in_dim3A_1 : vector<16xf32> to vector<1x16xf32>
      tpu.vector_store %arg8[%swap3A_978, %swap3A_979], %swap3A_982 {strides = array<i32>} : memref<8x128xf32, #tpu.memory_space<vmem>>, vector<1x16xf32>,
      %swap3A_983 = arith.constant 5 : i32
      %swap3A_984 = arith.index_cast %swap3A_983 : i32 to index
      %swap3A_985 = arith.constant 80 : index
      %swap3A_986 = tpu.vector_load %arg8[%swap3A_984, %swap3A_985] {strides = array<i32>} : memref<8x128xf32, #tpu.memory_space<vmem>>, vector<1x16xf32>,
      %swap3A_987 = vector.shape_cast %swap3A_986 : vector<1x16xf32> to vector<16xf32>
      %swap3A_988 = vector.shape_cast %broadcast_in_dim3A_1 : vector<16xf32> to vector<1x16xf32>
      tpu.vector_store %arg8[%swap3A_984, %swap3A_985], %swap3A_988 {strides = array<i32>} : memref<8x128xf32, #tpu.memory_space<vmem>>, vector<1x16xf32>,
      %swap3A_989 = arith.constant 6 : i32
      %swap3A_990 = arith.index_cast %swap3A_989 : i32 to index
      %swap3A_991 = arith.constant 80 : index
      %swap3A_992 = tpu.vector_load %arg8[%swap3A_990, %swap3A_991] {strides = array<i32>} : memref<8x128xf32, #tpu.memory_space<vmem>>, vector<1x16xf32>,
      %swap3A_993 = vector.shape_cast %swap3A_992 : vector<1x16xf32> to vector<16xf32>
      %swap3A_994 = vector.shape_cast %broadcast_in_dim3A_1 : vector<16xf32> to vector<1x16xf32>
      tpu.vector_store %arg8[%swap3A_990, %swap3A_991], %swap3A_994 {strides = array<i32>} : memref<8x128xf32, #tpu.memory_space<vmem>>, vector<1x16xf32>,
      %swap3A_995 = arith.constant 7 : i32
      %swap3A_996 = arith.index_cast %swap3A_995 : i32 to index
      %swap3A_997 = arith.constant 80 : index
      %swap3A_998 = tpu.vector_load %arg8[%swap3A_996, %swap3A_997] {strides = array<i32>} : memref<8x128xf32, #tpu.memory_space<vmem>>, vector<1x16xf32>,
      %swap3A_999 = vector.shape_cast %swap3A_998 : vector<1x16xf32> to vector<16xf32>
      %swap3A_1000 = vector.shape_cast %broadcast_in_dim3A_1 : vector<16xf32> to vector<1x16xf32>
      tpu.vector_store %arg8[%swap3A_996, %swap3A_997], %swap3A_1000 {strides = array<i32>} : memref<8x128xf32, #tpu.memory_space<vmem>>, vector<1x16xf32>,
      %swap3A_1001 = arith.constant 4 : i32
      %swap3A_1002 = arith.index_cast %swap3A_1001 : i32 to index
      %swap3A_1003 = arith.constant 96 : index
      %swap3A_1004 = tpu.vector_load %arg8[%swap3A_1002, %swap3A_1003] {strides = array<i32>} : memref<8x128xf32, #tpu.memory_space<vmem>>, vector<1x16xf32>,
      %swap3A_1005 = vector.shape_cast %swap3A_1004 : vector<1x16xf32> to vector<16xf32>
      %swap3A_1006 = vector.shape_cast %broadcast_in_dim3A_1 : vector<16xf32> to vector<1x16xf32>
      tpu.vector_store %arg8[%swap3A_1002, %swap3A_1003], %swap3A_1006 {strides = array<i32>} : memref<8x128xf32, #tpu.memory_space<vmem>>, vector<1x16xf32>,
      %swap3A_1007 = arith.constant 5 : i32
      %swap3A_1008 = arith.index_cast %swap3A_1007 : i32 to index
      %swap3A_1009 = arith.constant 96 : index
      %swap3A_1010 = tpu.vector_load %arg8[%swap3A_1008, %swap3A_1009] {strides = array<i32>} : memref<8x128xf32, #tpu.memory_space<vmem>>, vector<1x16xf32>,
      %swap3A_1011 = vector.shape_cast %swap3A_1010 : vector<1x16xf32> to vector<16xf32>
      %swap3A_1012 = vector.shape_cast %broadcast_in_dim3A_1 : vector<16xf32> to vector<1x16xf32>
      tpu.vector_store %arg8[%swap3A_1008, %swap3A_1009], %swap3A_1012 {strides = array<i32>} : memref<8x128xf32, #tpu.memory_space<vmem>>, vector<1x16xf32>,
      %swap3A_1013 = arith.constant 6 : i32
      %swap3A_1014 = arith.index_cast %swap3A_1013 : i32 to index
      %swap3A_1015 = arith.constant 96 : index
      %swap3A_1016 = tpu.vector_load %arg8[%swap3A_1014, %swap3A_1015] {strides = array<i32>} : memref<8x128xf32, #tpu.memory_space<vmem>>, vector<1x16xf32>,
      %swap3A_1017 = vector.shape_cast %swap3A_1016 : vector<1x16xf32> to vector<16xf32>
      %swap3A_1018 = vector.shape_cast %broadcast_in_dim3A_1 : vector<16xf32> to vector<1x16xf32>
      tpu.vector_store %arg8[%swap3A_1014, %swap3A_1015], %swap3A_1018 {strides = array<i32>} : memref<8x128xf32, #tpu.memory_space<vmem>>, vector<1x16xf32>,
      %swap3A_1019 = arith.constant 7 : i32
      %swap3A_1020 = arith.index_cast %swap3A_1019 : i32 to index
      %swap3A_1021 = arith.constant 96 : index
      %swap3A_1022 = tpu.vector_load %arg8[%swap3A_1020, %swap3A_1021] {strides = array<i32>} : memref<8x128xf32, #tpu.memory_space<vmem>>, vector<1x16xf32>,
      %swap3A_1023 = vector.shape_cast %swap3A_1022 : vector<1x16xf32> to vector<16xf32>
      %swap3A_1024 = vector.shape_cast %broadcast_in_dim3A_1 : vector<16xf32> to vector<1x16xf32>
      tpu.vector_store %arg8[%swap3A_1020, %swap3A_1021], %swap3A_1024 {strides = array<i32>} : memref<8x128xf32, #tpu.memory_space<vmem>>, vector<1x16xf32>,
      %swap3A_1025 = arith.constant 4 : i32
      %swap3A_1026 = arith.index_cast %swap3A_1025 : i32 to index
      %swap3A_1027 = arith.constant 112 : index
      %swap3A_1028 = tpu.vector_load %arg8[%swap3A_1026, %swap3A_1027] {strides = array<i32>} : memref<8x128xf32, #tpu.memory_space<vmem>>, vector<1x16xf32>,
      %swap3A_1029 = vector.shape_cast %swap3A_1028 : vector<1x16xf32> to vector<16xf32>
      %swap3A_1030 = vector.shape_cast %broadcast_in_dim3A_1 : vector<16xf32> to vector<1x16xf32>
      tpu.vector_store %arg8[%swap3A_1026, %swap3A_1027], %swap3A_1030 {strides = array<i32>} : memref<8x128xf32, #tpu.memory_space<vmem>>, vector<1x16xf32>,
      %swap3A_1031 = arith.constant 5 : i32
      %swap3A_1032 = arith.index_cast %swap3A_1031 : i32 to index
      %swap3A_1033 = arith.constant 112 : index
      %swap3A_1034 = tpu.vector_load %arg8[%swap3A_1032, %swap3A_1033] {strides = array<i32>} : memref<8x128xf32, #tpu.memory_space<vmem>>, vector<1x16xf32>,
      %swap3A_1035 = vector.shape_cast %swap3A_1034 : vector<1x16xf32> to vector<16xf32>
      %swap3A_1036 = vector.shape_cast %broadcast_in_dim3A_1 : vector<16xf32> to vector<1x16xf32>
      tpu.vector_store %arg8[%swap3A_1032, %swap3A_1033], %swap3A_1036 {strides = array<i32>} : memref<8x128xf32, #tpu.memory_space<vmem>>, vector<1x16xf32>,
      %swap3A_1037 = arith.constant 6 : i32
      %swap3A_1038 = arith.index_cast %swap3A_1037 : i32 to index
      %swap3A_1039 = arith.constant 112 : index
      %swap3A_1040 = tpu.vector_load %arg8[%swap3A_1038, %swap3A_1039] {strides = array<i32>} : memref<8x128xf32, #tpu.memory_space<vmem>>, vector<1x16xf32>,
      %swap3A_1041 = vector.shape_cast %swap3A_1040 : vector<1x16xf32> to vector<16xf32>
      %swap3A_1042 = vector.shape_cast %broadcast_in_dim3A_1 : vector<16xf32> to vector<1x16xf32>
      tpu.vector_store %arg8[%swap3A_1038, %swap3A_1039], %swap3A_1042 {strides = array<i32>} : memref<8x128xf32, #tpu.memory_space<vmem>>, vector<1x16xf32>,
      %swap3A_1043 = arith.constant 7 : i32
      %swap3A_1044 = arith.index_cast %swap3A_1043 : i32 to index
      %swap3A_1045 = arith.constant 112 : index
      %swap3A_1046 = tpu.vector_load %arg8[%swap3A_1044, %swap3A_1045] {strides = array<i32>} : memref<8x128xf32, #tpu.memory_space<vmem>>, vector<1x16xf32>,
      %swap3A_1047 = vector.shape_cast %swap3A_1046 : vector<1x16xf32> to vector<16xf32>
      %swap3A_1048 = vector.shape_cast %broadcast_in_dim3A_1 : vector<16xf32> to vector<1x16xf32>
      tpu.vector_store %arg8[%swap3A_1044, %swap3A_1045], %swap3A_1048 {strides = array<i32>} : memref<8x128xf32, #tpu.memory_space<vmem>>, vector<1x16xf32>,
      %mul3A_1049 = arith.constant 8 : i32
      %mul3A_1050 = arith.muli %add3A_10, %mul3A_1049 : i32
      "tpu.region"() ({
        %run_scoped3A = tpu.sem_alloc : memref<!tpu.dma_semaphore, #tpu.memory_space<semaphore_mem>>
        %dma_start3A_1051 = arith.constant 0 : i32
        %dma_start3A_1052 = tpu.memref_slice %arg4[%mul3A_1050, %dma_start3A_1051] : memref<512x128xf32, #tpu.memory_space<hbm>> -> memref<8x128xf32, #tpu.memory_space<hbm>>
        %dma_start3A_1053 = arith.constant 0 : i32
        %dma_start3A_1054 = tpu.memref_slice %arg4[%mul3A_1050, %dma_start3A_1053] : memref<512x128xf32, #tpu.memory_space<hbm>> -> memref<8x128xf32, #tpu.memory_space<hbm>>
        tpu.enqueue_dma source(%arg8 : memref<8x128xf32, #tpu.memory_space<vmem>>) target(%dma_start3A_1054 : memref<8x128xf32, #tpu.memory_space<hbm>>) target_semaphore(%run_scoped3A : memref<!tpu.dma_semaphore, #tpu.memory_space<semaphore_mem>>)
        %dma_wait3A_1055 = arith.constant 0 : i32
        %dma_wait3A_1056 = tpu.memref_slice %arg4[%mul3A_1050, %dma_wait3A_1055] : memref<512x128xf32, #tpu.memory_space<hbm>> -> memref<8x128xf32, #tpu.memory_space<hbm>>
        %dma_wait3A_1057 = arith.constant 0 : i32
        %dma_wait3A_1058 = tpu.memref_slice %arg4[%mul3A_1050, %dma_wait3A_1057] : memref<512x128xf32, #tpu.memory_space<hbm>> -> memref<8x128xf32, #tpu.memory_space<hbm>>
        tpu.wait_dma2 semaphore(%run_scoped3A : memref<!tpu.dma_semaphore, #tpu.memory_space<semaphore_mem>>) src(%arg8 : memref<8x128xf32, #tpu.memory_space<vmem>>) dst(%dma_wait3A_1058 : memref<8x128xf32, #tpu.memory_space<hbm>>)
        tpu.yield
      }) : () -> ()
    }
    %scan3A_6 = arith.constant 2 : i32
    return
  }
}

module attributes {stable_mosaic.version = 14 : i64} {
  func.func @_tc_body(%arg0: memref<512x128xf32, #tpu.memory_space<vmem>>, %arg1: memref<1x1xf32, #tpu.memory_space<vmem>>) attributes {dimension_semantics = [], scalar_prefetch = 0 : i64, scratch_operands = 0 : i64, tpu.core_type = #tpu.core_type<tc>} {
    %get3A = arith.constant 0 : index
    %get3A_0 = arith.constant 0 : index
    %get3A_1 = vector.load %arg0[%get3A, %get3A_0] : memref<512x128xf32, #tpu.memory_space<vmem>>, vector<512x128xf32>
    %iota3A = tpu.iota {dimensions = array<i32: 1>} : vector<512x128xi32>
    %broadcast_in_dim3A = arith.constant 0.000000e+00 : f32
    %broadcast_in_dim3A_2 = vector.broadcast %broadcast_in_dim3A : f32 to vector<512x1xf32>
    %reduce_max3A = arith.constant dense<0xFF800000> : vector<512xf32>
    %reduce_max3A_3 = vector.multi_reduction <maximumf>, %get3A_1, %reduce_max3A [1] : vector<512x128xf32> to vector<512xf32>
    %broadcast_in_dim3A_4 = vector.shape_cast %reduce_max3A_3 : vector<512xf32> to vector<512x1xf32>
    %eq3A = vector.broadcast %broadcast_in_dim3A_4 : vector<512x1xf32> to vector<512x128xf32>
    %eq3A_5 = arith.cmpf oeq, %get3A_1, %eq3A : vector<512x128xf32>
    %jit3A = arith.constant 128 : i32
    %broadcast_in_dim3A_6 = vector.broadcast %jit3A : i32 to vector<512x128xi32>
    %select_n3A = arith.select %eq3A_5, %iota3A, %broadcast_in_dim3A_6 : vector<512x128xi1>, vector<512x128xi32>
    %reduce_min3A = arith.constant dense<2147483647> : vector<512xi32>
    %reduce_min3A_7 = vector.multi_reduction <minsi>, %select_n3A, %reduce_min3A [1] : vector<512x128xi32> to vector<512xi32>
    %broadcast_in_dim3A_8 = vector.shape_cast %reduce_min3A_7 : vector<512xi32> to vector<512x1xi32>
    %eq3A_9 = vector.broadcast %broadcast_in_dim3A_8 : vector<512x1xi32> to vector<512x128xi32>
    %eq3A_10 = arith.cmpi eq, %iota3A, %eq3A_9 : vector<512x128xi32>
    %jit3A_11 = arith.constant 0xFF800000 : f32
    %broadcast_in_dim3A_12 = vector.broadcast %jit3A_11 : f32 to vector<512x128xf32>
    %select_n3A_13 = arith.select %eq3A_10, %broadcast_in_dim3A_12, %get3A_1 : vector<512x128xi1>, vector<512x128xf32>
    %add3A = arith.addf %broadcast_in_dim3A_2, %broadcast_in_dim3A_4 : vector<512x1xf32>
    %reduce_max3A_14 = arith.constant dense<0xFF800000> : vector<512xf32>
    %reduce_max3A_15 = vector.multi_reduction <maximumf>, %select_n3A_13, %reduce_max3A_14 [1] : vector<512x128xf32> to vector<512xf32>
    %broadcast_in_dim3A_16 = vector.shape_cast %reduce_max3A_15 : vector<512xf32> to vector<512x1xf32>
    %eq3A_17 = vector.broadcast %broadcast_in_dim3A_16 : vector<512x1xf32> to vector<512x128xf32>
    %eq3A_18 = arith.cmpf oeq, %select_n3A_13, %eq3A_17 : vector<512x128xf32>
    %jit3A_19 = arith.constant 128 : i32
    %broadcast_in_dim3A_20 = vector.broadcast %jit3A_19 : i32 to vector<512x128xi32>
    %select_n3A_21 = arith.select %eq3A_18, %iota3A, %broadcast_in_dim3A_20 : vector<512x128xi1>, vector<512x128xi32>
    %reduce_min3A_22 = arith.constant dense<2147483647> : vector<512xi32>
    %reduce_min3A_23 = vector.multi_reduction <minsi>, %select_n3A_21, %reduce_min3A_22 [1] : vector<512x128xi32> to vector<512xi32>
    %broadcast_in_dim3A_24 = vector.shape_cast %reduce_min3A_23 : vector<512xi32> to vector<512x1xi32>
    %eq3A_25 = vector.broadcast %broadcast_in_dim3A_24 : vector<512x1xi32> to vector<512x128xi32>
    %eq3A_26 = arith.cmpi eq, %iota3A, %eq3A_25 : vector<512x128xi32>
    %jit3A_27 = arith.constant 0xFF800000 : f32
    %broadcast_in_dim3A_28 = vector.broadcast %jit3A_27 : f32 to vector<512x128xf32>
    %select_n3A_29 = arith.select %eq3A_26, %broadcast_in_dim3A_28, %select_n3A_13 : vector<512x128xi1>, vector<512x128xf32>
    %add3A_30 = arith.addf %add3A, %broadcast_in_dim3A_16 : vector<512x1xf32>
    %reduce_max3A_31 = arith.constant dense<0xFF800000> : vector<512xf32>
    %reduce_max3A_32 = vector.multi_reduction <maximumf>, %select_n3A_29, %reduce_max3A_31 [1] : vector<512x128xf32> to vector<512xf32>
    %broadcast_in_dim3A_33 = vector.shape_cast %reduce_max3A_32 : vector<512xf32> to vector<512x1xf32>
    %eq3A_34 = vector.broadcast %broadcast_in_dim3A_33 : vector<512x1xf32> to vector<512x128xf32>
    %eq3A_35 = arith.cmpf oeq, %select_n3A_29, %eq3A_34 : vector<512x128xf32>
    %jit3A_36 = arith.constant 128 : i32
    %broadcast_in_dim3A_37 = vector.broadcast %jit3A_36 : i32 to vector<512x128xi32>
    %select_n3A_38 = arith.select %eq3A_35, %iota3A, %broadcast_in_dim3A_37 : vector<512x128xi1>, vector<512x128xi32>
    %reduce_min3A_39 = arith.constant dense<2147483647> : vector<512xi32>
    %reduce_min3A_40 = vector.multi_reduction <minsi>, %select_n3A_38, %reduce_min3A_39 [1] : vector<512x128xi32> to vector<512xi32>
    %broadcast_in_dim3A_41 = vector.shape_cast %reduce_min3A_40 : vector<512xi32> to vector<512x1xi32>
    %eq3A_42 = vector.broadcast %broadcast_in_dim3A_41 : vector<512x1xi32> to vector<512x128xi32>
    %eq3A_43 = arith.cmpi eq, %iota3A, %eq3A_42 : vector<512x128xi32>
    %jit3A_44 = arith.constant 0xFF800000 : f32
    %broadcast_in_dim3A_45 = vector.broadcast %jit3A_44 : f32 to vector<512x128xf32>
    %select_n3A_46 = arith.select %eq3A_43, %broadcast_in_dim3A_45, %select_n3A_29 : vector<512x128xi1>, vector<512x128xf32>
    %add3A_47 = arith.addf %add3A_30, %broadcast_in_dim3A_33 : vector<512x1xf32>
    %reduce_max3A_48 = arith.constant dense<0xFF800000> : vector<512xf32>
    %reduce_max3A_49 = vector.multi_reduction <maximumf>, %select_n3A_46, %reduce_max3A_48 [1] : vector<512x128xf32> to vector<512xf32>
    %broadcast_in_dim3A_50 = vector.shape_cast %reduce_max3A_49 : vector<512xf32> to vector<512x1xf32>
    %eq3A_51 = vector.broadcast %broadcast_in_dim3A_50 : vector<512x1xf32> to vector<512x128xf32>
    %eq3A_52 = arith.cmpf oeq, %select_n3A_46, %eq3A_51 : vector<512x128xf32>
    %jit3A_53 = arith.constant 128 : i32
    %broadcast_in_dim3A_54 = vector.broadcast %jit3A_53 : i32 to vector<512x128xi32>
    %select_n3A_55 = arith.select %eq3A_52, %iota3A, %broadcast_in_dim3A_54 : vector<512x128xi1>, vector<512x128xi32>
    %reduce_min3A_56 = arith.constant dense<2147483647> : vector<512xi32>
    %reduce_min3A_57 = vector.multi_reduction <minsi>, %select_n3A_55, %reduce_min3A_56 [1] : vector<512x128xi32> to vector<512xi32>
    %broadcast_in_dim3A_58 = vector.shape_cast %reduce_min3A_57 : vector<512xi32> to vector<512x1xi32>
    %eq3A_59 = vector.broadcast %broadcast_in_dim3A_58 : vector<512x1xi32> to vector<512x128xi32>
    %eq3A_60 = arith.cmpi eq, %iota3A, %eq3A_59 : vector<512x128xi32>
    %jit3A_61 = arith.constant 0xFF800000 : f32
    %broadcast_in_dim3A_62 = vector.broadcast %jit3A_61 : f32 to vector<512x128xf32>
    %select_n3A_63 = arith.select %eq3A_60, %broadcast_in_dim3A_62, %select_n3A_46 : vector<512x128xi1>, vector<512x128xf32>
    %add3A_64 = arith.addf %add3A_47, %broadcast_in_dim3A_50 : vector<512x1xf32>
    %reduce_max3A_65 = arith.constant dense<0xFF800000> : vector<512xf32>
    %reduce_max3A_66 = vector.multi_reduction <maximumf>, %select_n3A_63, %reduce_max3A_65 [1] : vector<512x128xf32> to vector<512xf32>
    %broadcast_in_dim3A_67 = vector.shape_cast %reduce_max3A_66 : vector<512xf32> to vector<512x1xf32>
    %add3A_68 = arith.addf %add3A_64, %broadcast_in_dim3A_67 : vector<512x1xf32>
    %mul3A = arith.constant 2.000000e-01 : f32
    %mul3A_69 = vector.broadcast %mul3A : f32 to vector<512x1xf32>
    %mul3A_70 = arith.mulf %add3A_68, %mul3A_69 : vector<512x1xf32>
    %sub3A = arith.constant 5.000000e-01 : f32
    %sub3A_71 = vector.broadcast %sub3A : f32 to vector<512x1xf32>
    %sub3A_72 = arith.subf %sub3A_71, %mul3A_70 : vector<512x1xf32>
    %max3A = arith.constant 0.000000e+00 : f32
    %max3A_73 = vector.broadcast %max3A : f32 to vector<512x1xf32>
    %max3A_74 = arith.maximumf %sub3A_72, %max3A_73 : vector<512x1xf32>
    %reduce_sum3A = vector.shape_cast %max3A_74 : vector<512x1xf32> to vector<1x512x1xf32>
    %reduce_sum3A_75 = arith.constant dense<0.000000e+00> : vector<1xf32>
    %reduce_sum3A_76 = vector.multi_reduction <add>, %reduce_sum3A, %reduce_sum3A_75 [1, 2] : vector<1x512x1xf32> to vector<1xf32>
    %reduce_sum3A_77 = vector.shape_cast %reduce_sum3A_76 : vector<1xf32> to vector<1x1x1xf32>
    %reduce_sum3A_78 = vector.extract %reduce_sum3A_77[0, 0, 0] : f32 from vector<1x1x1xf32>
    %reshape3A = vector.broadcast %reduce_sum3A_78 : f32 to vector<1x1xf32>
    %swap3A = arith.constant 0 : index
    %swap3A_79 = arith.constant 0 : index
    %swap3A_80 = vector.load %arg1[%swap3A, %swap3A_79] : memref<1x1xf32, #tpu.memory_space<vmem>>, vector<1x1xf32>
    tpu.vector_store %arg1[%swap3A, %swap3A_79], %reshape3A {strides = array<i32>} : memref<1x1xf32, #tpu.memory_space<vmem>>, vector<1x1xf32>,
    return
  }
}

module attributes {stable_mosaic.version = 14 : i64} {
  func.func @_tc_stream_body(%arg0: i32, %arg1: memref<32x100000xf32, #tpu.memory_space<vmem>>, %arg2: memref<1x1x1xf32, #tpu.memory_space<vmem>>) attributes {dimension_semantics = [#tpu.dimension_semantics<arbitrary>], iteration_bounds = array<i64: 16>, scalar_prefetch = 0 : i64, scratch_operands = 0 : i64, tpu.core_type = #tpu.core_type<tc>, window_params = [{transform_indices = @transform_0, window_bounds = array<i64: 32, 100000>}, {transform_indices = @transform_1, window_bounds = array<i64: 1, 1, 1>}]} {
    %broadcast_in_dim3A = arith.constant 0xFF800000 : f32
    %broadcast_in_dim3A_0 = vector.broadcast %broadcast_in_dim3A : f32 to vector<32x512xf32>
    %scan3A = arith.constant 0 : i32
    %scan3A_1 = arith.constant 195 : i32
    %scan3A_2 = arith.addi %scan3A, %scan3A_1 : i32
    %scan3A_3 = arith.constant 1 : i32
    %scan3A_4:5 = scf.for %scan3A_100 = %scan3A to %scan3A_2 step %scan3A_3 iter_args(%scan3A_101 = %broadcast_in_dim3A_0, %scan3A_102 = %broadcast_in_dim3A_0, %scan3A_103 = %broadcast_in_dim3A_0, %scan3A_104 = %broadcast_in_dim3A_0, %scan3A_105 = %broadcast_in_dim3A_0) -> (vector<32x512xf32>, vector<32x512xf32>, vector<32x512xf32>, vector<32x512xf32>, vector<32x512xf32>)  : i32 {
      %mul3A_106 = arith.constant 512 : i32
      %mul3A_107 = arith.muli %scan3A_100, %mul3A_106 : i32
      %get3A_108 = arith.constant 0 : index
      %get3A_109 = arith.index_cast %mul3A_107 : i32 to index
      %get3A_110 = vector.load %arg1[%get3A_108, %get3A_109] : memref<32x100000xf32, #tpu.memory_space<vmem>>, vector<32x512xf32>
      %max3A_111 = arith.maximumf %scan3A_101, %get3A_110 : vector<32x512xf32>
      %min3A_112 = arith.minimumf %scan3A_101, %get3A_110 : vector<32x512xf32>
      %max3A_113 = arith.maximumf %scan3A_102, %min3A_112 : vector<32x512xf32>
      %min3A_114 = arith.minimumf %scan3A_102, %min3A_112 : vector<32x512xf32>
      %max3A_115 = arith.maximumf %scan3A_103, %min3A_114 : vector<32x512xf32>
      %min3A_116 = arith.minimumf %scan3A_103, %min3A_114 : vector<32x512xf32>
      %max3A_117 = arith.maximumf %scan3A_104, %min3A_116 : vector<32x512xf32>
      %min3A_118 = arith.minimumf %scan3A_104, %min3A_116 : vector<32x512xf32>
      %max3A_119 = arith.maximumf %scan3A_105, %min3A_118 : vector<32x512xf32>
      scf.yield %max3A_111, %max3A_113, %max3A_115, %max3A_117, %max3A_119 : vector<32x512xf32>, vector<32x512xf32>, vector<32x512xf32>, vector<32x512xf32>, vector<32x512xf32>
    }
    %scan3A_5 = arith.constant 195 : i32
    %get3A = arith.constant 0 : index
    %get3A_6 = arith.constant 99840 : index
    %get3A_7 = vector.load %arg1[%get3A, %get3A_6] : memref<32x100000xf32, #tpu.memory_space<vmem>>, vector<32x160xf32>
    %broadcast_in_dim3A_8 = arith.constant 0xFF800000 : f32
    %broadcast_in_dim3A_9 = vector.broadcast %broadcast_in_dim3A_8 : f32 to vector<32x352xf32>
    %concatenate3A = tpu.concatenate %get3A_7, %broadcast_in_dim3A_9 in 1 : vector<32x160xf32>, vector<32x352xf32> -> vector<32x512xf32>
    %max3A = arith.maximumf %scan3A_4#0, %concatenate3A : vector<32x512xf32>
    %min3A = arith.minimumf %scan3A_4#0, %concatenate3A : vector<32x512xf32>
    %max3A_10 = arith.maximumf %scan3A_4#1, %min3A : vector<32x512xf32>
    %min3A_11 = arith.minimumf %scan3A_4#1, %min3A : vector<32x512xf32>
    %max3A_12 = arith.maximumf %scan3A_4#2, %min3A_11 : vector<32x512xf32>
    %min3A_13 = arith.minimumf %scan3A_4#2, %min3A_11 : vector<32x512xf32>
    %max3A_14 = arith.maximumf %scan3A_4#3, %min3A_13 : vector<32x512xf32>
    %min3A_15 = arith.minimumf %scan3A_4#3, %min3A_13 : vector<32x512xf32>
    %max3A_16 = arith.maximumf %scan3A_4#4, %min3A_15 : vector<32x512xf32>
    %concatenate3A_17 = tpu.concatenate %max3A, %max3A_10, %max3A_12, %max3A_14, %max3A_16 in 1 : vector<32x512xf32>, vector<32x512xf32>, vector<32x512xf32>, vector<32x512xf32>, vector<32x512xf32> -> vector<32x2560xf32>
    %iota3A = tpu.iota {dimensions = array<i32: 1>} : vector<32x2560xi32>
    %broadcast_in_dim3A_18 = arith.constant 0.000000e+00 : f32
    %broadcast_in_dim3A_19 = vector.broadcast %broadcast_in_dim3A_18 : f32 to vector<32x1xf32>
    %reduce_max3A = arith.constant dense<0xFF800000> : vector<32xf32>
    %reduce_max3A_20 = vector.multi_reduction <maximumf>, %concatenate3A_17, %reduce_max3A [1] : vector<32x2560xf32> to vector<32xf32>
    %broadcast_in_dim3A_21 = vector.shape_cast %reduce_max3A_20 : vector<32xf32> to vector<32x1xf32>
    %eq3A = vector.broadcast %broadcast_in_dim3A_21 : vector<32x1xf32> to vector<32x2560xf32>
    %eq3A_22 = arith.cmpf oeq, %concatenate3A_17, %eq3A : vector<32x2560xf32>
    %jit3A = arith.constant 2560 : i32
    %broadcast_in_dim3A_23 = vector.broadcast %jit3A : i32 to vector<32x2560xi32>
    %select_n3A = arith.select %eq3A_22, %iota3A, %broadcast_in_dim3A_23 : vector<32x2560xi1>, vector<32x2560xi32>
    %reduce_min3A = arith.constant dense<2147483647> : vector<32xi32>
    %reduce_min3A_24 = vector.multi_reduction <minsi>, %select_n3A, %reduce_min3A [1] : vector<32x2560xi32> to vector<32xi32>
    %broadcast_in_dim3A_25 = vector.shape_cast %reduce_min3A_24 : vector<32xi32> to vector<32x1xi32>
    %eq3A_26 = vector.broadcast %broadcast_in_dim3A_25 : vector<32x1xi32> to vector<32x2560xi32>
    %eq3A_27 = arith.cmpi eq, %iota3A, %eq3A_26 : vector<32x2560xi32>
    %jit3A_28 = arith.constant 0xFF800000 : f32
    %broadcast_in_dim3A_29 = vector.broadcast %jit3A_28 : f32 to vector<32x2560xf32>
    %select_n3A_30 = arith.select %eq3A_27, %broadcast_in_dim3A_29, %concatenate3A_17 : vector<32x2560xi1>, vector<32x2560xf32>
    %add3A = arith.addf %broadcast_in_dim3A_19, %broadcast_in_dim3A_21 : vector<32x1xf32>
    %reduce_max3A_31 = arith.constant dense<0xFF800000> : vector<32xf32>
    %reduce_max3A_32 = vector.multi_reduction <maximumf>, %select_n3A_30, %reduce_max3A_31 [1] : vector<32x2560xf32> to vector<32xf32>
    %broadcast_in_dim3A_33 = vector.shape_cast %reduce_max3A_32 : vector<32xf32> to vector<32x1xf32>
    %eq3A_34 = vector.broadcast %broadcast_in_dim3A_33 : vector<32x1xf32> to vector<32x2560xf32>
    %eq3A_35 = arith.cmpf oeq, %select_n3A_30, %eq3A_34 : vector<32x2560xf32>
    %jit3A_36 = arith.constant 2560 : i32
    %broadcast_in_dim3A_37 = vector.broadcast %jit3A_36 : i32 to vector<32x2560xi32>
    %select_n3A_38 = arith.select %eq3A_35, %iota3A, %broadcast_in_dim3A_37 : vector<32x2560xi1>, vector<32x2560xi32>
    %reduce_min3A_39 = arith.constant dense<2147483647> : vector<32xi32>
    %reduce_min3A_40 = vector.multi_reduction <minsi>, %select_n3A_38, %reduce_min3A_39 [1] : vector<32x2560xi32> to vector<32xi32>
    %broadcast_in_dim3A_41 = vector.shape_cast %reduce_min3A_40 : vector<32xi32> to vector<32x1xi32>
    %eq3A_42 = vector.broadcast %broadcast_in_dim3A_41 : vector<32x1xi32> to vector<32x2560xi32>
    %eq3A_43 = arith.cmpi eq, %iota3A, %eq3A_42 : vector<32x2560xi32>
    %jit3A_44 = arith.constant 0xFF800000 : f32
    %broadcast_in_dim3A_45 = vector.broadcast %jit3A_44 : f32 to vector<32x2560xf32>
    %select_n3A_46 = arith.select %eq3A_43, %broadcast_in_dim3A_45, %select_n3A_30 : vector<32x2560xi1>, vector<32x2560xf32>
    %add3A_47 = arith.addf %add3A, %broadcast_in_dim3A_33 : vector<32x1xf32>
    %reduce_max3A_48 = arith.constant dense<0xFF800000> : vector<32xf32>
    %reduce_max3A_49 = vector.multi_reduction <maximumf>, %select_n3A_46, %reduce_max3A_48 [1] : vector<32x2560xf32> to vector<32xf32>
    %broadcast_in_dim3A_50 = vector.shape_cast %reduce_max3A_49 : vector<32xf32> to vector<32x1xf32>
    %eq3A_51 = vector.broadcast %broadcast_in_dim3A_50 : vector<32x1xf32> to vector<32x2560xf32>
    %eq3A_52 = arith.cmpf oeq, %select_n3A_46, %eq3A_51 : vector<32x2560xf32>
    %jit3A_53 = arith.constant 2560 : i32
    %broadcast_in_dim3A_54 = vector.broadcast %jit3A_53 : i32 to vector<32x2560xi32>
    %select_n3A_55 = arith.select %eq3A_52, %iota3A, %broadcast_in_dim3A_54 : vector<32x2560xi1>, vector<32x2560xi32>
    %reduce_min3A_56 = arith.constant dense<2147483647> : vector<32xi32>
    %reduce_min3A_57 = vector.multi_reduction <minsi>, %select_n3A_55, %reduce_min3A_56 [1] : vector<32x2560xi32> to vector<32xi32>
    %broadcast_in_dim3A_58 = vector.shape_cast %reduce_min3A_57 : vector<32xi32> to vector<32x1xi32>
    %eq3A_59 = vector.broadcast %broadcast_in_dim3A_58 : vector<32x1xi32> to vector<32x2560xi32>
    %eq3A_60 = arith.cmpi eq, %iota3A, %eq3A_59 : vector<32x2560xi32>
    %jit3A_61 = arith.constant 0xFF800000 : f32
    %broadcast_in_dim3A_62 = vector.broadcast %jit3A_61 : f32 to vector<32x2560xf32>
    %select_n3A_63 = arith.select %eq3A_60, %broadcast_in_dim3A_62, %select_n3A_46 : vector<32x2560xi1>, vector<32x2560xf32>
    %add3A_64 = arith.addf %add3A_47, %broadcast_in_dim3A_50 : vector<32x1xf32>
    %reduce_max3A_65 = arith.constant dense<0xFF800000> : vector<32xf32>
    %reduce_max3A_66 = vector.multi_reduction <maximumf>, %select_n3A_63, %reduce_max3A_65 [1] : vector<32x2560xf32> to vector<32xf32>
    %broadcast_in_dim3A_67 = vector.shape_cast %reduce_max3A_66 : vector<32xf32> to vector<32x1xf32>
    %eq3A_68 = vector.broadcast %broadcast_in_dim3A_67 : vector<32x1xf32> to vector<32x2560xf32>
    %eq3A_69 = arith.cmpf oeq, %select_n3A_63, %eq3A_68 : vector<32x2560xf32>
    %jit3A_70 = arith.constant 2560 : i32
    %broadcast_in_dim3A_71 = vector.broadcast %jit3A_70 : i32 to vector<32x2560xi32>
    %select_n3A_72 = arith.select %eq3A_69, %iota3A, %broadcast_in_dim3A_71 : vector<32x2560xi1>, vector<32x2560xi32>
    %reduce_min3A_73 = arith.constant dense<2147483647> : vector<32xi32>
    %reduce_min3A_74 = vector.multi_reduction <minsi>, %select_n3A_72, %reduce_min3A_73 [1] : vector<32x2560xi32> to vector<32xi32>
    %broadcast_in_dim3A_75 = vector.shape_cast %reduce_min3A_74 : vector<32xi32> to vector<32x1xi32>
    %eq3A_76 = vector.broadcast %broadcast_in_dim3A_75 : vector<32x1xi32> to vector<32x2560xi32>
    %eq3A_77 = arith.cmpi eq, %iota3A, %eq3A_76 : vector<32x2560xi32>
    %jit3A_78 = arith.constant 0xFF800000 : f32
    %broadcast_in_dim3A_79 = vector.broadcast %jit3A_78 : f32 to vector<32x2560xf32>
    %select_n3A_80 = arith.select %eq3A_77, %broadcast_in_dim3A_79, %select_n3A_63 : vector<32x2560xi1>, vector<32x2560xf32>
    %add3A_81 = arith.addf %add3A_64, %broadcast_in_dim3A_67 : vector<32x1xf32>
    %reduce_max3A_82 = arith.constant dense<0xFF800000> : vector<32xf32>
    %reduce_max3A_83 = vector.multi_reduction <maximumf>, %select_n3A_80, %reduce_max3A_82 [1] : vector<32x2560xf32> to vector<32xf32>
    %broadcast_in_dim3A_84 = vector.shape_cast %reduce_max3A_83 : vector<32xf32> to vector<32x1xf32>
    %add3A_85 = arith.addf %add3A_81, %broadcast_in_dim3A_84 : vector<32x1xf32>
    %mul3A = arith.constant 2.000000e-01 : f32
    %mul3A_86 = vector.broadcast %mul3A : f32 to vector<32x1xf32>
    %mul3A_87 = arith.mulf %add3A_85, %mul3A_86 : vector<32x1xf32>
    %sub3A = arith.constant 5.000000e-01 : f32
    %sub3A_88 = vector.broadcast %sub3A : f32 to vector<32x1xf32>
    %sub3A_89 = arith.subf %sub3A_88, %mul3A_87 : vector<32x1xf32>
    %max3A_90 = arith.constant 0.000000e+00 : f32
    %max3A_91 = vector.broadcast %max3A_90 : f32 to vector<32x1xf32>
    %max3A_92 = arith.maximumf %sub3A_89, %max3A_91 : vector<32x1xf32>
    %reduce_sum3A = vector.shape_cast %max3A_92 : vector<32x1xf32> to vector<1x32x1xf32>
    %reduce_sum3A_93 = arith.constant dense<0.000000e+00> : vector<1xf32>
    %reduce_sum3A_94 = vector.multi_reduction <add>, %reduce_sum3A, %reduce_sum3A_93 [1, 2] : vector<1x32x1xf32> to vector<1xf32>
    %reduce_sum3A_95 = vector.shape_cast %reduce_sum3A_94 : vector<1xf32> to vector<1x1x1xf32>
    %reduce_sum3A_96 = vector.extract %reduce_sum3A_95[0, 0, 0] : f32 from vector<1x1x1xf32>
    %reshape3A = vector.broadcast %reduce_sum3A_96 : f32 to vector<1x1x1xf32>
    %swap3A = arith.constant 0 : index
    %swap3A_97 = arith.constant 0 : index
    %swap3A_98 = arith.constant 0 : index
    %swap3A_99 = vector.load %arg2[%swap3A, %swap3A_97, %swap3A_98] : memref<1x1x1xf32, #tpu.memory_space<vmem>>, vector<1x1x1xf32>
    tpu.vector_store %arg2[%swap3A, %swap3A_97, %swap3A_98], %reshape3A {strides = array<i32>} : memref<1x1x1xf32, #tpu.memory_space<vmem>>, vector<1x1x1xf32>,
    return
  }
  func.func @transform_0(%arg0: i32) -> (i32, i32) {
    %add3A = arith.constant 16 : i32
    %add3A_0 = arith.addi %arg0, %add3A : i32
    %c0_i32 = arith.constant 0 : i32
    %c0_i32_1 = arith.constant 0 : i32
    return %add3A_0, %c0_i32 : i32, i32
  }
  func.func @transform_1(%arg0: i32) -> (i32, i32, i32) {
    %c0_i32 = arith.constant 0 : i32
    %c0_i32_0 = arith.constant 0 : i32
    %c0_i32_1 = arith.constant 0 : i32
    return %arg0, %c0_i32, %c0_i32_0 : i32, i32, i32
  }
}

</mosaic_0001>

<sc_bundles>
// kernel: kernel.5.cloned.1.call-start
scs
__scs_entry_jumppad:
0x0: {  	(pc) =	sbr.rel $0x88, $3  }
0x1: {  	(tag) =	ssettag $0x0;
	lr =	simm.s32 $0x1  }
0x2: {  	[smem:$0x3FA0] =	sst lr;
	_ =	strace $0xD0000000  }
0x3: {  	_ = 	snop  }
0x4: {  	_ = 	snop  }
0x5: {  	_ = 	snop  }
0x6: {  	_ = 	snop  }
0x7: {  	_ = 	snop  }
__scs_overlays_trampoline_lowered:
0x8: {  	[smem:$0x3FAF] =	sst s0  }
0x9: {  	[smem:$0x3FB0] =	sst s1  }
0xa: {  	[smem:$0x3FB1] =	sst s2  }
0xb: {  	[smem:$0x3FB2] =	sst s3  }
0xc: {  	[smem:$0x3FB3] =	sst s4  }
0xd: {  	[smem:$0x3FB4] =	sst s5  }
0xe: {  	[smem:$0x3FB5] =	sst s6  }
0xf: {  	[smem:$0x3FB6] =	sst s7  }
0x10: {  	[smem:$0x3FB7] =	sst s8  }
0x11: {  	[smem:$0x3FB8] =	sst s9;
	s0 =	simm.s32 @!p0 $0x0  }
0x12: {  	s1 =	sld [smem:$0x3F9E];
	s0 =	simm.s32 @p0 $0x1  }
0x13: {  	[smem:$0x3FB9] =	sst s0;
	s0 =	simm.s32 @!p1 $0x0  }
0x14: {  	s2 =	sld [smem:$0x3F9D];
	s0 =	simm.s32 @p1 $0x1  }
0x15: {  	[smem:$0x3FBA] =	sst s0;
	s0 =	simm.s32 @!p2 $0x0  }
0x16: {  	s3 =	sld [smem:$0x3FDB];
	s0 =	simm.s32 @p2 $0x1  }
0x17: {  	s4 =	simm.s32 $0x1BF5;
	[smem:$0x3FBC] =	sst s0  }
0x18: {  	s0 =	sld [smem:$0x3F9F];
	_ =	swait.ge [sflag:s4], $0x0  }
0x19: {  	s7 =	sld [smem:$0x3FA0]  }
0x1a: {  	s8 =	sadd.s32 $0xFFFFE003, lr  }
0x1b: {  	s9 =	sadd.s32 $0xFFFFFEF7, lr;
	s5 =	simm.s32 $0xFFFFFFFF;
	p2 =	slt.u32 s8, $0xFFFFF086  }
0x1c: {  	p1 =	slt.u32 s9, $0xF7A;
	s5 =	simm.s32 @!p2 $0x0  }
0x1d: {  	s5 =	simm.s32 @p1 $0x1;
	p0 =	seq.s32 s7, s2  }
0x1e: {  	s7 =	smul.u32 @!p0 $0xF7A, s2;
	p2 =	seq.s32 @!p0 s5, $0x0  }
0x1f: {  	s9 =	smul.u32 $0xF7A, s1;
	s8 =	simm.s32 @!p0 $0x1BF5;
	p2 =	por !p2, p0  }
0x20: {  	[sflag:s8] =	ssyncset.s32 @!p0 $0xFFFFF086;
	s6 =	sadd.s32 @!p0 s3, s7;
	s7 =	simm.s32 @!p0 $0x108  }
0x21: {  	s3 =	sadd.s32 s3, s9;
	s6 =	sadd.s32 @!p0 $0x88, s6;
	s7 =	simm.s32 @p2 $0x1082  }
0x22: {  	[simem:s7], [sflag:s8] =	dma.local @!p0 [hbm:s6], $0xF7A  }
0x23: {  	s9 =	sor.u32 $0xD0000000, s2;
	s6 =	simm.s32 $0x108;
	_ =	swait.ge @!p0 [sflag:s8], $0x0  }
0x24: {  	s3 =	sadd.s32 $0x88, s3;
	s6 =	simm.s32 @!p1 $0x1082;
	[sflag:s4] =	ssyncset.s32 $0xFFFFF086  }
0x25: {  	[simem:s6], [sflag:s4] =	dma.local [hbm:s3], $0xF7A  }
0x26: {  	[smem:$0x3FA0] =	sst s1;
	(tag) =	ssettag s2;
	_ =	strace s9  }
0x27: {  	s1 =	sld [smem:$0x3FB0]  }
0x28: {  	s2 =	sld [smem:$0x3FB1]  }
0x29: {  	s4 =	sld [smem:$0x3FB3]  }
0x2a: {  	p0 =	seq.s32 s5, $0x0;
	s5 =	sld [smem:$0x3FB4]  }
0x2b: {  	s6 =	sld [smem:$0x3FB5]  }
0x2c: {  	s7 =	sld [smem:$0x3FB6]  }
0x2d: {  	s3 =	simm.s32 $0x108;
	s8 =	sld [smem:$0x3FB7]  }
0x2e: {  	s3 =	simm.s32 @!p0 $0x1082;
	s9 =	sld [smem:$0x3FB8]  }
0x2f: {  	lr =	sadd.s32 s0, s3;
	s0 =	sld [smem:$0x3FAF]  }
0x30: {  	s3 =	sld [smem:$0x3FB2]  }
0x31: {  	[smem:$0x3FBB] =	sst s10  }
0x32: {  	s10 =	sld [smem:$0x3FB9];
	_ =	sdelay $0x3  }
0x33: {  	p0 =	seq.s32 s10, $0x1;
	s10 =	sld [smem:$0x3FBB];
	_ =	sdelay $0x3  }
0x34: {  	[smem:$0x3FBB] =	sst s10  }
0x35: {  	s10 =	sld [smem:$0x3FBA];
	_ =	sdelay $0x3  }
0x36: {  	p1 =	seq.s32 s10, $0x1;
	s10 =	sld [smem:$0x3FBB];
	_ =	sdelay $0x3  }
0x37: {  	[smem:$0x3FBB] =	sst s10  }
0x38: {  	s10 =	sld [smem:$0x3FBC]  }
0x39: {  	_ = 	snop;
	(pc) =	sbr.ind lr, $3  }
0x3a: {  	_ = 	snop  }
0x3b: {  	_ = 	snop  }
0x3c: {  	p2 =	seq.s32 s10, $0x1;
	s10 =	sld [smem:$0x3FBB]  }
0x3d: {  	_ =	shalt  }
0x3e: {  	_ =	shalt  }
0x3f: {  	_ =	shalt  }
0x40: {  	_ =	shalt  }
0x41: {  	_ =	shalt  }
0x42: {  	_ =	shalt  }
0x43: {  	_ =	shalt  }
0x44: {  	_ =	shalt  }
0x45: {  	_ =	shalt  }
0x46: {  	_ =	shalt  }
0x47: {  	_ =	shalt  }
0x48: {  	_ =	shalt  }
0x49: {  	_ =	shalt  }
0x4a: {  	_ =	shalt  }
0x4b: {  	_ =	shalt  }
0x4c: {  	_ =	shalt  }
0x4d: {  	_ =	shalt  }
0x4e: {  	_ =	shalt  }
0x4f: {  	_ =	shalt  }
0x50: {  	_ =	shalt  }
0x51: {  	_ =	shalt  }
0x52: {  	_ =	shalt  }
0x53: {  	_ =	shalt  }
0x54: {  	_ =	shalt  }
0x55: {  	_ =	shalt  }
0x56: {  	_ =	shalt  }
0x57: {  	_ =	shalt  }
0x58: {  	_ =	shalt  }
0x59: {  	_ =	shalt  }
0x5a: {  	_ =	shalt  }
0x5b: {  	_ =	shalt  }
0x5c: {  	_ =	shalt  }
0x5d: {  	_ =	shalt  }
0x5e: {  	_ =	shalt  }
0x5f: {  	_ =	shalt  }
0x60: {  	_ =	shalt  }
0x61: {  	_ =	shalt  }
0x62: {  	_ =	shalt  }
0x63: {  	_ =	shalt  }
0x64: {  	_ =	shalt  }
0x65: {  	_ =	shalt  }
0x66: {  	_ =	shalt  }
0x67: {  	_ =	shalt  }
0x68: {  	_ =	shalt  }
0x69: {  	_ =	shalt  }
0x6a: {  	_ =	shalt  }
0x6b: {  	_ =	shalt  }
0x6c: {  	_ =	shalt  }
0x6d: {  	_ =	shalt  }
0x6e: {  	_ =	shalt  }
0x6f: {  	_ =	shalt  }
0x70: {  	_ =	shalt  }
0x71: {  	_ =	shalt  }
0x72: {  	_ =	shalt  }
0x73: {  	_ =	shalt  }
0x74: {  	_ =	shalt  }
0x75: {  	_ =	shalt  }
0x76: {  	_ =	shalt  }
0x77: {  	_ =	shalt  }
0x78: {  	_ =	shalt  }
0x79: {  	_ =	shalt  }
0x7a: {  	_ =	shalt  }
0x7b: {  	_ =	shalt  }
0x7c: {  	_ =	shalt  }
0x7d: {  	_ =	shalt  }
0x7e: {  	_ =	shalt  }
0x7f: {  	_ =	shalt  }
0x80: {  	_ =	shalt  }
0x81: {  	_ =	shalt  }
0x82: {  	_ =	shalt  }
0x83: {  	_ =	shalt  }
0x84: {  	_ =	shalt  }
0x85: {  	_ =	shalt  }
0x86: {  	_ =	shalt  }
0x87: {  	_ =	shalt  }
.Lfunc_end0:
.L_simem_size_0:
called_computation_lowered:
.L_overlay_start_0:
0x88: {  	s2 =	sld [smem:$0x3FD9]  }
0x89: {  	s3 =	sld [smem:$0x3FFE];
	_ =	sdelay $0x1  }
0x8a: {  	s1 =	srdreg.scid  }
0x8b: {  	s0 =	sand.u32 $0x1, s1  }
0x8c: {  	s16 =	sshll.u32 s0, $0xA;
	s2 =	sadd.s32 s3, s2  }
0x8d: {  	s2 =	sadd.s32 s2, s16  }
0x8e: {  	[smem:$0x3FC7] =	sst s2  }
0x8f: {  	_ = 	snop  }
0x90: {  	(tm) =	ssettm $0x1  }
0x91: {  	s17 =	sld [smem:$0x3FFB];
	_ =	sdelay $0x3  }
0x92: {  	_ =	strace s17  }
0x93: {  	s2 =	sld [smem:$0x3FFC];
	_ =	sdelay $0x3  }
0x94: {  	_ =	strace s2  }
0x95: {  	s2 =	sld [smem:$0x3FFD];
	_ =	sdelay $0x3  }
0x96: {  	_ =	strace s2  }
0x97: {  	_ =	strace $0x8FFFFFFF  }
0x98: {  	s18 =	sld [smem:$0x3FDB];
	_ =	sdelay $0x1  }
0x99: {  	s19 =	simm.s32 $_scs_section_size  }
0x9a: {  	s4 =	simm.s32 $_size__tile_overlayer_lowered;
	s5 =	simm.s32 $_tile_overlayer_lowered  }
0x9b: {  	s22 =	simm.s32 $0x1BFF;
	s21 =	sshll.u32 s5, $0x1;
	s2 =	sadd.s32 s19, s18  }
0x9c: {  	s6 =	simm.s32 $0x0;
	s20 =	sshll.u32 s4, $0x1;
	s4 =	sadd.s32 s21, s2  }
0x9d: {  	[timem:s6], [sflag:s22] =	dma.local [hbm:s4], s20  }
0x9e: {  	_ =	swait.ge [sflag:s22], s20  }
0x9f: {  	s3 =	ssub.s32 $0x0, s20;
	[sflag:s22] =	ssyncset.done $0x0  }
0xa0: {  	[sflag:s22] =	ssyncadd.s32 s3;
	_ =	sdelay $0x1  }
0xa1: {  	s23 =	simm.s32 $0x1B8B  }
0xa2: {  	_ =	swait.ge [sflag:s23], $0x1  }
0xa3: {  	[sflag:s23] =	ssyncset.done $0x0  }
0xa4: {  	s25 =	simm.s32 $0x1B8E;
	s24 =	sld [smem:$0x3FFE];
	[sflag:s23] =	ssyncadd.s32 $0xFFFFFFFF  }
0xa5: {  	s26 =	simm.s32 $execute0_lowered;
	[smem:$0x3FD2] =	sst s25  }
0xa6: {  	s4 =	sshll.u32 s26, $0x1;
	_ =	strace $0x80000046;
	[dreg:$0x1] =	wrdreg $0xFFFFFFFF  }
0xa7: {  	s28 =	simm.s32 $_size_execute0_lowered;
	s2 =	sadd.s32 s2, s4;
	[dreg:$0x0] =	wrdreg $0x0  }
0xa8: {  	s4 =	sshll.u32 s28, $0x1;
	[dreg:$0x2] =	wrdreg s2  }
0xa9: {  	[dreg:$0x3] =	wrdreg s4  }
0xaa: {  	[dreg:$0x4] =	wrdreg $0xC0  }
0xab: {  	_ =	task [dreg:s6], $0x5FFFF  }
0xac: {  	[dreg:$0x1] =	wrdreg $0xFFFFFFFF  }
0xad: {  	[dreg:$0x0] =	wrdreg $0x60  }
0xae: {  	[dreg:$0x2] =	wrdreg s24  }
0xaf: {  	[dreg:$0x3] =	wrdreg $0x9  }
0xb0: {  	_ =	task.clear_ibuf [dreg:s6], $0x4FFFF;
	_ =	strace $0x90000046  }
0xb1: {  	s29 =	simm.s32 $0x9;
	_ =	strace $0x80000048  }
0xb2: {  	_ =	swait.ge [sflag:s29], $0x1  }
0xb3: {  	[sflag:s29] =	ssyncadd.s32 $0xFFFFFFFF  }
0xb4: {  	_ =	strace $0x90000048  }
0xb5: {  	_ =	sfence  }
0xb6: {  	s30 =	sld [smem:$0x0];
	_ =	sdelay $0x2  }
0xb7: {  	s31 =	sshll.u32 s1, $0xD;
	s1 =	sshrl.u32 s1, $0x2  }
0xb8: {  	s3 =	sand.u32 $0x4000, s31;
	s1 =	sadd.s32 s1, s30  }
0xb9: {  	s0 =	sor.u32 s3, s0;
	s1 =	sshll.u32 s1, $0x11  }
0xba: {  	s0 =	sor.u32 s1, s0  }
0xbb: {  	s0 =	sadd.s32 $0x8F2B, s0  }
0xbc: {  	[sflag:s0] =	ssyncadd.remote.s32 $0x1  }
0xbd: {  	_ =	sfence.sel $0xFFFF  }
0xbe: {  	[dreg:$0x0] =	wrdreg $0xFFFFFFFF;
	(pc) =	sbr.abs _section_cstart, $3  }
0xbf: {  	[dreg:$0x1] =	wrdreg $0xFFFFFFFF  }
0xc0: {  	_ =	task.clear_ibuf [dreg:s6], $0x2FFFF;
	_ =	strace $0x9FFFFFFF  }
0xc1: {  	(tm) =	ssettm $0x7FFFFFFF  }
tec
execute0_lowered:
.L_overlay_start_1:
0x0: {  	(tag) =	ssettag $0x1  }
0x1: {  	s5 =	rddreg [dreg:$0x0]  }
0x2: {  	s0 =	rddreg [dreg:$0x1]  }
0x3: {  	s1 =	simm.s32 $0x0;
	s2 =	srdreg.scid;
	s10 =	simm.s32 $0x10800  }
0x4: {  	s11 =	simm.s32 $0x4;
	s12 =	simm.s32 $0x0;
	[smem:$0x7FF] =	sst s1  }
0x5: {  	s3 =	sadd.s32 $0x200, s5;
	s6 =	sand.u32 $0x1, s2;
	s4 =	sadd.s32 $0xC38200, s5  }
0x6: {  	s2 =	stileid.u32;
	s5 =	sadd.s32 $0xC48200, s5;
	s7 =	ssub.s32 $0x2, s6  }
0x7: {  	s6 =	sshll.u32 s6, $0x5;
	s9 =	sshll.u32 s2, $0x1;
	s8 =	sshrl.u32 s7, $0x1  }
0x8: {  	_ =	strace $0x80000047;
	s6 =	sor.u32 s9, s6;
	s7 =	ssub.s32 s7, s8  }
0x9: {  	v0 =	vimm.f32 $-Inf;
	s9 =	simm.s32 $0x3;
	s8 =	simm.s32 $0xC800;
	s7 =	smax.u32 s7, $0x1  }
.LBB2_1:
0xa: {  	p1 =	por $0x1, $0x1;
	s13 =	simm.s32 $0x0  }
.LBB2_2:
0xb: {  	[tilespmem:$0xE800] =	vst v0  }
0xc: {  	[tilespmem:$0xE880] =	vst v0  }
0xd: {  	[tilespmem:$0xE900] =	vst v0  }
0xe: {  	[tilespmem:$0xE980] =	vst v0  }
0xf: {  	[tilespmem:$0xEA00] =	vst v0  }
0x10: {  	[tilespmem:$0xEC00] =	vst v0  }
0x11: {  	[tilespmem:$0xEC80] =	vst v0  }
0x12: {  	[tilespmem:$0xED00] =	vst v0  }
0x13: {  	[tilespmem:$0xED80] =	vst v0  }
0x14: {  	[tilespmem:$0xEE00] =	vst v0  }
0x15: {  	[tilespmem:$0xF000] =	vst v0  }
0x16: {  	[tilespmem:$0xF080] =	vst v0  }
0x17: {  	[tilespmem:$0xF100] =	vst v0  }
0x18: {  	[tilespmem:$0xF180] =	vst v0  }
0x19: {  	[tilespmem:$0xF200] =	vst v0  }
0x1a: {  	[tilespmem:$0xF400] =	vst v0  }
0x1b: {  	[tilespmem:$0xF480] =	vst v0  }
0x1c: {  	[tilespmem:$0xF500] =	vst v0  }
0x1d: {  	[tilespmem:$0xF580] =	vst v0  }
0x1e: {  	[tilespmem:$0xF600] =	vst v0  }
0x1f: {  	[tilespmem:$0xF800] =	vst v0  }
0x20: {  	[tilespmem:$0xF880] =	vst v0  }
0x21: {  	[tilespmem:$0xF900] =	vst v0  }
0x22: {  	[tilespmem:$0xF980] =	vst v0  }
0x23: {  	[tilespmem:$0xFA00] =	vst v0  }
0x24: {  	[tilespmem:$0xFC00] =	vst v0  }
0x25: {  	[tilespmem:$0xFC80] =	vst v0  }
0x26: {  	[tilespmem:$0xFD00] =	vst v0  }
0x27: {  	[tilespmem:$0xFD80] =	vst v0  }
0x28: {  	[tilespmem:$0xFE00] =	vst v0  }
0x29: {  	[tilespmem:$0x10000] =	vst v0  }
0x2a: {  	[tilespmem:$0x10080] =	vst v0  }
0x2b: {  	[tilespmem:$0x10100] =	vst v0  }
0x2c: {  	[tilespmem:$0x10180] =	vst v0  }
0x2d: {  	[tilespmem:$0x10200] =	vst v0  }
0x2e: {  	s13 =	sor.u32 s6, s13;
	[tilespmem:$0x10400] =	vst v0  }
0x2f: {  	[tilespmem:$0x10480] =	vst v0;
	s14 =	smul.u32 $0xC3800, s13  }
0x30: {  	[tilespmem:$0x10500] =	vst v0  }
0x31: {  	[tilespmem:$0x10580] =	vst v0;
	s15 =	sshrl.u32 s14, $0x3  }
0x32: {  	[tilespmem:$0x10600] =	vst v0;
	s31 =	sshll.u32 s13, $0xA;
	s16 =	sadd.s32 s3, s15;
	s15 =	simm.s32 $0x0  }
0x33: {  	[tilespmem:s15], [sflag:$0x1] =	stream.linear.gather [hbm4b:s16+s15], $0x6400, $0x38;
	[tilespmem:$0x10C00] =	vst v63  }
0x34: {  	s16 =	sadd.s32 s4, s31  }
0x35: {  	[tilespmem:s8], [sflag:$0x3] =	stream.linear.gather [hbm4b:s16+s15], $0x2000, $0x38;
	[tilespmem:$0x10C00] =	vst v63  }
0x36: {  	p0 =	por p1, p1;
	s16 =	simm.s32 $0x0  }
.LBB2_3:
0x37: {  	s18 =	sand.u32 $0x1, s16  }
0x38: {  	s17 =	smov.u32 s16;
	s19 =	simm.s32 $0x2;
	p1 =	seq.s32 s18, $0x1  }
0x39: {  	s16 =	sadd.s32 $0x1, s16;
	s19 =	simm.s32 @!p1 $0x1;
	p1 =	seq.s32 s18, $0x0  }
0x3a: {  	s20 =	smul.u32 @!p1 $0x6400, s16  }
0x3b: {  	s21 =	sand.u32 $0x1, s16;
	p2 =	seq.s32 s17, $0x1E;
	_ =	swait.ge [sflag:s19], $0x6400  }
0x3c: {  	p3 =	seq.s32 s21, $0x1;
	[sflag:s19] =	ssyncset.done $0x0;
	s20 =	sadd.s32 @!p1 s14, s20  }
0x3d: {  	p2 =	por !p3, p2;
	[sflag:s19] =	ssyncadd.s32 $0xFFFF9C00;
	s17 =	sshrl.u32 @!p1 s20, $0x3  }
0x3e: {  	s19 =	simm.s32 @!p1 $0x0;
	s20 =	smul.u32 @!p2 $0x6400, s16;
	s17 =	sadd.s32 @!p1 s3, s17  }
0x3f: {  	[tilespmem:s19], [sflag:$0x1] =	stream.linear.gather @!p1 [hbm4b:s17+s19], $0x6400, $0x38;
	[tilespmem:$0x10C00] =	vst v63  }
0x40: {  	s17 =	sadd.s32 @!p2 s14, s20  }
0x41: {  	s17 =	sshrl.u32 @!p2 s17, $0x3  }
0x42: {  	s19 =	simm.s32 @!p2 $0x0;
	s20 =	simm.s32 @!p2 $0x6400;
	s17 =	sadd.s32 @!p2 s3, s17  }
0x43: {  	[tilespmem:s20], [sflag:$0x2] =	stream.linear.gather @!p2 [hbm4b:s17+s19], $0x6400, $0x38;
	[tilespmem:$0x10C00] =	vst v63  }
0x44: {  	v6 =	vld [tilespmem:$0xE800]  }
0x45: {  	v20 =	vld [tilespmem:$0xEC00]  }
0x46: {  	v23 =	vld [tilespmem:$0xF000]  }
0x47: {  	v1 =	vld [tilespmem:$0xF400]  }
0x48: {  	v19 =	vld [tilespmem:$0xE880]  }
0x49: {  	v17 =	vld [tilespmem:$0xEC80]  }
0x4a: {  	v18 =	vld [tilespmem:$0xF080]  }
0x4b: {  	v2 =	vld [tilespmem:$0xF480]  }
0x4c: {  	v9 =	vld [tilespmem:$0xE900]  }
0x4d: {  	s29 =	smul.u32 $0x19000, s18;
	v15 =	vld [tilespmem:$0xED00]  }
0x4e: {  	v8 =	vld [tilespmem:$0xF100]  }
0x4f: {  	s30 =	sand.u32 $0x7C00, s15;
	s17 =	sshrl.u32 s29, $0x2;
	v3 =	vld [tilespmem:$0xF500]  }
0x50: {  	s31 =	sand.u32 $0x70, s15;
	v14 =	vld [tilespmem:$0xE980];
	s18 =	sadd.s32 s30, s17  }
0x51: {  	v12 =	vld [tilespmem:$0xED80];
	s18 =	sadd.s32 s31, s18  }
0x52: {  	v26 =	vld [tilespmem:s18+$0x180]  }
0x53: {  	v4 =	vld [tilespmem:$0xF580]  }
0x54: {  	v22 =	vld [tilespmem:s18+$0x0]  }
0x55: {  	v24 =	vld [tilespmem:s18+$0x80]  }
0x56: {  	v25 =	vld [tilespmem:s18+$0x100]  }
0x57: {  	v11 =	vld [tilespmem:$0xF180];
	v10 =	vmin.f32 v1, v26  }
0x58: {  	v28 =	vld [tilespmem:$0xF600];
	v16 =	vmin.f32 v2, v10  }
0x59: {  	v13 =	vmin.f32 v3, v16  }
0x5a: {  	v30 =	vmovc v19;
	v33 =	vmov v17;
	v27 =	vmax.f32 v6, v22;
	v29 =	vmin.f32 v4, v13  }
0x5b: {  	v7 =	vld [tilespmem:$0xEA00];
	v34 =	vmovc v18;
	v21 =	vmax.f32 v20, v24;
	v35 =	vmin.f32 v6, v22;
	v22 =	vmax.f32 v23, v25  }
0x5c: {  	v5 =	vld [tilespmem:$0xEE00];
	s18 =	simm.s32 $0x80;
	v31 =	vmovc v8;
	v36 =	vmin.f32 v20, v24;
	v37 =	vmin.f32 v23, v25;
	v23 =	vmovc v14;
	v24 =	vmov v12  }
0x5d: {  	s20 =	simm.s32 $0x10;
	s19 =	simm.s32 $0x20;
	s21 =	sand.u32 $0x7C00, s18;
	v6 =	vld [tilespmem:$0xF200];
	v25 =	vmovc v11;
	v32 =	vmovc v27;
	v20 =	vmax.f32 v28, v29;
	v28 =	vmov v9;
	v29 =	vmov v15  }
.LBB2_4:
0x5e: {  	p1 =	sne.s32 s19, $0xC70;
	v19 =	vmax.f32 v19, v35  }
0x5f: {  	s22 =	sand.u32 $0x70, s20;
	s21 =	sadd.s32 s21, s17;
	v17 =	vmax.f32 v17, v36;
	v18 =	vmax.f32 v18, v37;
	v38 =	vmovc v21;
	v39 =	vmov v22;
	s20 =	smov.u32 s19  }
0x60: {  	v35 =	vmin.f32 v30, v35;
	v36 =	vmin.f32 v33, v36;
	v41 =	vmin.f32 v34, v37;
	s21 =	sadd.s32 s22, s21;
	v30 =	vmovc v19  }
0x61: {  	v9 =	vmax.f32 v9, v35;
	v15 =	vmax.f32 v15, v36;
	v8 =	vmax.f32 v8, v41;
	v33 =	vmovc v17;
	v37 =	vld [tilespmem:s21+$0x180]  }
0x62: {  	v35 =	vmin.f32 v28, v35;
	v42 =	vmin.f32 v29, v36;
	v31 =	vmin.f32 v31, v41;
	v34 =	vmovc v18;
	v40 =	vld [tilespmem:s21+$0x0]  }
0x63: {  	v14 =	vmax.f32 v14, v35;
	v12 =	vmax.f32 v12, v42;
	v11 =	vmax.f32 v11, v31;
	v28 =	vmovc v9;
	v36 =	vld [tilespmem:s21+$0x80]  }
0x64: {  	v23 =	vmin.f32 v23, v35;
	v24 =	vmin.f32 v24, v42;
	v25 =	vmin.f32 v25, v31;
	v29 =	vmovc v15;
	v41 =	vld [tilespmem:s21+$0x100]  }
0x65: {  	v1 =	vmax.f32 v1, v26;
	v7 =	vmax.f32 v7, v23;
	v5 =	vmax.f32 v5, v24;
	v31 =	vmovc v8  }
.Ltmp0:
0x66: {  	v2 =	vmax.f32 v2, v10;
	v6 =	vmax.f32 v6, v25;
	v10 =	vmin.f32 v1, v37;
	v26 =	vmovc v37;
	(pc) =	sbr.rel @p1 .LBB2_4-.Ltmp0, $4  }
0x67: {  	v3 =	vmax.f32 v3, v16;
	v23 =	vmovc v14;
	v27 =	vmax.f32 v27, v40;
	v16 =	vmin.f32 v2, v10  }
0x68: {  	v4 =	vmax.f32 v4, v13;
	v24 =	vmovc v12;
	v21 =	vmax.f32 v21, v36;
	v13 =	vmin.f32 v3, v16  }
0x69: {  	s18 =	sadd.s32 $0x80, s18;
	v25 =	vmovc v11;
	v35 =	vmin.f32 v32, v40;
	v22 =	vmax.f32 v22, v41;
	v40 =	vmin.f32 v4, v13  }
0x6a: {  	s19 =	sadd.s32 $0x10, s19;
	s21 =	sand.u32 $0x7C00, s18;
	v36 =	vmin.f32 v38, v36;
	v32 =	vmovc v27;
	v37 =	vmin.f32 v39, v41;
	v20 =	vmax.f32 v20, v40  }
0x6b: {  	s18 =	sand.u32 $0x70, s20;
	s19 =	sadd.s32 s21, s17  }
0x6c: {  	s18 =	sadd.s32 s18, s19  }
0x6d: {  	v38 =	vld [tilespmem:s18+$0x0]  }
0x6e: {  	v39 =	vld [tilespmem:s18+$0x80]  }
0x6f: {  	v40 =	vld [tilespmem:s18+$0x100]  }
0x70: {  	v41 =	vmax.f32 v19, v35;
	v42 =	vld [tilespmem:s18+$0x180]  }
0x71: {  	v43 =	vmax.f32 v17, v36;
	v44 =	vmax.f32 v18, v37;
	v30 =	vmin.f32 v30, v35  }
0x72: {  	v33 =	vmin.f32 v33, v36;
	v34 =	vmin.f32 v34, v37;
	v18 =	vmax.f32 v27, v38  }
0x73: {  	v62 =	vmax.f32 v15, v33;
	v63 =	vmax.f32 v8, v34;
	v17 =	vmax.f32 v21, v39;
	[tilespmem:$0xE800] =	vst v18  }
0x74: {  	v15 =	vmax.f32 v1, v26;
	v26 =	vmin.f32 v28, v30;
	v19 =	vmax.f32 v22, v40;
	[tilespmem:$0xEC00] =	vst v17  }
0x75: {  	v52 =	vmin.f32 v29, v33;
	v28 =	vmin.f32 v32, v38;
	v1 =	vmax.f32 v15, v42;
	[tilespmem:$0xF000] =	vst v19  }
0x76: {  	v53 =	vmin.f32 v31, v34;
	v21 =	vmin.f32 v21, v39;
	v8 =	vmax.f32 v41, v28;
	[tilespmem:$0xF400] =	vst v1  }
0x77: {  	v27 =	vmax.f32 v9, v30;
	v29 =	vmin.f32 v22, v40;
	v9 =	vmax.f32 v43, v21;
	[tilespmem:$0xE880] =	vst v8  }
0x78: {  	v47 =	vld [tilespmem:$0xF800];
	v31 =	vmax.f32 v2, v10;
	v30 =	vmin.f32 v15, v42;
	v10 =	vmax.f32 v44, v29;
	[tilespmem:$0xEC80] =	vst v9  }
0x79: {  	v48 =	vld [tilespmem:$0xFC00];
	v54 =	vmax.f32 v14, v26;
	v28 =	vmin.f32 v41, v28;
	v2 =	vmax.f32 v31, v30;
	[tilespmem:$0xF080] =	vst v10  }
0x7a: {  	v49 =	vld [tilespmem:$0x10000];
	v55 =	vmax.f32 v12, v52;
	v12 =	vmin.f32 v43, v21;
	v14 =	vmax.f32 v27, v28;
	[tilespmem:$0xF480] =	vst v2  }
0x7b: {  	v59 =	vmax.f32 v3, v16;
	v36 =	vld [tilespmem:$0xF900];
	v57 =	vmin.f32 v44, v29;
	v15 =	vmax.f32 v62, v12;
	[tilespmem:$0xE900] =	vst v14  }
0x7c: {  	v61 =	vmax.f32 v4, v13;
	v37 =	vld [tilespmem:$0xFD00];
	v58 =	vmin.f32 v31, v30;
	v16 =	vmax.f32 v63, v57;
	[tilespmem:$0xED00] =	vst v15  }
0x7d: {  	v35 =	vld [tilespmem:$0x10180];
	v23 =	vmin.f32 v23, v26;
	v26 =	vmin.f32 v27, v28;
	v3 =	vmax.f32 v59, v58;
	[tilespmem:$0xF100] =	vst v16  }
0x7e: {  	v50 =	vld [tilespmem:$0x10600];
	v56 =	vmax.f32 v11, v53;
	v27 =	vmin.f32 v62, v12;
	v11 =	vmax.f32 v54, v26;
	[tilespmem:$0xF500] =	vst v3  }
0x7f: {  	v33 =	vld [tilespmem:$0xF980];
	v24 =	vmin.f32 v24, v52;
	v28 =	vmin.f32 v63, v57;
	v12 =	vmax.f32 v55, v27;
	[tilespmem:$0xE980] =	vst v11  }
0x80: {  	v34 =	vld [tilespmem:$0xFD80];
	v25 =	vmin.f32 v25, v53;
	v60 =	vmin.f32 v59, v58;
	v13 =	vmax.f32 v56, v28;
	[tilespmem:$0xED80] =	vst v12  }
0x81: {  	v7 =	vmax.f32 v7, v23;
	v22 =	vld [tilespmem:$0x10400];
	v23 =	vmin.f32 v54, v26;
	v4 =	vmax.f32 v61, v60;
	[tilespmem:$0xF180] =	vst v13  }
0x82: {  	v24 =	vmax.f32 v5, v24;
	v29 =	vld [tilespmem:$0xF880];
	v26 =	vmin.f32 v55, v27;
	v5 =	vmax.f32 v7, v23;
	[tilespmem:$0xF580] =	vst v4  }
0x83: {  	s30 =	simm.s32 $0x0;
	v30 =	vld [tilespmem:$0xFC80];
	v7 =	vmax.f32 v6, v25;
	v25 =	vmin.f32 v56, v28;
	v6 =	vmax.f32 v24, v26;
	[tilespmem:$0xEA00] =	vst v5  }
0x84: {  	s31 =	sand.u32 $0x7C00, s30;
	v31 =	vld [tilespmem:$0x10080];
	v24 =	vmin.f32 v61, v60;
	v7 =	vmax.f32 v7, v25;
	[tilespmem:$0xEE00] =	vst v6  }
0x85: {  	s18 =	sand.u32 $0x70, s30;
	s19 =	sadd.s32 s31, s17;
	v21 =	vld [tilespmem:$0x10480];
	v20 =	vmax.f32 v20, v24;
	[tilespmem:$0xF200] =	vst v7  }
0x86: {  	s18 =	sadd.s32 s18, s19;
	v23 =	vld [tilespmem:$0x10500];
	[tilespmem:$0xF600] =	vst v20  }
0x87: {  	v45 =	vld [tilespmem:s18+$0x380]  }
0x88: {  	v27 =	vld [tilespmem:s18+$0x200]  }
0x89: {  	v62 =	vld [tilespmem:s18+$0x280]  }
0x8a: {  	v63 =	vld [tilespmem:s18+$0x300]  }
0x8b: {  	v24 =	vld [tilespmem:$0x10580]  }
0x8c: {  	v38 =	vld [tilespmem:$0x10100]  }
0x8d: {  	v43 =	vmovc v33;
	v44 =	vmov v34;
	v51 =	vmov v29;
	v40 =	vmin.f32 v22, v45  }
0x8e: {  	v53 =	vmovc v30;
	v46 =	vmax.f32 v47, v27;
	v41 =	vmax.f32 v48, v62;
	v39 =	vmin.f32 v21, v40  }
0x8f: {  	v26 =	vld [tilespmem:$0xFE00];
	v54 =	vmovc v31;
	v55 =	vmin.f32 v47, v27;
	v42 =	vmax.f32 v49, v63;
	v32 =	vmin.f32 v23, v39  }
0x90: {  	v28 =	vld [tilespmem:$0x10200];
	s18 =	simm.s32 $0x80;
	v57 =	vmin.f32 v48, v62;
	v56 =	vmin.f32 v49, v63;
	v48 =	vmovc v36;
	v27 =	vmin.f32 v24, v32  }
0x91: {  	s20 =	simm.s32 $0x10;
	s19 =	simm.s32 $0x20;
	v25 =	vld [tilespmem:$0xFA00];
	s21 =	sand.u32 $0x7C00, s18;
	v49 =	vmovc v37;
	v47 =	vmovc v35;
	v52 =	vmov v46;
	v27 =	vmax.f32 v50, v27;
	v50 =	vmov v38  }
.LBB2_6:
0x92: {  	p1 =	sne.s32 s19, $0xC70;
	v29 =	vmax.f32 v29, v55  }
0x93: {  	s22 =	sand.u32 $0x70, s20;
	s21 =	sadd.s32 s21, s17;
	v30 =	vmax.f32 v30, v57;
	v31 =	vmax.f32 v31, v56;
	v58 =	vmovc v41;
	v59 =	vmov v42;
	s20 =	smov.u32 s19  }
0x94: {  	v55 =	vmin.f32 v51, v55;
	v57 =	vmin.f32 v53, v57;
	v61 =	vmin.f32 v54, v56;
	s21 =	sadd.s32 s22, s21;
	v51 =	vmovc v29  }
0x95: {  	v36 =	vmax.f32 v36, v55;
	v37 =	vmax.f32 v37, v57;
	v38 =	vmax.f32 v38, v61;
	v53 =	vmovc v30;
	v56 =	vld [tilespmem:s21+$0x380]  }
0x96: {  	v55 =	vmin.f32 v48, v55;
	v62 =	vmin.f32 v49, v57;
	v50 =	vmin.f32 v50, v61;
	v54 =	vmovc v31;
	v60 =	vld [tilespmem:s21+$0x200]  }
0x97: {  	v33 =	vmax.f32 v33, v55;
	v34 =	vmax.f32 v34, v62;
	v35 =	vmax.f32 v35, v50;
	v48 =	vmovc v36;
	v57 =	vld [tilespmem:s21+$0x280]  }
0x98: {  	v43 =	vmin.f32 v43, v55;
	v44 =	vmin.f32 v44, v62;
	v47 =	vmin.f32 v47, v50;
	v49 =	vmovc v37;
	v61 =	vld [tilespmem:s21+$0x300]  }
0x99: {  	v22 =	vmax.f32 v22, v45;
	v25 =	vmax.f32 v25, v43;
	v26 =	vmax.f32 v26, v44;
	v50 =	vmovc v38  }
.Ltmp1:
0x9a: {  	v21 =	vmax.f32 v21, v40;
	v28 =	vmax.f32 v28, v47;
	v40 =	vmin.f32 v22, v56;
	v45 =	vmovc v56;
	(pc) =	sbr.rel @p1 .LBB2_6-.Ltmp1, $4  }
0x9b: {  	v23 =	vmax.f32 v23, v39;
	v43 =	vmovc v33;
	v46 =	vmax.f32 v46, v60;
	v39 =	vmin.f32 v21, v40  }
0x9c: {  	v24 =	vmax.f32 v24, v32;
	v44 =	vmovc v34;
	v41 =	vmax.f32 v41, v57;
	v32 =	vmin.f32 v23, v39  }
0x9d: {  	s18 =	sadd.s32 $0x80, s18;
	v47 =	vmovc v35;
	v55 =	vmin.f32 v52, v60;
	v42 =	vmax.f32 v42, v61;
	v60 =	vmin.f32 v24, v32  }
0x9e: {  	s19 =	sadd.s32 $0x10, s19;
	s21 =	sand.u32 $0x7C00, s18;
	v57 =	vmin.f32 v58, v57;
	v52 =	vmovc v46;
	v56 =	vmin.f32 v59, v61;
	v27 =	vmax.f32 v27, v60  }
0x9f: {  	s18 =	sand.u32 $0x70, s20;
	s17 =	sadd.s32 s21, s17  }
0xa0: {  	s17 =	sadd.s32 s18, s17  }
0xa1: {  	v58 =	vld [tilespmem:s17+$0x200]  }
0xa2: {  	v59 =	vld [tilespmem:s17+$0x280]  }
0xa3: {  	v60 =	vld [tilespmem:s17+$0x300]  }
0xa4: {  	v61 =	vld [tilespmem:s17+$0x380]  }
0xa5: {  	v29 =	vmax.f32 v29, v55;
	v51 =	vmin.f32 v51, v55;
	v30 =	vmax.f32 v30, v57  }
0xa6: {  	v53 =	vmin.f32 v53, v57;
	v31 =	vmax.f32 v31, v56;
	v46 =	vmax.f32 v46, v58  }
0xa7: {  	v54 =	vmin.f32 v54, v56;
	v22 =	vmax.f32 v22, v45;
	v62 =	vmax.f32 v41, v59;
	[tilespmem:$0xF800] =	vst v46  }
0xa8: {  	v21 =	vmax.f32 v21, v40;
	v36 =	vmax.f32 v36, v51;
	v63 =	vmax.f32 v42, v60;
	[tilespmem:$0xFC00] =	vst v62  }
0xa9: {  	v37 =	vmax.f32 v37, v53;
	v55 =	vmin.f32 v52, v58;
	v56 =	vmax.f32 v22, v61;
	[tilespmem:$0x10000] =	vst v63  }
0xaa: {  	v38 =	vmax.f32 v38, v54;
	v58 =	vmin.f32 v41, v59;
	v59 =	vmax.f32 v29, v55;
	[tilespmem:$0x10400] =	vst v56  }
0xab: {  	v57 =	vmin.f32 v49, v53;
	v22 =	vmin.f32 v22, v61;
	v63 =	vmax.f32 v30, v58;
	[tilespmem:$0xF880] =	vst v59  }
0xac: {  	v50 =	vmin.f32 v50, v54;
	v62 =	vmin.f32 v42, v60;
	v53 =	vmax.f32 v21, v22;
	[tilespmem:$0xFC80] =	vst v63  }
0xad: {  	v34 =	vmax.f32 v34, v57;
	v29 =	vmin.f32 v29, v55;
	v52 =	vmax.f32 v31, v62;
	[tilespmem:$0x10480] =	vst v53  }
0xae: {  	v35 =	vmax.f32 v35, v50;
	v30 =	vmin.f32 v30, v58;
	v54 =	vmax.f32 v36, v29;
	[tilespmem:$0x10080] =	vst v52  }
0xaf: {  	v21 =	vmin.f32 v21, v22;
	v22 =	vmax.f32 v23, v39;
	v41 =	vmax.f32 v37, v30;
	[tilespmem:$0xF900] =	vst v54  }
0xb0: {  	v46 =	vmin.f32 v48, v51;
	v31 =	vmin.f32 v31, v62;
	v56 =	vmax.f32 v22, v21;
	[tilespmem:$0xFD00] =	vst v41  }
0xb1: {  	v58 =	vmin.f32 v47, v50;
	v30 =	vmin.f32 v37, v30;
	v23 =	vmax.f32 v38, v31;
	[tilespmem:$0x10500] =	vst v56  }
0xb2: {  	v21 =	vmin.f32 v22, v21;
	v22 =	vmax.f32 v24, v32;
	v59 =	vmax.f32 v34, v30;
	[tilespmem:$0x10100] =	vst v23  }
0xb3: {  	v33 =	vmax.f32 v33, v46;
	v29 =	vmin.f32 v36, v29;
	v32 =	vmax.f32 v22, v21;
	[tilespmem:$0xFD80] =	vst v59  }
0xb4: {  	v31 =	vmin.f32 v38, v31;
	v23 =	vmin.f32 v44, v57;
	v57 =	vmax.f32 v33, v29;
	[tilespmem:$0x10580] =	vst v32  }
0xb5: {  	p1 =	sne.s32 s16, $0x1F;
	v55 =	vmin.f32 v43, v46;
	v21 =	vmin.f32 v22, v21;
	v60 =	vmax.f32 v35, v31;
	[tilespmem:$0xF980] =	vst v57  }
.Ltmp2:
0xb6: {  	v25 =	vmax.f32 v25, v55;
	v29 =	vmin.f32 v33, v29;
	v21 =	vmax.f32 v27, v21;
	[tilespmem:$0x10180] =	vst v60;
	(pc) =	sbr.rel @p1 .LBB2_3-.Ltmp2, $4  }
0xb7: {  	v62 =	vmax.f32 v28, v58;
	v63 =	vmin.f32 v35, v31;
	v25 =	vmax.f32 v25, v29;
	[tilespmem:$0x10600] =	vst v21  }
0xb8: {  	v61 =	vmin.f32 v34, v30;
	v23 =	vmax.f32 v26, v23;
	v22 =	vmax.f32 v62, v63;
	[tilespmem:$0xFA00] =	vst v25  }
0xb9: {  	v23 =	vmax.f32 v23, v61;
	[tilespmem:$0x10200] =	vst v22  }
0xba: {  	[tilespmem:$0xFE00] =	vst v23  }
0xbb: {  	_ =	swait.ge [sflag:s9], $0x2000;
	s14 =	simm.s32 $0x0  }
0xbc: {  	[sflag:s9] =	ssyncset.done $0x0;
	s15 =	sand.u32 $0x70, s14;
	s14 =	sand.u32 $0x1C00, s14  }
0xbd: {  	[sflag:s9] =	ssyncadd.s32 $0xFFFFE000;
	s14 =	sor.u32 s15, s14  }
0xbe: {  	v27 =	vld [tilespmem:s14+$0xC980]  }
0xbf: {  	v24 =	vld [tilespmem:s14+$0xC800]  }
0xc0: {  	v25 =	vld [tilespmem:s14+$0xC880]  }
0xc1: {  	v26 =	vld [tilespmem:s14+$0xC900];
	_ =	sdelay $0x2  }
0xc2: {  	v23 =	vmin.f32 v1, v27  }
0xc3: {  	v31 =	vmovc v14;
	v30 =	vmax.f32 v18, v24;
	v28 =	vmax.f32 v17, v25;
	v37 =	vmin.f32 v18, v24  }
0xc4: {  	v32 =	vmovc v15;
	v29 =	vmax.f32 v19, v26;
	v38 =	vmin.f32 v17, v25;
	v22 =	vmin.f32 v2, v23  }
0xc5: {  	v34 =	vmovc v16;
	v39 =	vmin.f32 v19, v26;
	v25 =	vmovc v12;
	v26 =	vmov v13;
	v21 =	vmin.f32 v3, v22  }
0xc6: {  	s31 =	simm.s32 $0x10;
	s14 =	simm.s32 $0x80;
	v24 =	vmax.f32 v8, v37;
	v19 =	vmax.f32 v9, v38;
	v35 =	vmovc v30;
	v18 =	vmin.f32 v4, v21  }
0xc7: {  	s16 =	sand.u32 $0x70, s31;
	s15 =	simm.s32 $0x20;
	s17 =	sand.u32 $0x1C00, s14;
	v33 =	vmovc v28;
	v36 =	vmovc v29;
	v17 =	vmax.f32 v20, v18;
	v18 =	vmax.f32 v10, v39;
	v20 =	vmov v11  }
.LBB2_9:
0xc8: {  	v37 =	vmin.f32 v8, v37  }
0xc9: {  	p1 =	sne.s32 s15, $0x3F0;
	s16 =	sor.u32 s16, s17;
	v38 =	vmin.f32 v9, v38;
	v39 =	vmin.f32 v10, v39;
	v8 =	vmovc v24;
	v9 =	vmovc v19;
	v10 =	vmov v18  }
0xca: {  	v40 =	vld [tilespmem:s16+$0xC980];
	v14 =	vmax.f32 v14, v37;
	v15 =	vmax.f32 v15, v38;
	v16 =	vmax.f32 v16, v39  }
0xcb: {  	v37 =	vmin.f32 v31, v37;
	v38 =	vmin.f32 v32, v38;
	v43 =	vmin.f32 v34, v39;
	v41 =	vld [tilespmem:s16+$0xC800];
	v31 =	vmovc v14  }
0xcc: {  	v11 =	vmax.f32 v11, v37;
	v12 =	vmax.f32 v12, v38;
	v13 =	vmax.f32 v13, v43;
	v32 =	vmovc v15;
	v39 =	vld [tilespmem:s16+$0xC880]  }
0xcd: {  	v37 =	vmin.f32 v20, v37;
	v25 =	vmin.f32 v25, v38;
	v26 =	vmin.f32 v26, v43;
	v34 =	vmovc v16;
	v42 =	vld [tilespmem:s16+$0xC900]  }
0xce: {  	v1 =	vmax.f32 v1, v27;
	v5 =	vmax.f32 v5, v37;
	v6 =	vmax.f32 v6, v25;
	v20 =	vmovc v11  }
0xcf: {  	v2 =	vmax.f32 v2, v23;
	v7 =	vmax.f32 v7, v26;
	v23 =	vmin.f32 v1, v40;
	v27 =	vmovc v40  }
.Ltmp3:
0xd0: {  	v3 =	vmax.f32 v3, v22;
	v25 =	vmovc v12;
	v30 =	vmax.f32 v30, v41;
	v22 =	vmin.f32 v2, v23;
	(pc) =	sbr.rel @p1 .LBB2_9-.Ltmp3, $4  }
0xd1: {  	v4 =	vmax.f32 v4, v21;
	v26 =	vmovc v13;
	v28 =	vmax.f32 v28, v39;
	v21 =	vmin.f32 v3, v22  }
0xd2: {  	v37 =	vmin.f32 v35, v41;
	v35 =	vmovc v30;
	v29 =	vmax.f32 v29, v42;
	v40 =	vmin.f32 v4, v21  }
0xd3: {  	s14 =	sadd.s32 $0x80, s14;
	v38 =	vmin.f32 v33, v39;
	v39 =	vmin.f32 v36, v42;
	v33 =	vmovc v28;
	v17 =	vmax.f32 v17, v40  }
0xd4: {  	s17 =	sand.u32 $0x1C00, s14;
	s16 =	sand.u32 $0x70, s15;
	s15 =	sadd.s32 $0x10, s15;
	v24 =	vmax.f32 v24, v37;
	v19 =	vmax.f32 v19, v38;
	v18 =	vmax.f32 v18, v39;
	v36 =	vmovc v29  }
0xd5: {  	s14 =	sor.u32 s16, s17  }
0xd6: {  	v40 =	vld [tilespmem:s14+$0xC800]  }
0xd7: {  	v41 =	vld [tilespmem:s14+$0xC880]  }
0xd8: {  	v42 =	vld [tilespmem:s14+$0xC900]  }
0xd9: {  	v43 =	vld [tilespmem:s14+$0xC980];
	[tilespmem:$0x10850] =	vst v0  }
0xda: {  	[tilespmem:$0x108D0] =	vst v0  }
0xdb: {  	[tilespmem:$0x10950] =	vst v0  }
0xdc: {  	[tilespmem:$0x109D0] =	vst v0  }
0xdd: {  	v8 =	vmin.f32 v8, v37;
	[tilespmem:$0x10860] =	vst v0  }
0xde: {  	v9 =	vmin.f32 v9, v38;
	v10 =	vmin.f32 v10, v39;
	v1 =	vmax.f32 v1, v27;
	[tilespmem:$0x108E0] =	vst v0  }
0xdf: {  	v2 =	vmax.f32 v2, v23;
	v14 =	vmax.f32 v14, v8;
	v15 =	vmax.f32 v15, v9;
	[tilespmem:$0x10960] =	vst v0  }
0xe0: {  	v16 =	vmax.f32 v16, v10;
	v8 =	vmin.f32 v31, v8;
	v9 =	vmin.f32 v32, v9;
	[tilespmem:$0x109E0] =	vst v0  }
0xe1: {  	v10 =	vmin.f32 v34, v10;
	[tilespmem:$0x10870] =	vst v0;
	v11 =	vmax.f32 v11, v8;
	v30 =	vmax.f32 v30, v40  }
0xe2: {  	v12 =	vmax.f32 v12, v9;
	v8 =	vmin.f32 v20, v8;
	v28 =	vmax.f32 v28, v41;
	[tilespmem:$0x10800] =	vst v30  }
0xe3: {  	v13 =	vmax.f32 v13, v10;
	v5 =	vmax.f32 v5, v8;
	v27 =	vmax.f32 v29, v42;
	[tilespmem:$0x10880] =	vst v28  }
0xe4: {  	v29 =	vmax.f32 v1, v43;
	v1 =	vmin.f32 v1, v43;
	v28 =	vmin.f32 v35, v40;
	[tilespmem:$0x10900] =	vst v27  }
0xe5: {  	v27 =	vmin.f32 v33, v41;
	[tilespmem:$0x10980] =	vst v29;
	v29 =	vmin.f32 v36, v42;
	v30 =	vmax.f32 v24, v28  }
0xe6: {  	[tilespmem:$0x108F0] =	vst v0;
	v31 =	vmax.f32 v19, v27;
	v23 =	vmax.f32 v18, v29;
	v24 =	vmin.f32 v24, v28  }
0xe7: {  	[tilespmem:$0x10970] =	vst v0;
	v28 =	vmax.f32 v2, v1;
	v19 =	vmin.f32 v19, v27;
	v18 =	vmin.f32 v18, v29  }
0xe8: {  	v1 =	vmin.f32 v2, v1;
	v2 =	vmax.f32 v3, v22;
	[tilespmem:$0x10910] =	vst v23;
	v23 =	vmax.f32 v14, v24  }
0xe9: {  	[tilespmem:$0x109F0] =	vst v0;
	v27 =	vmax.f32 v15, v19;
	v3 =	vmax.f32 v16, v18;
	v14 =	vmin.f32 v14, v24  }
0xea: {  	[tilespmem:$0x10810] =	vst v30;
	v20 =	vmax.f32 v2, v1;
	v16 =	vmin.f32 v16, v18;
	v1 =	vmin.f32 v2, v1  }
0xeb: {  	v2 =	vmax.f32 v4, v21;
	v24 =	vld [tilespmem:$0x10600];
	[tilespmem:$0x10920] =	vst v3;
	v3 =	vmin.f32 v25, v9;
	v9 =	vmin.f32 v15, v19  }
0xec: {  	[tilespmem:$0x10890] =	vst v31;
	v15 =	vmax.f32 v11, v14;
	v8 =	vmin.f32 v11, v14;
	v11 =	vmax.f32 v2, v1;
	v14 =	vld [tilespmem:$0xF880]  }
0xed: {  	v10 =	vmin.f32 v26, v10;
	v4 =	vmax.f32 v13, v16;
	[tilespmem:$0x109B0] =	vst v11;
	v11 =	vld [tilespmem:$0x10400]  }
0xee: {  	[tilespmem:$0x10990] =	vst v28;
	v3 =	vmax.f32 v6, v3;
	v6 =	vmax.f32 v7, v10;
	v7 =	vmin.f32 v13, v16;
	v16 =	vld [tilespmem:$0xFC80]  }
0xef: {  	v1 =	vmin.f32 v2, v1;
	[tilespmem:$0x10830] =	vst v15;
	v15 =	vld [tilespmem:$0xF900]  }
0xf0: {  	[tilespmem:$0x10820] =	vst v23;
	v1 =	vmax.f32 v17, v1;
	v17 =	vld [tilespmem:$0xFD00]  }
0xf1: {  	[tilespmem:$0x108A0] =	vst v27;
	v10 =	vld [tilespmem:$0xF980]  }
0xf2: {  	v18 =	vmax.f32 v12, v9;
	[tilespmem:$0x10930] =	vst v4;
	v4 =	vmin.f32 v12, v9;
	v9 =	vld [tilespmem:$0xFD80]  }
0xf3: {  	[tilespmem:$0x109A0] =	vst v20;
	v5 =	vmax.f32 v5, v8;
	v13 =	vld [tilespmem:$0x10180]  }
0xf4: {  	[tilespmem:$0x10840] =	vst v5;
	v5 =	vld [tilespmem:$0xF800]  }
0xf5: {  	[tilespmem:$0x108B0] =	vst v18;
	v2 =	vmax.f32 v6, v7;
	v7 =	vld [tilespmem:$0x10000]  }
0xf6: {  	s29 =	simm.s32 $0x0;
	v3 =	vmax.f32 v3, v4;
	[tilespmem:$0x109C0] =	vst v1;
	v6 =	vld [tilespmem:$0x10480]  }
0xf7: {  	s15 =	sor.u32 s29, s29;
	v18 =	vld [tilespmem:$0x10100];
	[tilespmem:$0x108C0] =	vst v3  }
0xf8: {  	s30 =	sand.u32 $0x70, s29;
	s14 =	sand.u32 $0x1C00, s29;
	s15 =	sor.u32 $0x380, s15;
	[tilespmem:$0x10940] =	vst v2;
	v2 =	vld [tilespmem:$0xFC00]  }
0xf9: {  	s14 =	sor.u32 s30, s14;
	v25 =	vld [tilespmem:s15+$0xC800]  }
0xfa: {  	v21 =	vld [tilespmem:s14+$0xCA00]  }
0xfb: {  	v22 =	vld [tilespmem:s14+$0xCA80]  }
0xfc: {  	v23 =	vld [tilespmem:s14+$0xCB00]  }
0xfd: {  	v3 =	vld [tilespmem:$0x10500]  }
0xfe: {  	v1 =	vld [tilespmem:$0x10580]  }
0xff: {  	v19 =	vld [tilespmem:$0x10080];
	v31 =	vmov v15;
	v32 =	vmov v17  }
0x100: {  	v26 =	vmovc v9;
	v20 =	vmin.f32 v11, v25;
	v30 =	vmax.f32 v5, v21;
	v27 =	vmax.f32 v2, v22  }
0x101: {  	v28 =	vmovc v13;
	v37 =	vmin.f32 v5, v21;
	v29 =	vmax.f32 v7, v23;
	v12 =	vmin.f32 v6, v20  }
0x102: {  	s31 =	simm.s32 $0x10;
	v4 =	vld [tilespmem:$0xFA00];
	v34 =	vmovc v18;
	v38 =	vmin.f32 v2, v22;
	v39 =	vmin.f32 v7, v23;
	v8 =	vmin.f32 v3, v12  }
0x103: {  	s16 =	sand.u32 $0x70, s31;
	s14 =	simm.s32 $0x80;
	v5 =	vld [tilespmem:$0xFE00];
	v23 =	vmovc v10;
	v22 =	vmax.f32 v16, v38;
	v35 =	vmovc v30;
	v33 =	vmov v27;
	v21 =	vmin.f32 v1, v8  }
0x104: {  	s15 =	simm.s32 $0x20;
	s18 =	sand.u32 $0x1C00, s14;
	s17 =	sor.u32 s14, s31;
	v7 =	vld [tilespmem:$0x10200];
	v36 =	vmovc v29;
	v2 =	vmax.f32 v24, v21;
	v24 =	vmax.f32 v14, v37;
	v21 =	vmax.f32 v19, v39  }
.LBB2_11:
0x105: {  	v37 =	vmin.f32 v14, v37  }
0x106: {  	p1 =	sne.s32 s15, $0x3F0;
	s16 =	sor.u32 s16, s18;
	s17 =	sor.u32 $0x380, s17;
	v38 =	vmin.f32 v16, v38;
	v39 =	vmin.f32 v19, v39;
	v14 =	vmovc v24;
	v16 =	vmovc v22;
	v19 =	vmov v21  }
0x107: {  	v40 =	vld [tilespmem:s17+$0xC800];
	v15 =	vmax.f32 v15, v37;
	v17 =	vmax.f32 v17, v38;
	v18 =	vmax.f32 v18, v39  }
0x108: {  	v37 =	vmin.f32 v31, v37;
	v38 =	vmin.f32 v32, v38;
	v43 =	vmin.f32 v34, v39;
	v41 =	vld [tilespmem:s16+$0xCA00];
	v31 =	vmovc v15  }
0x109: {  	v10 =	vmax.f32 v10, v37;
	v9 =	vmax.f32 v9, v38;
	v13 =	vmax.f32 v13, v43;
	v32 =	vmovc v17;
	v39 =	vld [tilespmem:s16+$0xCA80]  }
0x10a: {  	v37 =	vmin.f32 v23, v37;
	v26 =	vmin.f32 v26, v38;
	v28 =	vmin.f32 v28, v43;
	v34 =	vmovc v18;
	v42 =	vld [tilespmem:s16+$0xCB00]  }
0x10b: {  	v11 =	vmax.f32 v11, v25;
	v4 =	vmax.f32 v4, v37;
	v5 =	vmax.f32 v5, v26;
	v23 =	vmovc v10  }
0x10c: {  	v6 =	vmax.f32 v6, v20;
	v7 =	vmax.f32 v7, v28;
	v20 =	vmin.f32 v11, v40;
	v25 =	vmovc v40  }
.Ltmp4:
0x10d: {  	v3 =	vmax.f32 v3, v12;
	v26 =	vmovc v9;
	v30 =	vmax.f32 v30, v41;
	v12 =	vmin.f32 v6, v20;
	(pc) =	sbr.rel @p1 .LBB2_11-.Ltmp4, $4  }
0x10e: {  	v1 =	vmax.f32 v1, v8;
	v28 =	vmovc v13;
	v27 =	vmax.f32 v27, v39;
	v8 =	vmin.f32 v3, v12  }
0x10f: {  	v37 =	vmin.f32 v35, v41;
	v35 =	vmovc v30;
	v29 =	vmax.f32 v29, v42;
	v40 =	vmin.f32 v1, v8  }
0x110: {  	s14 =	sadd.s32 $0x80, s14;
	s16 =	sand.u32 $0x70, s15;
	v38 =	vmin.f32 v33, v39;
	v39 =	vmin.f32 v36, v42;
	v33 =	vmovc v27;
	v2 =	vmax.f32 v2, v40  }
0x111: {  	s18 =	sand.u32 $0x1C00, s14;
	s17 =	sor.u32 s14, s15;
	s15 =	sadd.s32 $0x10, s15;
	v24 =	vmax.f32 v24, v37;
	v22 =	vmax.f32 v22, v38;
	v21 =	vmax.f32 v21, v39;
	v36 =	vmovc v29  }
0x112: {  	s14 =	sor.u32 s16, s18  }
0x113: {  	v40 =	vld [tilespmem:s14+$0xCA00]  }
0x114: {  	v41 =	vld [tilespmem:s14+$0xCA80]  }
0x115: {  	s15 =	sor.u32 $0x380, s17;
	v42 =	vld [tilespmem:s14+$0xCB00]  }
0x116: {  	v43 =	vld [tilespmem:s15+$0xC800];
	[tilespmem:$0x10A50] =	vst v0  }
0x117: {  	[tilespmem:$0x10AD0] =	vst v0  }
0x118: {  	[tilespmem:$0x10B50] =	vst v0  }
0x119: {  	[tilespmem:$0x10BD0] =	vst v0  }
0x11a: {  	[tilespmem:$0x10A60] =	vst v0  }
0x11b: {  	[tilespmem:$0x10AE0] =	vst v0  }
0x11c: {  	[tilespmem:$0x10B60] =	vst v0  }
0x11d: {  	[tilespmem:$0x10BE0] =	vst v0  }
0x11e: {  	[tilespmem:$0x10A70] =	vst v0  }
0x11f: {  	[tilespmem:$0x10AF0] =	vst v0  }
0x120: {  	v14 =	vmin.f32 v14, v37;
	[tilespmem:$0x10B70] =	vst v0  }
0x121: {  	v16 =	vmin.f32 v16, v38;
	v19 =	vmin.f32 v19, v39;
	[tilespmem:$0x10BF0] =	vst v0;
	v30 =	vmax.f32 v30, v40  }
0x122: {  	v11 =	vmax.f32 v11, v25;
	v6 =	vmax.f32 v6, v20;
	v27 =	vmax.f32 v27, v41;
	[tilespmem:$0x10A00] =	vst v30  }
0x123: {  	v3 =	vmax.f32 v3, v12;
	v1 =	vmax.f32 v1, v8;
	v63 =	vmax.f32 v29, v42;
	[tilespmem:$0x10A80] =	vst v27  }
0x124: {  	v15 =	vmax.f32 v15, v14;
	v37 =	vmin.f32 v35, v40;
	v38 =	vmax.f32 v11, v43;
	[tilespmem:$0x10B00] =	vst v63  }
0x125: {  	v17 =	vmax.f32 v17, v16;
	v39 =	vmin.f32 v33, v41;
	v40 =	vmax.f32 v24, v37;
	[tilespmem:$0x10B80] =	vst v38  }
0x126: {  	v18 =	vmax.f32 v18, v19;
	v41 =	vmin.f32 v36, v42;
	v42 =	vmax.f32 v22, v39;
	[tilespmem:$0x10A10] =	vst v40  }
0x127: {  	v14 =	vmin.f32 v31, v14;
	v11 =	vmin.f32 v11, v43;
	v44 =	vmax.f32 v21, v41;
	[tilespmem:$0x10A90] =	vst v42  }
0x128: {  	v16 =	vmin.f32 v32, v16;
	v45 =	vmin.f32 v24, v37;
	v46 =	vmax.f32 v6, v11;
	[tilespmem:$0x10B10] =	vst v44  }
0x129: {  	v19 =	vmin.f32 v34, v19;
	v47 =	vmin.f32 v22, v39;
	v48 =	vmax.f32 v15, v45;
	[tilespmem:$0x10B90] =	vst v46  }
0x12a: {  	v10 =	vmax.f32 v10, v14;
	v49 =	vmin.f32 v21, v41;
	v25 =	vmax.f32 v17, v47;
	[tilespmem:$0x10A20] =	vst v48  }
0x12b: {  	v9 =	vmax.f32 v9, v16;
	v6 =	vmin.f32 v6, v11;
	v50 =	vmax.f32 v18, v49;
	[tilespmem:$0x10AA0] =	vst v25  }
0x12c: {  	v13 =	vmax.f32 v13, v19;
	v52 =	vmin.f32 v15, v45;
	v53 =	vmax.f32 v3, v6;
	[tilespmem:$0x10B20] =	vst v50  }
0x12d: {  	v51 =	vmin.f32 v23, v14;
	v55 =	vmin.f32 v17, v47;
	v56 =	vmax.f32 v10, v52;
	[tilespmem:$0x10BA0] =	vst v53  }
0x12e: {  	v54 =	vmin.f32 v26, v16;
	v18 =	vmin.f32 v18, v49;
	v58 =	vmax.f32 v9, v55;
	[tilespmem:$0x10A30] =	vst v56  }
0x12f: {  	v57 =	vmin.f32 v28, v19;
	v3 =	vmin.f32 v3, v6;
	v59 =	vmax.f32 v13, v18;
	[tilespmem:$0x10AB0] =	vst v58  }
0x130: {  	v4 =	vmax.f32 v4, v51;
	v60 =	vmin.f32 v10, v52;
	v61 =	vmax.f32 v1, v3;
	[tilespmem:$0x10B30] =	vst v59  }
0x131: {  	v5 =	vmax.f32 v5, v54;
	v62 =	vmin.f32 v9, v55;
	v4 =	vmax.f32 v4, v60;
	[tilespmem:$0x10BB0] =	vst v61  }
0x132: {  	v7 =	vmax.f32 v7, v57;
	v63 =	vmin.f32 v13, v18;
	v5 =	vmax.f32 v5, v62;
	[tilespmem:$0x10A40] =	vst v4  }
0x133: {  	v1 =	vmin.f32 v1, v3;
	v3 =	vmax.f32 v7, v63;
	[tilespmem:$0x10AC0] =	vst v5  }
0x134: {  	s13 =	sshll.u32 s13, $0x7;
	v1 =	vmax.f32 v2, v1;
	[tilespmem:$0x10B40] =	vst v3  }
.Ltmp5:
0x135: {  	s13 =	sadd.s32 s5, s13;
	[tilespmem:$0x10BC0] =	vst v1;
	(pc) =	sbr.rel @p0 .LBB2_2-.Ltmp5, $4  }
0x136: {  	[hbm4b:s13+s1] =	stream.linear.scatter [tilespmem:s10], [sflag:$0x4], $0x400, $0x38;
	[tilespmem:$0x10C00] =	vst v63  }
0x137: {  	_ =	swait.ge [sflag:s11], $0x400  }
0x138: {  	[sflag:s11] =	ssyncset.done $0x0  }
0x139: {  	p1 =	por $0x0, $0x0;
	s13 =	simm.s32 $0x1;
	[sflag:s11] =	ssyncadd.s32 $0xFFFFFC00  }
0x13a: {  	s12 =	sadd.s32 $0x1, s12  }
0x13b: {  	p0 =	sne.s32 s12, s7  }
.Ltmp6:
0x13c: {  	_ = 	snop;
	(pc) =	sbr.rel @p0 .LBB2_1-.Ltmp6, $1  }
0x13d: {  	_ =	sdelay $0x3  }
0x13e: {  	_ =	sfence.sel $0x180000  }
0x13f: {  	[bflag:$0x0] =	sbarrier.arrive $0xFFFF  }
0x140: {  	p0 =	sne.s32 s2, $0x0;
	_ =	strace $0x90000047  }
0x141: {  	s0 =	sadd.s32 @!p0 $0x100000, s0;
	[bflag:$0x2] =	sbarrier.arrive $0xFFFF  }
0x142: {  	[sflag:s0] =	ssyncadd.tile.s32 @!p0 $0x1;
	_ =	shalt  }
.Lfunc_end2:
_tile_overlayer_lowered:
.L_overlay_start_2:
0x143: {  	(tag) =	ssettag $0x2  }
0x144: {  	s0 =	rddreg [dreg:$0x0];
	s2 =	stileid.u32  }
0x145: {  	s1 =	rddreg [dreg:$0x1];
	p0 =	sne.s32 s2, $0x0  }
0x146: {  	s3 =	rddreg [dreg:$0x2];
	[bflag:$0x3] =	sbarrier.arrive $0xFFFF;
	s2 =	simm.s32 @!p0 $0x1C04  }
0x147: {  	[timem:s3], [sflag:s2] =	dma.local @!p0 [hbm:s0], s1  }
0x148: {  	s0 =	simm.s32 @!p0 $0x4  }
0x149: {  	_ =	swait.ge @!p0 [sflag:s0], s1  }
0x14a: {  	s1 =	ssub.s32 @!p0 $0x0, s1;
	[sflag:s0] =	ssyncset.done @!p0 $0x0  }
0x14b: {  	[sflag:s0] =	ssyncadd.s32 @!p0 s1  }
0x14c: {  	[bflag:$0x3] =	sbarrier.arrive $0xFFFF  }
0x14d: {  	_ =	shalt  }

</sc_bundles>
